<compile_context>
chip_gen: v7x
topology: tpu7x:2x2x1
jax: 0.10.2.dev20260603
libtpu: 0.0.44.dev20260713+nightly
codegen_flags: <defaults>
</compile_context>

<pallas_src>
import jax
import jax.numpy as jnp
from jax import lax
from jax.experimental import pallas as pl
from jax.experimental.pallas import tpu as pltpu
from jax.experimental.pallas import tpu_sc as plsc

B, N = 16384, 1000
NW = 32
ROWS_PER_W = B // NW
CHUNK = 16
NCHUNK = ROWS_PER_W // CHUNK
NPAIR = NCHUNK // 2
NFULL = 62
LAST = 992
INF_KEY = 0x7F800000


def _sortkey(v):
    b = lax.bitcast_convert_type(v, jnp.int32)
    return jnp.where(b < 0, b ^ 0x7FFFFFFF, b)


def _sc_kernel(x_hbm, g_hbm, out_hbm,
               xb0, gb0, ob0, xb1, gb1, ob1,
               sx0, sg0, so0, sx1, sg1, so1):
    wid = lax.axis_index("c") * 16 + lax.axis_index("s")
    base = wid * ROWS_PER_W
    lanes = lax.iota(jnp.int32, 16)
    zeros = jnp.zeros((16,), jnp.float32)
    neginf = jnp.full((16,), -jnp.inf, jnp.float32)

    c896 = pl.multiple_of(wid * 0 + 896, 128)

    NRG = CHUNK // 8

    def _io(hbm, buf, sem, rowbase, to_vmem):
        for rg in range(NRG):
            hs = pl.ds(rowbase + rg * 8, 8)
            vs = pl.ds(rg * 8, 8)
            pairs = [
                (hbm.at[hs, pl.ds(0, 896)], buf.at[vs, pl.ds(0, 896)]),
                (hbm.at[hs, pl.ds(c896, 128)], buf.at[vs, pl.ds(896, 128)]),
            ]
            for h, v in pairs:
                if to_vmem:
                    pltpu.async_copy(h, v, sem)
                else:
                    pltpu.async_copy(v, h, sem)

    def _io_wait(hbm, buf, sem, to_vmem):
        for rg in range(NRG):
            hs = pl.ds(base + rg * 8, 8)
            vs = pl.ds(rg * 8, 8)
            pairs = [
                (hbm.at[hs, pl.ds(0, 896)], buf.at[vs, pl.ds(0, 896)]),
                (hbm.at[hs, pl.ds(c896, 128)], buf.at[vs, pl.ds(896, 128)]),
            ]
            for h, v in pairs:
                if to_vmem:
                    pltpu.make_async_copy(h, v, sem).wait()
                else:
                    pltpu.make_async_copy(v, h, sem).wait()

    def start_in(ci, xb, gb, sx, sg):
        rowbase = base + ci * CHUNK
        _io(x_hbm, xb, sx, rowbase, True)
        _io(g_hbm, gb, sg, rowbase, True)

    def wait_in(xb, gb, sx, sg):
        _io_wait(x_hbm, xb, sx, True)
        _io_wait(g_hbm, gb, sg, True)

    def start_out(ci, ob, so):
        rowbase = base + ci * CHUNK
        _io(out_hbm, ob, so, rowbase, False)

    def wait_out(ob, so):
        _io_wait(out_hbm, ob, so, False)

    def compute(ci, xb, gb, ob):
        def _zero_row(r, _):
            def _zero_col(j, _):
                ob[r, pl.ds(pl.multiple_of(j * 16, 16), 16)] = zeros
                return 0
            return lax.fori_loop(0, NFULL + 1, _zero_col, 0, unroll=8)
        lax.fori_loop(0, CHUNK, _zero_row, 0)

        def _row(r, _):
            def _col(j, carry):
                maxv, maxo = carry
                off = j * 16
                z = xb[r, pl.ds(pl.multiple_of(off, 16), 16)] + gb[r, pl.ds(pl.multiple_of(off, 16), 16)]
                upd = z > maxv
                return jnp.where(upd, z, maxv), jnp.where(upd, off, maxo)

            carry = (neginf, jnp.zeros((16,), jnp.int32))
            maxv, maxo = lax.fori_loop(0, NFULL, _col, carry, unroll=8)
            last = pl.multiple_of(r * 0 + LAST, 16)
            zt = xb[r, pl.ds(last, 16)] + gb[r, pl.ds(last, 16)]
            zt = jnp.where(lanes < N - LAST, zt, neginf)
            updt = zt > maxv
            maxv = jnp.where(updt, zt, maxv)
            maxo = jnp.where(updt, LAST, maxo)

            kv = _sortkey(maxv)
            iv = maxo + lanes
            bestk = kv[0]
            besti = iv[0]
            for k in range(1, 16):
                kk = kv[k]
                ik = iv[k]
                better = (kk > bestk) | ((kk == bestk) & (ik < besti))
                bestk = jnp.where(better, kk, bestk)
                besti = jnp.where(better, ik, besti)

            validf = jnp.where(bestk != INF_KEY, jnp.float32(1.0), 0.0)
            off = pl.multiple_of((besti >> 4) << 4, 16)
            lanepos = besti - off
            onehot = jnp.where(lanes == lanepos, validf, 0.0)
            ob[r, pl.ds(off, 16)] = onehot
            return 0

        lax.fori_loop(0, CHUNK, _row, 0)

        @pl.when(jnp.logical_and(wid == 0, ci == 0))
        def _set01():
            v = ob[0, pl.ds(0, 16)]
            ob[0, pl.ds(0, 16)] = jnp.where(lanes == 1, 1.0, v)

    start_in(0, xb0, gb0, sx0, sg0)

    def _pair(i, _):
        c0 = 2 * i
        c1 = c0 + 1
        start_in(c1, xb1, gb1, sx1, sg1)
        wait_in(xb0, gb0, sx0, sg0)

        @pl.when(i > 0)
        def _w0():
            wait_out(ob0, so0)

        compute(c0, xb0, gb0, ob0)
        start_out(c0, ob0, so0)

        @pl.when(i < NPAIR - 1)
        def _pf():
            start_in(c0 + 2, xb0, gb0, sx0, sg0)

        wait_in(xb1, gb1, sx1, sg1)

        @pl.when(i > 0)
        def _w1():
            wait_out(ob1, so1)

        compute(c1, xb1, gb1, ob1)
        start_out(c1, ob1, so1)
        return 0

    lax.fori_loop(0, NPAIR, _pair, 0)
    wait_out(ob0, so0)
    wait_out(ob1, so1)


def kernel(x, gumbels):
    mesh = plsc.VectorSubcoreMesh(core_axis_name="c", subcore_axis_name="s")
    f = pl.kernel(
        _sc_kernel,
        mesh=mesh,
        compiler_params=pltpu.CompilerParams(use_tc_tiling_on_sc=True),
        out_type=jax.ShapeDtypeStruct((B, N), jnp.float32),
        scratch_types=[
            pltpu.VMEM((CHUNK, 1024), jnp.float32),
            pltpu.VMEM((CHUNK, 1024), jnp.float32),
            pltpu.VMEM((CHUNK, 1024), jnp.float32),
            pltpu.VMEM((CHUNK, 1024), jnp.float32),
            pltpu.VMEM((CHUNK, 1024), jnp.float32),
            pltpu.VMEM((CHUNK, 1024), jnp.float32),
            pltpu.SemaphoreType.DMA,
            pltpu.SemaphoreType.DMA,
            pltpu.SemaphoreType.DMA,
            pltpu.SemaphoreType.DMA,
            pltpu.SemaphoreType.DMA,
            pltpu.SemaphoreType.DMA,
        ],
    )
    return f(x, gumbels)

# --- scband reference (transcript-rebuilt; emitter-appended) ---
"""Pipeline reference for scband-model-11879879543204 (READ-ONLY COPY).

The authoritative reference and input builder live on the scoring server;
editing this copy changes nothing except your own understanding.
"""

import jax, jax.numpy as jnp
import numpy as np

B = 16384
N = 1000
TAU = 1.0

def setup_inputs(seed: int = 0) -> dict:
    key = jax.random.key(seed)
    kx, kg = jax.random.split(key)
    x = jax.random.normal(kx, (B, N), dtype=jnp.float32)
    # Gumbel(0,1) noise, same distribution as torch's -Exp(1).log()
    gumbels = -jnp.log(jax.random.exponential(kg, (B, N), dtype=jnp.float32))
    return {"x": x, "gumbels": gumbels}

def reference(x, gumbels):
    # F.gumbel_softmax(x, tau=1.0, hard=True)
    y_soft = jax.nn.softmax((x + gumbels) / TAU, axis=1)
    idx = jnp.argmax(y_soft, axis=1)
    y_hard = jax.nn.one_hot(idx, y_soft.shape[1], dtype=y_soft.dtype)
    ret = y_hard - jax.lax.stop_gradient(y_soft) + y_soft  # straight-through
    # torch.where(x > 0.5, x, zeros)
    out = jnp.where(ret > 0.5, ret, jnp.zeros_like(ret))
    # torch.scatter(out, dim=1, index=ones(1,2), src=ones_like(out))
    index = jnp.ones((1, 2), dtype=jnp.int32)
    rows = jnp.broadcast_to(jnp.arange(1)[:, None], (1, 2))
    src = jnp.ones((1, 2), dtype=out.dtype)
    out = out.at[rows, index].set(src)
    return out

if __name__ == "__main__":
    import jax
    _d = setup_inputs()
    print(jax.jit(kernel)(*tuple(_d.values())))

</pallas_src>

<mosaic_0001>
#map = affine_map<(d0, d1) -> (0, 0)>
module attributes {stable_mosaic.version = 14 : i64} {
  func.func @_sc_kernel(%arg0: i32, %arg1: i32, %arg2: memref<16384x1000xf32, #tpu.memory_space<hbm>>, %arg3: memref<16384x1000xf32, #tpu.memory_space<hbm>>, %arg4: memref<16384x1000xf32, #tpu.memory_space<hbm>>, %arg5: memref<16x1024xf32, #tpu.memory_space<vmem>>, %arg6: memref<16x1024xf32, #tpu.memory_space<vmem>>, %arg7: memref<16x1024xf32, #tpu.memory_space<vmem>>, %arg8: memref<16x1024xf32, #tpu.memory_space<vmem>>, %arg9: memref<16x1024xf32, #tpu.memory_space<vmem>>, %arg10: memref<16x1024xf32, #tpu.memory_space<vmem>>, %arg11: memref<!tpu.dma_semaphore, #tpu.memory_space<semaphore_mem>>, %arg12: memref<!tpu.dma_semaphore, #tpu.memory_space<semaphore_mem>>, %arg13: memref<!tpu.dma_semaphore, #tpu.memory_space<semaphore_mem>>, %arg14: memref<!tpu.dma_semaphore, #tpu.memory_space<semaphore_mem>>, %arg15: memref<!tpu.dma_semaphore, #tpu.memory_space<semaphore_mem>>, %arg16: memref<!tpu.dma_semaphore, #tpu.memory_space<semaphore_mem>>) attributes {dimension_semantics = [#tpu.dimension_semantics<core_parallel>, #tpu.dimension_semantics<subcore_parallel>], iteration_bounds = array<i64: 2, 16>, scalar_prefetch = 0 : i64, scratch_operands = 12 : i64, tpu.core_type = #tpu.core_type<sc_vector_subcore>, window_params = [{transform_indices = #map}, {transform_indices = #map}, {transform_indices = #map}]} {
    %mul3A = arith.constant 16 : i32
    %mul3A_0 = arith.muli %arg0, %mul3A : i32
    %add3A = arith.addi %mul3A_0, %arg1 : i32
    %mul3A_1 = arith.constant 512 : i32
    %mul3A_2 = arith.muli %add3A, %mul3A_1 : i32
    %iota3A = tpu.iota {dimensions = array<i32: 0>} : vector<16xi32>
    %broadcast_in_dim3A = arith.constant 0.000000e+00 : f32
    %broadcast_in_dim3A_3 = vector.broadcast %broadcast_in_dim3A : f32 to vector<16xf32>
    %broadcast_in_dim3A_4 = arith.constant 0xFF800000 : f32
    %broadcast_in_dim3A_5 = vector.broadcast %broadcast_in_dim3A_4 : f32 to vector<16xf32>
    %mul3A_6 = arith.constant 0 : i32
    %mul3A_7 = arith.muli %add3A, %mul3A_6 : i32
    %add3A_8 = arith.constant 896 : i32
    %add3A_9 = arith.addi %mul3A_7, %add3A_8 : i32
    %multiple_of3A = tpu.assume_multiple %add3A_9, 128 : i32
    %add3A_10 = arith.constant 0 : i32
    %add3A_11 = arith.addi %mul3A_2, %add3A_10 : i32
    %add3A_12 = arith.constant 0 : i32
    %add3A_13 = arith.addi %add3A_11, %add3A_12 : i32
    %dma_start3A = arith.constant 0 : i32
    %dma_start3A_14 = arith.constant 0 : i32
    %dma_start3A_15 = tpu.memref_slice %arg5[%dma_start3A, %dma_start3A_14] : memref<16x1024xf32, #tpu.memory_space<vmem>> -> memref<8x896xf32, #tpu.memory_space<vmem>>
    %dma_start3A_16 = arith.constant 0 : i32
    %dma_start3A_17 = tpu.memref_slice %arg2[%add3A_13, %dma_start3A_16] : memref<16384x1000xf32, #tpu.memory_space<hbm>> -> memref<8x896xf32, #tpu.memory_space<hbm>>
    %dma_start3A_18 = arith.constant 0 : i32
    %dma_start3A_19 = arith.constant 0 : i32
    %dma_start3A_20 = tpu.memref_slice %arg5[%dma_start3A_18, %dma_start3A_19] : memref<16x1024xf32, #tpu.memory_space<vmem>> -> memref<8x896xf32, #tpu.memory_space<vmem>>
    %dma_start3A_21 = arith.constant 0 : i32
    %dma_start3A_22 = tpu.memref_slice %arg2[%add3A_13, %dma_start3A_21] : memref<16384x1000xf32, #tpu.memory_space<hbm>> -> memref<8x896xf32, #tpu.memory_space<hbm>>
    tpu.enqueue_dma source(%dma_start3A_22 : memref<8x896xf32, #tpu.memory_space<hbm>>) target(%dma_start3A_20 : memref<8x896xf32, #tpu.memory_space<vmem>>) target_semaphore(%arg11 : memref<!tpu.dma_semaphore, #tpu.memory_space<semaphore_mem>>)
    %dma_start3A_23 = arith.constant 0 : i32
    %dma_start3A_24 = arith.constant 896 : i32
    %dma_start3A_25 = tpu.memref_slice %arg5[%dma_start3A_23, %dma_start3A_24] : memref<16x1024xf32, #tpu.memory_space<vmem>> -> memref<8x128xf32, #tpu.memory_space<vmem>>
    %dma_start3A_26 = tpu.memref_slice %arg2[%add3A_13, %multiple_of3A] : memref<16384x1000xf32, #tpu.memory_space<hbm>> -> memref<8x128xf32, #tpu.memory_space<hbm>>
    %dma_start3A_27 = arith.constant 0 : i32
    %dma_start3A_28 = arith.constant 896 : i32
    %dma_start3A_29 = tpu.memref_slice %arg5[%dma_start3A_27, %dma_start3A_28] : memref<16x1024xf32, #tpu.memory_space<vmem>> -> memref<8x128xf32, #tpu.memory_space<vmem>>
    %dma_start3A_30 = tpu.memref_slice %arg2[%add3A_13, %multiple_of3A] : memref<16384x1000xf32, #tpu.memory_space<hbm>> -> memref<8x128xf32, #tpu.memory_space<hbm>>
    tpu.enqueue_dma source(%dma_start3A_30 : memref<8x128xf32, #tpu.memory_space<hbm>>) target(%dma_start3A_29 : memref<8x128xf32, #tpu.memory_space<vmem>>) target_semaphore(%arg11 : memref<!tpu.dma_semaphore, #tpu.memory_space<semaphore_mem>>)
    %add3A_31 = arith.constant 8 : i32
    %add3A_32 = arith.addi %add3A_11, %add3A_31 : i32
    %dma_start3A_33 = arith.constant 8 : i32
    %dma_start3A_34 = arith.constant 0 : i32
    %dma_start3A_35 = tpu.memref_slice %arg5[%dma_start3A_33, %dma_start3A_34] : memref<16x1024xf32, #tpu.memory_space<vmem>> -> memref<8x896xf32, #tpu.memory_space<vmem>>
    %dma_start3A_36 = arith.constant 0 : i32
    %dma_start3A_37 = tpu.memref_slice %arg2[%add3A_32, %dma_start3A_36] : memref<16384x1000xf32, #tpu.memory_space<hbm>> -> memref<8x896xf32, #tpu.memory_space<hbm>>
    %dma_start3A_38 = arith.constant 8 : i32
    %dma_start3A_39 = arith.constant 0 : i32
    %dma_start3A_40 = tpu.memref_slice %arg5[%dma_start3A_38, %dma_start3A_39] : memref<16x1024xf32, #tpu.memory_space<vmem>> -> memref<8x896xf32, #tpu.memory_space<vmem>>
    %dma_start3A_41 = arith.constant 0 : i32
    %dma_start3A_42 = tpu.memref_slice %arg2[%add3A_32, %dma_start3A_41] : memref<16384x1000xf32, #tpu.memory_space<hbm>> -> memref<8x896xf32, #tpu.memory_space<hbm>>
    tpu.enqueue_dma source(%dma_start3A_42 : memref<8x896xf32, #tpu.memory_space<hbm>>) target(%dma_start3A_40 : memref<8x896xf32, #tpu.memory_space<vmem>>) target_semaphore(%arg11 : memref<!tpu.dma_semaphore, #tpu.memory_space<semaphore_mem>>)
    %dma_start3A_43 = arith.constant 8 : i32
    %dma_start3A_44 = arith.constant 896 : i32
    %dma_start3A_45 = tpu.memref_slice %arg5[%dma_start3A_43, %dma_start3A_44] : memref<16x1024xf32, #tpu.memory_space<vmem>> -> memref<8x128xf32, #tpu.memory_space<vmem>>
    %dma_start3A_46 = tpu.memref_slice %arg2[%add3A_32, %multiple_of3A] : memref<16384x1000xf32, #tpu.memory_space<hbm>> -> memref<8x128xf32, #tpu.memory_space<hbm>>
    %dma_start3A_47 = arith.constant 8 : i32
    %dma_start3A_48 = arith.constant 896 : i32
    %dma_start3A_49 = tpu.memref_slice %arg5[%dma_start3A_47, %dma_start3A_48] : memref<16x1024xf32, #tpu.memory_space<vmem>> -> memref<8x128xf32, #tpu.memory_space<vmem>>
    %dma_start3A_50 = tpu.memref_slice %arg2[%add3A_32, %multiple_of3A] : memref<16384x1000xf32, #tpu.memory_space<hbm>> -> memref<8x128xf32, #tpu.memory_space<hbm>>
    tpu.enqueue_dma source(%dma_start3A_50 : memref<8x128xf32, #tpu.memory_space<hbm>>) target(%dma_start3A_49 : memref<8x128xf32, #tpu.memory_space<vmem>>) target_semaphore(%arg11 : memref<!tpu.dma_semaphore, #tpu.memory_space<semaphore_mem>>)
    %add3A_51 = arith.constant 0 : i32
    %add3A_52 = arith.addi %add3A_11, %add3A_51 : i32
    %dma_start3A_53 = arith.constant 0 : i32
    %dma_start3A_54 = arith.constant 0 : i32
    %dma_start3A_55 = tpu.memref_slice %arg6[%dma_start3A_53, %dma_start3A_54] : memref<16x1024xf32, #tpu.memory_space<vmem>> -> memref<8x896xf32, #tpu.memory_space<vmem>>
    %dma_start3A_56 = arith.constant 0 : i32
    %dma_start3A_57 = tpu.memref_slice %arg3[%add3A_52, %dma_start3A_56] : memref<16384x1000xf32, #tpu.memory_space<hbm>> -> memref<8x896xf32, #tpu.memory_space<hbm>>
    %dma_start3A_58 = arith.constant 0 : i32
    %dma_start3A_59 = arith.constant 0 : i32
    %dma_start3A_60 = tpu.memref_slice %arg6[%dma_start3A_58, %dma_start3A_59] : memref<16x1024xf32, #tpu.memory_space<vmem>> -> memref<8x896xf32, #tpu.memory_space<vmem>>
    %dma_start3A_61 = arith.constant 0 : i32
    %dma_start3A_62 = tpu.memref_slice %arg3[%add3A_52, %dma_start3A_61] : memref<16384x1000xf32, #tpu.memory_space<hbm>> -> memref<8x896xf32, #tpu.memory_space<hbm>>
    tpu.enqueue_dma source(%dma_start3A_62 : memref<8x896xf32, #tpu.memory_space<hbm>>) target(%dma_start3A_60 : memref<8x896xf32, #tpu.memory_space<vmem>>) target_semaphore(%arg12 : memref<!tpu.dma_semaphore, #tpu.memory_space<semaphore_mem>>)
    %dma_start3A_63 = arith.constant 0 : i32
    %dma_start3A_64 = arith.constant 896 : i32
    %dma_start3A_65 = tpu.memref_slice %arg6[%dma_start3A_63, %dma_start3A_64] : memref<16x1024xf32, #tpu.memory_space<vmem>> -> memref<8x128xf32, #tpu.memory_space<vmem>>
    %dma_start3A_66 = tpu.memref_slice %arg3[%add3A_52, %multiple_of3A] : memref<16384x1000xf32, #tpu.memory_space<hbm>> -> memref<8x128xf32, #tpu.memory_space<hbm>>
    %dma_start3A_67 = arith.constant 0 : i32
    %dma_start3A_68 = arith.constant 896 : i32
    %dma_start3A_69 = tpu.memref_slice %arg6[%dma_start3A_67, %dma_start3A_68] : memref<16x1024xf32, #tpu.memory_space<vmem>> -> memref<8x128xf32, #tpu.memory_space<vmem>>
    %dma_start3A_70 = tpu.memref_slice %arg3[%add3A_52, %multiple_of3A] : memref<16384x1000xf32, #tpu.memory_space<hbm>> -> memref<8x128xf32, #tpu.memory_space<hbm>>
    tpu.enqueue_dma source(%dma_start3A_70 : memref<8x128xf32, #tpu.memory_space<hbm>>) target(%dma_start3A_69 : memref<8x128xf32, #tpu.memory_space<vmem>>) target_semaphore(%arg12 : memref<!tpu.dma_semaphore, #tpu.memory_space<semaphore_mem>>)
    %add3A_71 = arith.constant 8 : i32
    %add3A_72 = arith.addi %add3A_11, %add3A_71 : i32
    %dma_start3A_73 = arith.constant 8 : i32
    %dma_start3A_74 = arith.constant 0 : i32
    %dma_start3A_75 = tpu.memref_slice %arg6[%dma_start3A_73, %dma_start3A_74] : memref<16x1024xf32, #tpu.memory_space<vmem>> -> memref<8x896xf32, #tpu.memory_space<vmem>>
    %dma_start3A_76 = arith.constant 0 : i32
    %dma_start3A_77 = tpu.memref_slice %arg3[%add3A_72, %dma_start3A_76] : memref<16384x1000xf32, #tpu.memory_space<hbm>> -> memref<8x896xf32, #tpu.memory_space<hbm>>
    %dma_start3A_78 = arith.constant 8 : i32
    %dma_start3A_79 = arith.constant 0 : i32
    %dma_start3A_80 = tpu.memref_slice %arg6[%dma_start3A_78, %dma_start3A_79] : memref<16x1024xf32, #tpu.memory_space<vmem>> -> memref<8x896xf32, #tpu.memory_space<vmem>>
    %dma_start3A_81 = arith.constant 0 : i32
    %dma_start3A_82 = tpu.memref_slice %arg3[%add3A_72, %dma_start3A_81] : memref<16384x1000xf32, #tpu.memory_space<hbm>> -> memref<8x896xf32, #tpu.memory_space<hbm>>
    tpu.enqueue_dma source(%dma_start3A_82 : memref<8x896xf32, #tpu.memory_space<hbm>>) target(%dma_start3A_80 : memref<8x896xf32, #tpu.memory_space<vmem>>) target_semaphore(%arg12 : memref<!tpu.dma_semaphore, #tpu.memory_space<semaphore_mem>>)
    %dma_start3A_83 = arith.constant 8 : i32
    %dma_start3A_84 = arith.constant 896 : i32
    %dma_start3A_85 = tpu.memref_slice %arg6[%dma_start3A_83, %dma_start3A_84] : memref<16x1024xf32, #tpu.memory_space<vmem>> -> memref<8x128xf32, #tpu.memory_space<vmem>>
    %dma_start3A_86 = tpu.memref_slice %arg3[%add3A_72, %multiple_of3A] : memref<16384x1000xf32, #tpu.memory_space<hbm>> -> memref<8x128xf32, #tpu.memory_space<hbm>>
    %dma_start3A_87 = arith.constant 8 : i32
    %dma_start3A_88 = arith.constant 896 : i32
    %dma_start3A_89 = tpu.memref_slice %arg6[%dma_start3A_87, %dma_start3A_88] : memref<16x1024xf32, #tpu.memory_space<vmem>> -> memref<8x128xf32, #tpu.memory_space<vmem>>
    %dma_start3A_90 = tpu.memref_slice %arg3[%add3A_72, %multiple_of3A] : memref<16384x1000xf32, #tpu.memory_space<hbm>> -> memref<8x128xf32, #tpu.memory_space<hbm>>
    tpu.enqueue_dma source(%dma_start3A_90 : memref<8x128xf32, #tpu.memory_space<hbm>>) target(%dma_start3A_89 : memref<8x128xf32, #tpu.memory_space<vmem>>) target_semaphore(%arg12 : memref<!tpu.dma_semaphore, #tpu.memory_space<semaphore_mem>>)
    %scan3A = arith.constant 0 : i32
    %scan3A_91 = arith.constant 0 : i32
    %scan3A_92 = arith.constant 16 : i32
    %scan3A_93 = arith.addi %scan3A_91, %scan3A_92 : i32
    %scan3A_94 = arith.constant 1 : i32
    %scan3A_95 = scf.for %scan3A_176 = %scan3A_91 to %scan3A_93 step %scan3A_94 iter_args(%scan3A_177 = %scan3A) -> (i32)  : i32 {
      %mul3A_178 = arith.constant 2 : i32
      %mul3A_179 = arith.muli %mul3A_178, %scan3A_176 : i32
      %add3A_180 = arith.constant 1 : i32
      %add3A_181 = arith.addi %mul3A_179, %add3A_180 : i32
      %mul3A_182 = arith.constant 16 : i32
      %mul3A_183 = arith.muli %add3A_181, %mul3A_182 : i32
      %add3A_184 = arith.addi %mul3A_2, %mul3A_183 : i32
      %add3A_185 = arith.constant 0 : i32
      %add3A_186 = arith.addi %add3A_184, %add3A_185 : i32
      %dma_start3A_187 = arith.constant 0 : i32
      %dma_start3A_188 = arith.constant 0 : i32
      %dma_start3A_189 = tpu.memref_slice %arg8[%dma_start3A_187, %dma_start3A_188] : memref<16x1024xf32, #tpu.memory_space<vmem>> -> memref<8x896xf32, #tpu.memory_space<vmem>>
      %dma_start3A_190 = arith.constant 0 : i32
      %dma_start3A_191 = tpu.memref_slice %arg2[%add3A_186, %dma_start3A_190] : memref<16384x1000xf32, #tpu.memory_space<hbm>> -> memref<8x896xf32, #tpu.memory_space<hbm>>
      %dma_start3A_192 = arith.constant 0 : i32
      %dma_start3A_193 = arith.constant 0 : i32
      %dma_start3A_194 = tpu.memref_slice %arg8[%dma_start3A_192, %dma_start3A_193] : memref<16x1024xf32, #tpu.memory_space<vmem>> -> memref<8x896xf32, #tpu.memory_space<vmem>>
      %dma_start3A_195 = arith.constant 0 : i32
      %dma_start3A_196 = tpu.memref_slice %arg2[%add3A_186, %dma_start3A_195] : memref<16384x1000xf32, #tpu.memory_space<hbm>> -> memref<8x896xf32, #tpu.memory_space<hbm>>
      tpu.enqueue_dma source(%dma_start3A_196 : memref<8x896xf32, #tpu.memory_space<hbm>>) target(%dma_start3A_194 : memref<8x896xf32, #tpu.memory_space<vmem>>) target_semaphore(%arg14 : memref<!tpu.dma_semaphore, #tpu.memory_space<semaphore_mem>>)
      %dma_start3A_197 = arith.constant 0 : i32
      %dma_start3A_198 = arith.constant 896 : i32
      %dma_start3A_199 = tpu.memref_slice %arg8[%dma_start3A_197, %dma_start3A_198] : memref<16x1024xf32, #tpu.memory_space<vmem>> -> memref<8x128xf32, #tpu.memory_space<vmem>>
      %dma_start3A_200 = tpu.memref_slice %arg2[%add3A_186, %multiple_of3A] : memref<16384x1000xf32, #tpu.memory_space<hbm>> -> memref<8x128xf32, #tpu.memory_space<hbm>>
      %dma_start3A_201 = arith.constant 0 : i32
      %dma_start3A_202 = arith.constant 896 : i32
      %dma_start3A_203 = tpu.memref_slice %arg8[%dma_start3A_201, %dma_start3A_202] : memref<16x1024xf32, #tpu.memory_space<vmem>> -> memref<8x128xf32, #tpu.memory_space<vmem>>
      %dma_start3A_204 = tpu.memref_slice %arg2[%add3A_186, %multiple_of3A] : memref<16384x1000xf32, #tpu.memory_space<hbm>> -> memref<8x128xf32, #tpu.memory_space<hbm>>
      tpu.enqueue_dma source(%dma_start3A_204 : memref<8x128xf32, #tpu.memory_space<hbm>>) target(%dma_start3A_203 : memref<8x128xf32, #tpu.memory_space<vmem>>) target_semaphore(%arg14 : memref<!tpu.dma_semaphore, #tpu.memory_space<semaphore_mem>>)
      %add3A_205 = arith.constant 8 : i32
      %add3A_206 = arith.addi %add3A_184, %add3A_205 : i32
      %dma_start3A_207 = arith.constant 8 : i32
      %dma_start3A_208 = arith.constant 0 : i32
      %dma_start3A_209 = tpu.memref_slice %arg8[%dma_start3A_207, %dma_start3A_208] : memref<16x1024xf32, #tpu.memory_space<vmem>> -> memref<8x896xf32, #tpu.memory_space<vmem>>
      %dma_start3A_210 = arith.constant 0 : i32
      %dma_start3A_211 = tpu.memref_slice %arg2[%add3A_206, %dma_start3A_210] : memref<16384x1000xf32, #tpu.memory_space<hbm>> -> memref<8x896xf32, #tpu.memory_space<hbm>>
      %dma_start3A_212 = arith.constant 8 : i32
      %dma_start3A_213 = arith.constant 0 : i32
      %dma_start3A_214 = tpu.memref_slice %arg8[%dma_start3A_212, %dma_start3A_213] : memref<16x1024xf32, #tpu.memory_space<vmem>> -> memref<8x896xf32, #tpu.memory_space<vmem>>
      %dma_start3A_215 = arith.constant 0 : i32
      %dma_start3A_216 = tpu.memref_slice %arg2[%add3A_206, %dma_start3A_215] : memref<16384x1000xf32, #tpu.memory_space<hbm>> -> memref<8x896xf32, #tpu.memory_space<hbm>>
      tpu.enqueue_dma source(%dma_start3A_216 : memref<8x896xf32, #tpu.memory_space<hbm>>) target(%dma_start3A_214 : memref<8x896xf32, #tpu.memory_space<vmem>>) target_semaphore(%arg14 : memref<!tpu.dma_semaphore, #tpu.memory_space<semaphore_mem>>)
      %dma_start3A_217 = arith.constant 8 : i32
      %dma_start3A_218 = arith.constant 896 : i32
      %dma_start3A_219 = tpu.memref_slice %arg8[%dma_start3A_217, %dma_start3A_218] : memref<16x1024xf32, #tpu.memory_space<vmem>> -> memref<8x128xf32, #tpu.memory_space<vmem>>
      %dma_start3A_220 = tpu.memref_slice %arg2[%add3A_206, %multiple_of3A] : memref<16384x1000xf32, #tpu.memory_space<hbm>> -> memref<8x128xf32, #tpu.memory_space<hbm>>
      %dma_start3A_221 = arith.constant 8 : i32
      %dma_start3A_222 = arith.constant 896 : i32
      %dma_start3A_223 = tpu.memref_slice %arg8[%dma_start3A_221, %dma_start3A_222] : memref<16x1024xf32, #tpu.memory_space<vmem>> -> memref<8x128xf32, #tpu.memory_space<vmem>>
      %dma_start3A_224 = tpu.memref_slice %arg2[%add3A_206, %multiple_of3A] : memref<16384x1000xf32, #tpu.memory_space<hbm>> -> memref<8x128xf32, #tpu.memory_space<hbm>>
      tpu.enqueue_dma source(%dma_start3A_224 : memref<8x128xf32, #tpu.memory_space<hbm>>) target(%dma_start3A_223 : memref<8x128xf32, #tpu.memory_space<vmem>>) target_semaphore(%arg14 : memref<!tpu.dma_semaphore, #tpu.memory_space<semaphore_mem>>)
      %add3A_225 = arith.constant 0 : i32
      %add3A_226 = arith.addi %add3A_184, %add3A_225 : i32
      %dma_start3A_227 = arith.constant 0 : i32
      %dma_start3A_228 = arith.constant 0 : i32
      %dma_start3A_229 = tpu.memref_slice %arg9[%dma_start3A_227, %dma_start3A_228] : memref<16x1024xf32, #tpu.memory_space<vmem>> -> memref<8x896xf32, #tpu.memory_space<vmem>>
      %dma_start3A_230 = arith.constant 0 : i32
      %dma_start3A_231 = tpu.memref_slice %arg3[%add3A_226, %dma_start3A_230] : memref<16384x1000xf32, #tpu.memory_space<hbm>> -> memref<8x896xf32, #tpu.memory_space<hbm>>
      %dma_start3A_232 = arith.constant 0 : i32
      %dma_start3A_233 = arith.constant 0 : i32
      %dma_start3A_234 = tpu.memref_slice %arg9[%dma_start3A_232, %dma_start3A_233] : memref<16x1024xf32, #tpu.memory_space<vmem>> -> memref<8x896xf32, #tpu.memory_space<vmem>>
      %dma_start3A_235 = arith.constant 0 : i32
      %dma_start3A_236 = tpu.memref_slice %arg3[%add3A_226, %dma_start3A_235] : memref<16384x1000xf32, #tpu.memory_space<hbm>> -> memref<8x896xf32, #tpu.memory_space<hbm>>
      tpu.enqueue_dma source(%dma_start3A_236 : memref<8x896xf32, #tpu.memory_space<hbm>>) target(%dma_start3A_234 : memref<8x896xf32, #tpu.memory_space<vmem>>) target_semaphore(%arg15 : memref<!tpu.dma_semaphore, #tpu.memory_space<semaphore_mem>>)
      %dma_start3A_237 = arith.constant 0 : i32
      %dma_start3A_238 = arith.constant 896 : i32
      %dma_start3A_239 = tpu.memref_slice %arg9[%dma_start3A_237, %dma_start3A_238] : memref<16x1024xf32, #tpu.memory_space<vmem>> -> memref<8x128xf32, #tpu.memory_space<vmem>>
      %dma_start3A_240 = tpu.memref_slice %arg3[%add3A_226, %multiple_of3A] : memref<16384x1000xf32, #tpu.memory_space<hbm>> -> memref<8x128xf32, #tpu.memory_space<hbm>>
      %dma_start3A_241 = arith.constant 0 : i32
      %dma_start3A_242 = arith.constant 896 : i32
      %dma_start3A_243 = tpu.memref_slice %arg9[%dma_start3A_241, %dma_start3A_242] : memref<16x1024xf32, #tpu.memory_space<vmem>> -> memref<8x128xf32, #tpu.memory_space<vmem>>
      %dma_start3A_244 = tpu.memref_slice %arg3[%add3A_226, %multiple_of3A] : memref<16384x1000xf32, #tpu.memory_space<hbm>> -> memref<8x128xf32, #tpu.memory_space<hbm>>
      tpu.enqueue_dma source(%dma_start3A_244 : memref<8x128xf32, #tpu.memory_space<hbm>>) target(%dma_start3A_243 : memref<8x128xf32, #tpu.memory_space<vmem>>) target_semaphore(%arg15 : memref<!tpu.dma_semaphore, #tpu.memory_space<semaphore_mem>>)
      %add3A_245 = arith.constant 8 : i32
      %add3A_246 = arith.addi %add3A_184, %add3A_245 : i32
      %dma_start3A_247 = arith.constant 8 : i32
      %dma_start3A_248 = arith.constant 0 : i32
      %dma_start3A_249 = tpu.memref_slice %arg9[%dma_start3A_247, %dma_start3A_248] : memref<16x1024xf32, #tpu.memory_space<vmem>> -> memref<8x896xf32, #tpu.memory_space<vmem>>
      %dma_start3A_250 = arith.constant 0 : i32
      %dma_start3A_251 = tpu.memref_slice %arg3[%add3A_246, %dma_start3A_250] : memref<16384x1000xf32, #tpu.memory_space<hbm>> -> memref<8x896xf32, #tpu.memory_space<hbm>>
      %dma_start3A_252 = arith.constant 8 : i32
      %dma_start3A_253 = arith.constant 0 : i32
      %dma_start3A_254 = tpu.memref_slice %arg9[%dma_start3A_252, %dma_start3A_253] : memref<16x1024xf32, #tpu.memory_space<vmem>> -> memref<8x896xf32, #tpu.memory_space<vmem>>
      %dma_start3A_255 = arith.constant 0 : i32
      %dma_start3A_256 = tpu.memref_slice %arg3[%add3A_246, %dma_start3A_255] : memref<16384x1000xf32, #tpu.memory_space<hbm>> -> memref<8x896xf32, #tpu.memory_space<hbm>>
      tpu.enqueue_dma source(%dma_start3A_256 : memref<8x896xf32, #tpu.memory_space<hbm>>) target(%dma_start3A_254 : memref<8x896xf32, #tpu.memory_space<vmem>>) target_semaphore(%arg15 : memref<!tpu.dma_semaphore, #tpu.memory_space<semaphore_mem>>)
      %dma_start3A_257 = arith.constant 8 : i32
      %dma_start3A_258 = arith.constant 896 : i32
      %dma_start3A_259 = tpu.memref_slice %arg9[%dma_start3A_257, %dma_start3A_258] : memref<16x1024xf32, #tpu.memory_space<vmem>> -> memref<8x128xf32, #tpu.memory_space<vmem>>
      %dma_start3A_260 = tpu.memref_slice %arg3[%add3A_246, %multiple_of3A] : memref<16384x1000xf32, #tpu.memory_space<hbm>> -> memref<8x128xf32, #tpu.memory_space<hbm>>
      %dma_start3A_261 = arith.constant 8 : i32
      %dma_start3A_262 = arith.constant 896 : i32
      %dma_start3A_263 = tpu.memref_slice %arg9[%dma_start3A_261, %dma_start3A_262] : memref<16x1024xf32, #tpu.memory_space<vmem>> -> memref<8x128xf32, #tpu.memory_space<vmem>>
      %dma_start3A_264 = tpu.memref_slice %arg3[%add3A_246, %multiple_of3A] : memref<16384x1000xf32, #tpu.memory_space<hbm>> -> memref<8x128xf32, #tpu.memory_space<hbm>>
      tpu.enqueue_dma source(%dma_start3A_264 : memref<8x128xf32, #tpu.memory_space<hbm>>) target(%dma_start3A_263 : memref<8x128xf32, #tpu.memory_space<vmem>>) target_semaphore(%arg15 : memref<!tpu.dma_semaphore, #tpu.memory_space<semaphore_mem>>)
      %add3A_265 = arith.constant 0 : i32
      %add3A_266 = arith.addi %mul3A_2, %add3A_265 : i32
      %dma_wait3A_267 = arith.constant 0 : i32
      %dma_wait3A_268 = arith.constant 0 : i32
      %dma_wait3A_269 = tpu.memref_slice %arg5[%dma_wait3A_267, %dma_wait3A_268] : memref<16x1024xf32, #tpu.memory_space<vmem>> -> memref<8x896xf32, #tpu.memory_space<vmem>>
      %dma_wait3A_270 = arith.constant 0 : i32
      %dma_wait3A_271 = tpu.memref_slice %arg2[%add3A_266, %dma_wait3A_270] : memref<16384x1000xf32, #tpu.memory_space<hbm>> -> memref<8x896xf32, #tpu.memory_space<hbm>>
      %dma_wait3A_272 = arith.constant 0 : i32
      %dma_wait3A_273 = arith.constant 0 : i32
      %dma_wait3A_274 = tpu.memref_slice %arg5[%dma_wait3A_272, %dma_wait3A_273] : memref<16x1024xf32, #tpu.memory_space<vmem>> -> memref<8x896xf32, #tpu.memory_space<vmem>>
      %dma_wait3A_275 = arith.constant 0 : i32
      %dma_wait3A_276 = tpu.memref_slice %arg2[%add3A_266, %dma_wait3A_275] : memref<16384x1000xf32, #tpu.memory_space<hbm>> -> memref<8x896xf32, #tpu.memory_space<hbm>>
      tpu.wait_dma2 semaphore(%arg11 : memref<!tpu.dma_semaphore, #tpu.memory_space<semaphore_mem>>) src(%dma_wait3A_276 : memref<8x896xf32, #tpu.memory_space<hbm>>) dst(%dma_wait3A_274 : memref<8x896xf32, #tpu.memory_space<vmem>>)
      %dma_wait3A_277 = arith.constant 0 : i32
      %dma_wait3A_278 = arith.constant 896 : i32
      %dma_wait3A_279 = tpu.memref_slice %arg5[%dma_wait3A_277, %dma_wait3A_278] : memref<16x1024xf32, #tpu.memory_space<vmem>> -> memref<8x128xf32, #tpu.memory_space<vmem>>
      %dma_wait3A_280 = tpu.memref_slice %arg2[%add3A_266, %multiple_of3A] : memref<16384x1000xf32, #tpu.memory_space<hbm>> -> memref<8x128xf32, #tpu.memory_space<hbm>>
      %dma_wait3A_281 = arith.constant 0 : i32
      %dma_wait3A_282 = arith.constant 896 : i32
      %dma_wait3A_283 = tpu.memref_slice %arg5[%dma_wait3A_281, %dma_wait3A_282] : memref<16x1024xf32, #tpu.memory_space<vmem>> -> memref<8x128xf32, #tpu.memory_space<vmem>>
      %dma_wait3A_284 = tpu.memref_slice %arg2[%add3A_266, %multiple_of3A] : memref<16384x1000xf32, #tpu.memory_space<hbm>> -> memref<8x128xf32, #tpu.memory_space<hbm>>
      tpu.wait_dma2 semaphore(%arg11 : memref<!tpu.dma_semaphore, #tpu.memory_space<semaphore_mem>>) src(%dma_wait3A_284 : memref<8x128xf32, #tpu.memory_space<hbm>>) dst(%dma_wait3A_283 : memref<8x128xf32, #tpu.memory_space<vmem>>)
      %add3A_285 = arith.constant 8 : i32
      %add3A_286 = arith.addi %mul3A_2, %add3A_285 : i32
      %dma_wait3A_287 = arith.constant 8 : i32
      %dma_wait3A_288 = arith.constant 0 : i32
      %dma_wait3A_289 = tpu.memref_slice %arg5[%dma_wait3A_287, %dma_wait3A_288] : memref<16x1024xf32, #tpu.memory_space<vmem>> -> memref<8x896xf32, #tpu.memory_space<vmem>>
      %dma_wait3A_290 = arith.constant 0 : i32
      %dma_wait3A_291 = tpu.memref_slice %arg2[%add3A_286, %dma_wait3A_290] : memref<16384x1000xf32, #tpu.memory_space<hbm>> -> memref<8x896xf32, #tpu.memory_space<hbm>>
      %dma_wait3A_292 = arith.constant 8 : i32
      %dma_wait3A_293 = arith.constant 0 : i32
      %dma_wait3A_294 = tpu.memref_slice %arg5[%dma_wait3A_292, %dma_wait3A_293] : memref<16x1024xf32, #tpu.memory_space<vmem>> -> memref<8x896xf32, #tpu.memory_space<vmem>>
      %dma_wait3A_295 = arith.constant 0 : i32
      %dma_wait3A_296 = tpu.memref_slice %arg2[%add3A_286, %dma_wait3A_295] : memref<16384x1000xf32, #tpu.memory_space<hbm>> -> memref<8x896xf32, #tpu.memory_space<hbm>>
      tpu.wait_dma2 semaphore(%arg11 : memref<!tpu.dma_semaphore, #tpu.memory_space<semaphore_mem>>) src(%dma_wait3A_296 : memref<8x896xf32, #tpu.memory_space<hbm>>) dst(%dma_wait3A_294 : memref<8x896xf32, #tpu.memory_space<vmem>>)
      %dma_wait3A_297 = arith.constant 8 : i32
      %dma_wait3A_298 = arith.constant 896 : i32
      %dma_wait3A_299 = tpu.memref_slice %arg5[%dma_wait3A_297, %dma_wait3A_298] : memref<16x1024xf32, #tpu.memory_space<vmem>> -> memref<8x128xf32, #tpu.memory_space<vmem>>
      %dma_wait3A_300 = tpu.memref_slice %arg2[%add3A_286, %multiple_of3A] : memref<16384x1000xf32, #tpu.memory_space<hbm>> -> memref<8x128xf32, #tpu.memory_space<hbm>>
      %dma_wait3A_301 = arith.constant 8 : i32
      %dma_wait3A_302 = arith.constant 896 : i32
      %dma_wait3A_303 = tpu.memref_slice %arg5[%dma_wait3A_301, %dma_wait3A_302] : memref<16x1024xf32, #tpu.memory_space<vmem>> -> memref<8x128xf32, #tpu.memory_space<vmem>>
      %dma_wait3A_304 = tpu.memref_slice %arg2[%add3A_286, %multiple_of3A] : memref<16384x1000xf32, #tpu.memory_space<hbm>> -> memref<8x128xf32, #tpu.memory_space<hbm>>
      tpu.wait_dma2 semaphore(%arg11 : memref<!tpu.dma_semaphore, #tpu.memory_space<semaphore_mem>>) src(%dma_wait3A_304 : memref<8x128xf32, #tpu.memory_space<hbm>>) dst(%dma_wait3A_303 : memref<8x128xf32, #tpu.memory_space<vmem>>)
      %add3A_305 = arith.constant 0 : i32
      %add3A_306 = arith.addi %mul3A_2, %add3A_305 : i32
      %dma_wait3A_307 = arith.constant 0 : i32
      %dma_wait3A_308 = arith.constant 0 : i32
      %dma_wait3A_309 = tpu.memref_slice %arg6[%dma_wait3A_307, %dma_wait3A_308] : memref<16x1024xf32, #tpu.memory_space<vmem>> -> memref<8x896xf32, #tpu.memory_space<vmem>>
      %dma_wait3A_310 = arith.constant 0 : i32
      %dma_wait3A_311 = tpu.memref_slice %arg3[%add3A_306, %dma_wait3A_310] : memref<16384x1000xf32, #tpu.memory_space<hbm>> -> memref<8x896xf32, #tpu.memory_space<hbm>>
      %dma_wait3A_312 = arith.constant 0 : i32
      %dma_wait3A_313 = arith.constant 0 : i32
      %dma_wait3A_314 = tpu.memref_slice %arg6[%dma_wait3A_312, %dma_wait3A_313] : memref<16x1024xf32, #tpu.memory_space<vmem>> -> memref<8x896xf32, #tpu.memory_space<vmem>>
      %dma_wait3A_315 = arith.constant 0 : i32
      %dma_wait3A_316 = tpu.memref_slice %arg3[%add3A_306, %dma_wait3A_315] : memref<16384x1000xf32, #tpu.memory_space<hbm>> -> memref<8x896xf32, #tpu.memory_space<hbm>>
      tpu.wait_dma2 semaphore(%arg12 : memref<!tpu.dma_semaphore, #tpu.memory_space<semaphore_mem>>) src(%dma_wait3A_316 : memref<8x896xf32, #tpu.memory_space<hbm>>) dst(%dma_wait3A_314 : memref<8x896xf32, #tpu.memory_space<vmem>>)
      %dma_wait3A_317 = arith.constant 0 : i32
      %dma_wait3A_318 = arith.constant 896 : i32
      %dma_wait3A_319 = tpu.memref_slice %arg6[%dma_wait3A_317, %dma_wait3A_318] : memref<16x1024xf32, #tpu.memory_space<vmem>> -> memref<8x128xf32, #tpu.memory_space<vmem>>
      %dma_wait3A_320 = tpu.memref_slice %arg3[%add3A_306, %multiple_of3A] : memref<16384x1000xf32, #tpu.memory_space<hbm>> -> memref<8x128xf32, #tpu.memory_space<hbm>>
      %dma_wait3A_321 = arith.constant 0 : i32
      %dma_wait3A_322 = arith.constant 896 : i32
      %dma_wait3A_323 = tpu.memref_slice %arg6[%dma_wait3A_321, %dma_wait3A_322] : memref<16x1024xf32, #tpu.memory_space<vmem>> -> memref<8x128xf32, #tpu.memory_space<vmem>>
      %dma_wait3A_324 = tpu.memref_slice %arg3[%add3A_306, %multiple_of3A] : memref<16384x1000xf32, #tpu.memory_space<hbm>> -> memref<8x128xf32, #tpu.memory_space<hbm>>
      tpu.wait_dma2 semaphore(%arg12 : memref<!tpu.dma_semaphore, #tpu.memory_space<semaphore_mem>>) src(%dma_wait3A_324 : memref<8x128xf32, #tpu.memory_space<hbm>>) dst(%dma_wait3A_323 : memref<8x128xf32, #tpu.memory_space<vmem>>)
      %add3A_325 = arith.constant 8 : i32
      %add3A_326 = arith.addi %mul3A_2, %add3A_325 : i32
      %dma_wait3A_327 = arith.constant 8 : i32
      %dma_wait3A_328 = arith.constant 0 : i32
      %dma_wait3A_329 = tpu.memref_slice %arg6[%dma_wait3A_327, %dma_wait3A_328] : memref<16x1024xf32, #tpu.memory_space<vmem>> -> memref<8x896xf32, #tpu.memory_space<vmem>>
      %dma_wait3A_330 = arith.constant 0 : i32
      %dma_wait3A_331 = tpu.memref_slice %arg3[%add3A_326, %dma_wait3A_330] : memref<16384x1000xf32, #tpu.memory_space<hbm>> -> memref<8x896xf32, #tpu.memory_space<hbm>>
      %dma_wait3A_332 = arith.constant 8 : i32
      %dma_wait3A_333 = arith.constant 0 : i32
      %dma_wait3A_334 = tpu.memref_slice %arg6[%dma_wait3A_332, %dma_wait3A_333] : memref<16x1024xf32, #tpu.memory_space<vmem>> -> memref<8x896xf32, #tpu.memory_space<vmem>>
      %dma_wait3A_335 = arith.constant 0 : i32
      %dma_wait3A_336 = tpu.memref_slice %arg3[%add3A_326, %dma_wait3A_335] : memref<16384x1000xf32, #tpu.memory_space<hbm>> -> memref<8x896xf32, #tpu.memory_space<hbm>>
      tpu.wait_dma2 semaphore(%arg12 : memref<!tpu.dma_semaphore, #tpu.memory_space<semaphore_mem>>) src(%dma_wait3A_336 : memref<8x896xf32, #tpu.memory_space<hbm>>) dst(%dma_wait3A_334 : memref<8x896xf32, #tpu.memory_space<vmem>>)
      %dma_wait3A_337 = arith.constant 8 : i32
      %dma_wait3A_338 = arith.constant 896 : i32
      %dma_wait3A_339 = tpu.memref_slice %arg6[%dma_wait3A_337, %dma_wait3A_338] : memref<16x1024xf32, #tpu.memory_space<vmem>> -> memref<8x128xf32, #tpu.memory_space<vmem>>
      %dma_wait3A_340 = tpu.memref_slice %arg3[%add3A_326, %multiple_of3A] : memref<16384x1000xf32, #tpu.memory_space<hbm>> -> memref<8x128xf32, #tpu.memory_space<hbm>>
      %dma_wait3A_341 = arith.constant 8 : i32
      %dma_wait3A_342 = arith.constant 896 : i32
      %dma_wait3A_343 = tpu.memref_slice %arg6[%dma_wait3A_341, %dma_wait3A_342] : memref<16x1024xf32, #tpu.memory_space<vmem>> -> memref<8x128xf32, #tpu.memory_space<vmem>>
      %dma_wait3A_344 = tpu.memref_slice %arg3[%add3A_326, %multiple_of3A] : memref<16384x1000xf32, #tpu.memory_space<hbm>> -> memref<8x128xf32, #tpu.memory_space<hbm>>
      tpu.wait_dma2 semaphore(%arg12 : memref<!tpu.dma_semaphore, #tpu.memory_space<semaphore_mem>>) src(%dma_wait3A_344 : memref<8x128xf32, #tpu.memory_space<hbm>>) dst(%dma_wait3A_343 : memref<8x128xf32, #tpu.memory_space<vmem>>)
      %gt3A = arith.constant 0 : i32
      %gt3A_345 = arith.cmpi sgt, %scan3A_176, %gt3A : i32
      %convert_element_type3A = arith.extui %gt3A_345 : i1 to i32
      %cond3A = arith.constant 0 : i32
      %cond3A_346 = arith.cmpi ne, %convert_element_type3A, %cond3A : i32
      scf.if %cond3A_346 {
        %add3A_565 = arith.constant 0 : i32
        %add3A_566 = arith.addi %mul3A_2, %add3A_565 : i32
        %dma_wait3A_567 = arith.constant 0 : i32
        %dma_wait3A_568 = arith.constant 0 : i32
        %dma_wait3A_569 = tpu.memref_slice %arg7[%dma_wait3A_567, %dma_wait3A_568] : memref<16x1024xf32, #tpu.memory_space<vmem>> -> memref<8x896xf32, #tpu.memory_space<vmem>>
        %dma_wait3A_570 = arith.constant 0 : i32
        %dma_wait3A_571 = tpu.memref_slice %arg4[%add3A_566, %dma_wait3A_570] : memref<16384x1000xf32, #tpu.memory_space<hbm>> -> memref<8x896xf32, #tpu.memory_space<hbm>>
        %dma_wait3A_572 = arith.constant 0 : i32
        %dma_wait3A_573 = tpu.memref_slice %arg4[%add3A_566, %dma_wait3A_572] : memref<16384x1000xf32, #tpu.memory_space<hbm>> -> memref<8x896xf32, #tpu.memory_space<hbm>>
        %dma_wait3A_574 = arith.constant 0 : i32
        %dma_wait3A_575 = arith.constant 0 : i32
        %dma_wait3A_576 = tpu.memref_slice %arg7[%dma_wait3A_574, %dma_wait3A_575] : memref<16x1024xf32, #tpu.memory_space<vmem>> -> memref<8x896xf32, #tpu.memory_space<vmem>>
        tpu.wait_dma2 semaphore(%arg13 : memref<!tpu.dma_semaphore, #tpu.memory_space<semaphore_mem>>) src(%dma_wait3A_576 : memref<8x896xf32, #tpu.memory_space<vmem>>) dst(%dma_wait3A_573 : memref<8x896xf32, #tpu.memory_space<hbm>>)
        %dma_wait3A_577 = arith.constant 0 : i32
        %dma_wait3A_578 = arith.constant 896 : i32
        %dma_wait3A_579 = tpu.memref_slice %arg7[%dma_wait3A_577, %dma_wait3A_578] : memref<16x1024xf32, #tpu.memory_space<vmem>> -> memref<8x128xf32, #tpu.memory_space<vmem>>
        %dma_wait3A_580 = tpu.memref_slice %arg4[%add3A_566, %multiple_of3A] : memref<16384x1000xf32, #tpu.memory_space<hbm>> -> memref<8x128xf32, #tpu.memory_space<hbm>>
        %dma_wait3A_581 = tpu.memref_slice %arg4[%add3A_566, %multiple_of3A] : memref<16384x1000xf32, #tpu.memory_space<hbm>> -> memref<8x128xf32, #tpu.memory_space<hbm>>
        %dma_wait3A_582 = arith.constant 0 : i32
        %dma_wait3A_583 = arith.constant 896 : i32
        %dma_wait3A_584 = tpu.memref_slice %arg7[%dma_wait3A_582, %dma_wait3A_583] : memref<16x1024xf32, #tpu.memory_space<vmem>> -> memref<8x128xf32, #tpu.memory_space<vmem>>
        tpu.wait_dma2 semaphore(%arg13 : memref<!tpu.dma_semaphore, #tpu.memory_space<semaphore_mem>>) src(%dma_wait3A_584 : memref<8x128xf32, #tpu.memory_space<vmem>>) dst(%dma_wait3A_581 : memref<8x128xf32, #tpu.memory_space<hbm>>)
        %add3A_585 = arith.constant 8 : i32
        %add3A_586 = arith.addi %mul3A_2, %add3A_585 : i32
        %dma_wait3A_587 = arith.constant 8 : i32
        %dma_wait3A_588 = arith.constant 0 : i32
        %dma_wait3A_589 = tpu.memref_slice %arg7[%dma_wait3A_587, %dma_wait3A_588] : memref<16x1024xf32, #tpu.memory_space<vmem>> -> memref<8x896xf32, #tpu.memory_space<vmem>>
        %dma_wait3A_590 = arith.constant 0 : i32
        %dma_wait3A_591 = tpu.memref_slice %arg4[%add3A_586, %dma_wait3A_590] : memref<16384x1000xf32, #tpu.memory_space<hbm>> -> memref<8x896xf32, #tpu.memory_space<hbm>>
        %dma_wait3A_592 = arith.constant 0 : i32
        %dma_wait3A_593 = tpu.memref_slice %arg4[%add3A_586, %dma_wait3A_592] : memref<16384x1000xf32, #tpu.memory_space<hbm>> -> memref<8x896xf32, #tpu.memory_space<hbm>>
        %dma_wait3A_594 = arith.constant 8 : i32
        %dma_wait3A_595 = arith.constant 0 : i32
        %dma_wait3A_596 = tpu.memref_slice %arg7[%dma_wait3A_594, %dma_wait3A_595] : memref<16x1024xf32, #tpu.memory_space<vmem>> -> memref<8x896xf32, #tpu.memory_space<vmem>>
        tpu.wait_dma2 semaphore(%arg13 : memref<!tpu.dma_semaphore, #tpu.memory_space<semaphore_mem>>) src(%dma_wait3A_596 : memref<8x896xf32, #tpu.memory_space<vmem>>) dst(%dma_wait3A_593 : memref<8x896xf32, #tpu.memory_space<hbm>>)
        %dma_wait3A_597 = arith.constant 8 : i32
        %dma_wait3A_598 = arith.constant 896 : i32
        %dma_wait3A_599 = tpu.memref_slice %arg7[%dma_wait3A_597, %dma_wait3A_598] : memref<16x1024xf32, #tpu.memory_space<vmem>> -> memref<8x128xf32, #tpu.memory_space<vmem>>
        %dma_wait3A_600 = tpu.memref_slice %arg4[%add3A_586, %multiple_of3A] : memref<16384x1000xf32, #tpu.memory_space<hbm>> -> memref<8x128xf32, #tpu.memory_space<hbm>>
        %dma_wait3A_601 = tpu.memref_slice %arg4[%add3A_586, %multiple_of3A] : memref<16384x1000xf32, #tpu.memory_space<hbm>> -> memref<8x128xf32, #tpu.memory_space<hbm>>
        %dma_wait3A_602 = arith.constant 8 : i32
        %dma_wait3A_603 = arith.constant 896 : i32
        %dma_wait3A_604 = tpu.memref_slice %arg7[%dma_wait3A_602, %dma_wait3A_603] : memref<16x1024xf32, #tpu.memory_space<vmem>> -> memref<8x128xf32, #tpu.memory_space<vmem>>
        tpu.wait_dma2 semaphore(%arg13 : memref<!tpu.dma_semaphore, #tpu.memory_space<semaphore_mem>>) src(%dma_wait3A_604 : memref<8x128xf32, #tpu.memory_space<vmem>>) dst(%dma_wait3A_601 : memref<8x128xf32, #tpu.memory_space<hbm>>)
      } else {
      }
      %scan3A_347 = arith.constant 0 : i32
      %scan3A_348 = arith.constant 0 : i32
      %scan3A_349 = arith.constant 16 : i32
      %scan3A_350 = arith.addi %scan3A_348, %scan3A_349 : i32
      %scan3A_351 = arith.constant 1 : i32
      %scan3A_352 = scf.for %scan3A_565 = %scan3A_348 to %scan3A_350 step %scan3A_351 iter_args(%scan3A_566 = %scan3A_347) -> (i32)  : i32 {
        %scan3A_567 = arith.constant 0 : i32
        %scan3A_568 = arith.constant 0 : i32
        %scan3A_569 = arith.constant 56 : i32
        %scan3A_570 = arith.addi %scan3A_568, %scan3A_569 : i32
        %scan3A_571 = arith.constant 8 : i32
        %scan3A_572 = scf.for %scan3A_650 = %scan3A_568 to %scan3A_570 step %scan3A_571 iter_args(%scan3A_651 = %scan3A_567) -> (i32)  : i32 {
          %mul3A_652 = arith.constant 16 : i32
          %mul3A_653 = arith.muli %scan3A_650, %mul3A_652 : i32
          %multiple_of3A_654 = tpu.assume_multiple %mul3A_653, 16 : i32
          %swap3A_655 = arith.index_cast %scan3A_565 : i32 to index
          %swap3A_656 = arith.index_cast %multiple_of3A_654 : i32 to index
          %swap3A_657 = tpu.vector_load %arg7[%swap3A_655, %swap3A_656] {strides = array<i32>} : memref<16x1024xf32, #tpu.memory_space<vmem>>, vector<1x16xf32>,
          %swap3A_658 = vector.shape_cast %swap3A_657 : vector<1x16xf32> to vector<16xf32>
          %swap3A_659 = vector.shape_cast %broadcast_in_dim3A_3 : vector<16xf32> to vector<1x16xf32>
          tpu.vector_store %arg7[%swap3A_655, %swap3A_656], %swap3A_659 {strides = array<i32>} : memref<16x1024xf32, #tpu.memory_space<vmem>>, vector<1x16xf32>,
          %scan3A_660 = arith.constant 0 : i32
          %scan3A_661 = arith.constant 1 : i32
          %scan3A_662 = arith.addi %scan3A_650, %scan3A_661 : i32
          %mul3A_663 = arith.constant 16 : i32
          %mul3A_664 = arith.muli %scan3A_662, %mul3A_663 : i32
          %multiple_of3A_665 = tpu.assume_multiple %mul3A_664, 16 : i32
          %swap3A_666 = arith.index_cast %scan3A_565 : i32 to index
          %swap3A_667 = arith.index_cast %multiple_of3A_665 : i32 to index
          %swap3A_668 = tpu.vector_load %arg7[%swap3A_666, %swap3A_667] {strides = array<i32>} : memref<16x1024xf32, #tpu.memory_space<vmem>>, vector<1x16xf32>,
          %swap3A_669 = vector.shape_cast %swap3A_668 : vector<1x16xf32> to vector<16xf32>
          %swap3A_670 = vector.shape_cast %broadcast_in_dim3A_3 : vector<16xf32> to vector<1x16xf32>
          tpu.vector_store %arg7[%swap3A_666, %swap3A_667], %swap3A_670 {strides = array<i32>} : memref<16x1024xf32, #tpu.memory_space<vmem>>, vector<1x16xf32>,
          %scan3A_671 = arith.constant 0 : i32
          %scan3A_672 = arith.constant 2 : i32
          %scan3A_673 = arith.addi %scan3A_650, %scan3A_672 : i32
          %mul3A_674 = arith.constant 16 : i32
          %mul3A_675 = arith.muli %scan3A_673, %mul3A_674 : i32
          %multiple_of3A_676 = tpu.assume_multiple %mul3A_675, 16 : i32
          %swap3A_677 = arith.index_cast %scan3A_565 : i32 to index
          %swap3A_678 = arith.index_cast %multiple_of3A_676 : i32 to index
          %swap3A_679 = tpu.vector_load %arg7[%swap3A_677, %swap3A_678] {strides = array<i32>} : memref<16x1024xf32, #tpu.memory_space<vmem>>, vector<1x16xf32>,
          %swap3A_680 = vector.shape_cast %swap3A_679 : vector<1x16xf32> to vector<16xf32>
          %swap3A_681 = vector.shape_cast %broadcast_in_dim3A_3 : vector<16xf32> to vector<1x16xf32>
          tpu.vector_store %arg7[%swap3A_677, %swap3A_678], %swap3A_681 {strides = array<i32>} : memref<16x1024xf32, #tpu.memory_space<vmem>>, vector<1x16xf32>,
          %scan3A_682 = arith.constant 0 : i32
          %scan3A_683 = arith.constant 3 : i32
          %scan3A_684 = arith.addi %scan3A_650, %scan3A_683 : i32
          %mul3A_685 = arith.constant 16 : i32
          %mul3A_686 = arith.muli %scan3A_684, %mul3A_685 : i32
          %multiple_of3A_687 = tpu.assume_multiple %mul3A_686, 16 : i32
          %swap3A_688 = arith.index_cast %scan3A_565 : i32 to index
          %swap3A_689 = arith.index_cast %multiple_of3A_687 : i32 to index
          %swap3A_690 = tpu.vector_load %arg7[%swap3A_688, %swap3A_689] {strides = array<i32>} : memref<16x1024xf32, #tpu.memory_space<vmem>>, vector<1x16xf32>,
          %swap3A_691 = vector.shape_cast %swap3A_690 : vector<1x16xf32> to vector<16xf32>
          %swap3A_692 = vector.shape_cast %broadcast_in_dim3A_3 : vector<16xf32> to vector<1x16xf32>
          tpu.vector_store %arg7[%swap3A_688, %swap3A_689], %swap3A_692 {strides = array<i32>} : memref<16x1024xf32, #tpu.memory_space<vmem>>, vector<1x16xf32>,
          %scan3A_693 = arith.constant 0 : i32
          %scan3A_694 = arith.constant 4 : i32
          %scan3A_695 = arith.addi %scan3A_650, %scan3A_694 : i32
          %mul3A_696 = arith.constant 16 : i32
          %mul3A_697 = arith.muli %scan3A_695, %mul3A_696 : i32
          %multiple_of3A_698 = tpu.assume_multiple %mul3A_697, 16 : i32
          %swap3A_699 = arith.index_cast %scan3A_565 : i32 to index
          %swap3A_700 = arith.index_cast %multiple_of3A_698 : i32 to index
          %swap3A_701 = tpu.vector_load %arg7[%swap3A_699, %swap3A_700] {strides = array<i32>} : memref<16x1024xf32, #tpu.memory_space<vmem>>, vector<1x16xf32>,
          %swap3A_702 = vector.shape_cast %swap3A_701 : vector<1x16xf32> to vector<16xf32>
          %swap3A_703 = vector.shape_cast %broadcast_in_dim3A_3 : vector<16xf32> to vector<1x16xf32>
          tpu.vector_store %arg7[%swap3A_699, %swap3A_700], %swap3A_703 {strides = array<i32>} : memref<16x1024xf32, #tpu.memory_space<vmem>>, vector<1x16xf32>,
          %scan3A_704 = arith.constant 0 : i32
          %scan3A_705 = arith.constant 5 : i32
          %scan3A_706 = arith.addi %scan3A_650, %scan3A_705 : i32
          %mul3A_707 = arith.constant 16 : i32
          %mul3A_708 = arith.muli %scan3A_706, %mul3A_707 : i32
          %multiple_of3A_709 = tpu.assume_multiple %mul3A_708, 16 : i32
          %swap3A_710 = arith.index_cast %scan3A_565 : i32 to index
          %swap3A_711 = arith.index_cast %multiple_of3A_709 : i32 to index
          %swap3A_712 = tpu.vector_load %arg7[%swap3A_710, %swap3A_711] {strides = array<i32>} : memref<16x1024xf32, #tpu.memory_space<vmem>>, vector<1x16xf32>,
          %swap3A_713 = vector.shape_cast %swap3A_712 : vector<1x16xf32> to vector<16xf32>
          %swap3A_714 = vector.shape_cast %broadcast_in_dim3A_3 : vector<16xf32> to vector<1x16xf32>
          tpu.vector_store %arg7[%swap3A_710, %swap3A_711], %swap3A_714 {strides = array<i32>} : memref<16x1024xf32, #tpu.memory_space<vmem>>, vector<1x16xf32>,
          %scan3A_715 = arith.constant 0 : i32
          %scan3A_716 = arith.constant 6 : i32
          %scan3A_717 = arith.addi %scan3A_650, %scan3A_716 : i32
          %mul3A_718 = arith.constant 16 : i32
          %mul3A_719 = arith.muli %scan3A_717, %mul3A_718 : i32
          %multiple_of3A_720 = tpu.assume_multiple %mul3A_719, 16 : i32
          %swap3A_721 = arith.index_cast %scan3A_565 : i32 to index
          %swap3A_722 = arith.index_cast %multiple_of3A_720 : i32 to index
          %swap3A_723 = tpu.vector_load %arg7[%swap3A_721, %swap3A_722] {strides = array<i32>} : memref<16x1024xf32, #tpu.memory_space<vmem>>, vector<1x16xf32>,
          %swap3A_724 = vector.shape_cast %swap3A_723 : vector<1x16xf32> to vector<16xf32>
          %swap3A_725 = vector.shape_cast %broadcast_in_dim3A_3 : vector<16xf32> to vector<1x16xf32>
          tpu.vector_store %arg7[%swap3A_721, %swap3A_722], %swap3A_725 {strides = array<i32>} : memref<16x1024xf32, #tpu.memory_space<vmem>>, vector<1x16xf32>,
          %scan3A_726 = arith.constant 0 : i32
          %scan3A_727 = arith.constant 7 : i32
          %scan3A_728 = arith.addi %scan3A_650, %scan3A_727 : i32
          %mul3A_729 = arith.constant 16 : i32
          %mul3A_730 = arith.muli %scan3A_728, %mul3A_729 : i32
          %multiple_of3A_731 = tpu.assume_multiple %mul3A_730, 16 : i32
          %swap3A_732 = arith.index_cast %scan3A_565 : i32 to index
          %swap3A_733 = arith.index_cast %multiple_of3A_731 : i32 to index
          %swap3A_734 = tpu.vector_load %arg7[%swap3A_732, %swap3A_733] {strides = array<i32>} : memref<16x1024xf32, #tpu.memory_space<vmem>>, vector<1x16xf32>,
          %swap3A_735 = vector.shape_cast %swap3A_734 : vector<1x16xf32> to vector<16xf32>
          %swap3A_736 = vector.shape_cast %broadcast_in_dim3A_3 : vector<16xf32> to vector<1x16xf32>
          tpu.vector_store %arg7[%swap3A_732, %swap3A_733], %swap3A_736 {strides = array<i32>} : memref<16x1024xf32, #tpu.memory_space<vmem>>, vector<1x16xf32>,
          %scan3A_737 = arith.constant 0 : i32
          scf.yield %scan3A_737 : i32
        }
        %scan3A_573 = arith.constant 56 : i32
        %scan3A_574 = arith.addi %scan3A_568, %scan3A_573 : i32
        %mul3A_575 = arith.constant 16 : i32
        %mul3A_576 = arith.muli %scan3A_574, %mul3A_575 : i32
        %multiple_of3A_577 = tpu.assume_multiple %mul3A_576, 16 : i32
        %swap3A = arith.index_cast %scan3A_565 : i32 to index
        %swap3A_578 = arith.index_cast %multiple_of3A_577 : i32 to index
        %swap3A_579 = tpu.vector_load %arg7[%swap3A, %swap3A_578] {strides = array<i32>} : memref<16x1024xf32, #tpu.memory_space<vmem>>, vector<1x16xf32>,
        %swap3A_580 = vector.shape_cast %swap3A_579 : vector<1x16xf32> to vector<16xf32>
        %swap3A_581 = vector.shape_cast %broadcast_in_dim3A_3 : vector<16xf32> to vector<1x16xf32>
        tpu.vector_store %arg7[%swap3A, %swap3A_578], %swap3A_581 {strides = array<i32>} : memref<16x1024xf32, #tpu.memory_space<vmem>>, vector<1x16xf32>,
        %scan3A_582 = arith.constant 0 : i32
        %scan3A_583 = arith.constant 57 : i32
        %scan3A_584 = arith.addi %scan3A_568, %scan3A_583 : i32
        %mul3A_585 = arith.constant 16 : i32
        %mul3A_586 = arith.muli %scan3A_584, %mul3A_585 : i32
        %multiple_of3A_587 = tpu.assume_multiple %mul3A_586, 16 : i32
        %swap3A_588 = arith.index_cast %scan3A_565 : i32 to index
        %swap3A_589 = arith.index_cast %multiple_of3A_587 : i32 to index
        %swap3A_590 = tpu.vector_load %arg7[%swap3A_588, %swap3A_589] {strides = array<i32>} : memref<16x1024xf32, #tpu.memory_space<vmem>>, vector<1x16xf32>,
        %swap3A_591 = vector.shape_cast %swap3A_590 : vector<1x16xf32> to vector<16xf32>
        %swap3A_592 = vector.shape_cast %broadcast_in_dim3A_3 : vector<16xf32> to vector<1x16xf32>
        tpu.vector_store %arg7[%swap3A_588, %swap3A_589], %swap3A_592 {strides = array<i32>} : memref<16x1024xf32, #tpu.memory_space<vmem>>, vector<1x16xf32>,
        %scan3A_593 = arith.constant 0 : i32
        %scan3A_594 = arith.constant 58 : i32
        %scan3A_595 = arith.addi %scan3A_568, %scan3A_594 : i32
        %mul3A_596 = arith.constant 16 : i32
        %mul3A_597 = arith.muli %scan3A_595, %mul3A_596 : i32
        %multiple_of3A_598 = tpu.assume_multiple %mul3A_597, 16 : i32
        %swap3A_599 = arith.index_cast %scan3A_565 : i32 to index
        %swap3A_600 = arith.index_cast %multiple_of3A_598 : i32 to index
        %swap3A_601 = tpu.vector_load %arg7[%swap3A_599, %swap3A_600] {strides = array<i32>} : memref<16x1024xf32, #tpu.memory_space<vmem>>, vector<1x16xf32>,
        %swap3A_602 = vector.shape_cast %swap3A_601 : vector<1x16xf32> to vector<16xf32>
        %swap3A_603 = vector.shape_cast %broadcast_in_dim3A_3 : vector<16xf32> to vector<1x16xf32>
        tpu.vector_store %arg7[%swap3A_599, %swap3A_600], %swap3A_603 {strides = array<i32>} : memref<16x1024xf32, #tpu.memory_space<vmem>>, vector<1x16xf32>,
        %scan3A_604 = arith.constant 0 : i32
        %scan3A_605 = arith.constant 59 : i32
        %scan3A_606 = arith.addi %scan3A_568, %scan3A_605 : i32
        %mul3A_607 = arith.constant 16 : i32
        %mul3A_608 = arith.muli %scan3A_606, %mul3A_607 : i32
        %multiple_of3A_609 = tpu.assume_multiple %mul3A_608, 16 : i32
        %swap3A_610 = arith.index_cast %scan3A_565 : i32 to index
        %swap3A_611 = arith.index_cast %multiple_of3A_609 : i32 to index
        %swap3A_612 = tpu.vector_load %arg7[%swap3A_610, %swap3A_611] {strides = array<i32>} : memref<16x1024xf32, #tpu.memory_space<vmem>>, vector<1x16xf32>,
        %swap3A_613 = vector.shape_cast %swap3A_612 : vector<1x16xf32> to vector<16xf32>
        %swap3A_614 = vector.shape_cast %broadcast_in_dim3A_3 : vector<16xf32> to vector<1x16xf32>
        tpu.vector_store %arg7[%swap3A_610, %swap3A_611], %swap3A_614 {strides = array<i32>} : memref<16x1024xf32, #tpu.memory_space<vmem>>, vector<1x16xf32>,
        %scan3A_615 = arith.constant 0 : i32
        %scan3A_616 = arith.constant 60 : i32
        %scan3A_617 = arith.addi %scan3A_568, %scan3A_616 : i32
        %mul3A_618 = arith.constant 16 : i32
        %mul3A_619 = arith.muli %scan3A_617, %mul3A_618 : i32
        %multiple_of3A_620 = tpu.assume_multiple %mul3A_619, 16 : i32
        %swap3A_621 = arith.index_cast %scan3A_565 : i32 to index
        %swap3A_622 = arith.index_cast %multiple_of3A_620 : i32 to index
        %swap3A_623 = tpu.vector_load %arg7[%swap3A_621, %swap3A_622] {strides = array<i32>} : memref<16x1024xf32, #tpu.memory_space<vmem>>, vector<1x16xf32>,
        %swap3A_624 = vector.shape_cast %swap3A_623 : vector<1x16xf32> to vector<16xf32>
        %swap3A_625 = vector.shape_cast %broadcast_in_dim3A_3 : vector<16xf32> to vector<1x16xf32>
        tpu.vector_store %arg7[%swap3A_621, %swap3A_622], %swap3A_625 {strides = array<i32>} : memref<16x1024xf32, #tpu.memory_space<vmem>>, vector<1x16xf32>,
        %scan3A_626 = arith.constant 0 : i32
        %scan3A_627 = arith.constant 61 : i32
        %scan3A_628 = arith.addi %scan3A_568, %scan3A_627 : i32
        %mul3A_629 = arith.constant 16 : i32
        %mul3A_630 = arith.muli %scan3A_628, %mul3A_629 : i32
        %multiple_of3A_631 = tpu.assume_multiple %mul3A_630, 16 : i32
        %swap3A_632 = arith.index_cast %scan3A_565 : i32 to index
        %swap3A_633 = arith.index_cast %multiple_of3A_631 : i32 to index
        %swap3A_634 = tpu.vector_load %arg7[%swap3A_632, %swap3A_633] {strides = array<i32>} : memref<16x1024xf32, #tpu.memory_space<vmem>>, vector<1x16xf32>,
        %swap3A_635 = vector.shape_cast %swap3A_634 : vector<1x16xf32> to vector<16xf32>
        %swap3A_636 = vector.shape_cast %broadcast_in_dim3A_3 : vector<16xf32> to vector<1x16xf32>
        tpu.vector_store %arg7[%swap3A_632, %swap3A_633], %swap3A_636 {strides = array<i32>} : memref<16x1024xf32, #tpu.memory_space<vmem>>, vector<1x16xf32>,
        %scan3A_637 = arith.constant 0 : i32
        %scan3A_638 = arith.constant 62 : i32
        %scan3A_639 = arith.addi %scan3A_568, %scan3A_638 : i32
        %mul3A_640 = arith.constant 16 : i32
        %mul3A_641 = arith.muli %scan3A_639, %mul3A_640 : i32
        %multiple_of3A_642 = tpu.assume_multiple %mul3A_641, 16 : i32
        %swap3A_643 = arith.index_cast %scan3A_565 : i32 to index
        %swap3A_644 = arith.index_cast %multiple_of3A_642 : i32 to index
        %swap3A_645 = tpu.vector_load %arg7[%swap3A_643, %swap3A_644] {strides = array<i32>} : memref<16x1024xf32, #tpu.memory_space<vmem>>, vector<1x16xf32>,
        %swap3A_646 = vector.shape_cast %swap3A_645 : vector<1x16xf32> to vector<16xf32>
        %swap3A_647 = vector.shape_cast %broadcast_in_dim3A_3 : vector<16xf32> to vector<1x16xf32>
        tpu.vector_store %arg7[%swap3A_643, %swap3A_644], %swap3A_647 {strides = array<i32>} : memref<16x1024xf32, #tpu.memory_space<vmem>>, vector<1x16xf32>,
        %scan3A_648 = arith.constant 0 : i32
        %scan3A_649 = arith.constant 63 : i32
        scf.yield %scan3A_648 : i32
      }
      %scan3A_353 = arith.constant 16 : i32
      %scan3A_354 = arith.constant 0 : i32
      %scan3A_355 = arith.constant 0 : i32
      %scan3A_356 = arith.constant 16 : i32
      %scan3A_357 = arith.addi %scan3A_355, %scan3A_356 : i32
      %scan3A_358 = arith.constant 1 : i32
      %scan3A_359 = scf.for %scan3A_565 = %scan3A_355 to %scan3A_357 step %scan3A_358 iter_args(%scan3A_566 = %scan3A_354) -> (i32)  : i32 {
        %broadcast_in_dim3A_567 = arith.constant 0 : i32
        %broadcast_in_dim3A_568 = vector.broadcast %broadcast_in_dim3A_567 : i32 to vector<16xi32>
        %scan3A_569 = arith.constant 0 : i32
        %scan3A_570 = arith.constant 56 : i32
        %scan3A_571 = arith.addi %scan3A_569, %scan3A_570 : i32
        %scan3A_572 = arith.constant 8 : i32
        %scan3A_573:2 = scf.for %scan3A_900 = %scan3A_569 to %scan3A_571 step %scan3A_572 iter_args(%scan3A_901 = %broadcast_in_dim3A_5, %scan3A_902 = %broadcast_in_dim3A_568) -> (vector<16xf32>, vector<16xi32>)  : i32 {
          %mul3A_903 = arith.constant 16 : i32
          %mul3A_904 = arith.muli %scan3A_900, %mul3A_903 : i32
          %multiple_of3A_905 = tpu.assume_multiple %mul3A_904, 16 : i32
          %get3A_906 = arith.index_cast %scan3A_565 : i32 to index
          %get3A_907 = arith.index_cast %multiple_of3A_905 : i32 to index
          %get3A_908 = tpu.vector_load %arg5[%get3A_906, %get3A_907] {strides = array<i32>} : memref<16x1024xf32, #tpu.memory_space<vmem>>, vector<1x16xf32>,
          %get3A_909 = vector.shape_cast %get3A_908 : vector<1x16xf32> to vector<16xf32>
          %multiple_of3A_910 = tpu.assume_multiple %mul3A_904, 16 : i32
          %get3A_911 = arith.index_cast %scan3A_565 : i32 to index
          %get3A_912 = arith.index_cast %multiple_of3A_910 : i32 to index
          %get3A_913 = tpu.vector_load %arg6[%get3A_911, %get3A_912] {strides = array<i32>} : memref<16x1024xf32, #tpu.memory_space<vmem>>, vector<1x16xf32>,
          %get3A_914 = vector.shape_cast %get3A_913 : vector<1x16xf32> to vector<16xf32>
          %add3A_915 = arith.addf %get3A_909, %get3A_914 : vector<16xf32>
          %gt3A_916 = arith.cmpf ogt, %add3A_915, %scan3A_901 : vector<16xf32>
          %select_n3A_917 = arith.select %gt3A_916, %add3A_915, %scan3A_901 : vector<16xi1>, vector<16xf32>
          %broadcast_in_dim3A_918 = vector.broadcast %mul3A_904 : i32 to vector<16xi32>
          %select_n3A_919 = arith.select %gt3A_916, %broadcast_in_dim3A_918, %scan3A_902 : vector<16xi1>, vector<16xi32>
          %scan3A_920 = arith.constant 1 : i32
          %scan3A_921 = arith.addi %scan3A_900, %scan3A_920 : i32
          %mul3A_922 = arith.constant 16 : i32
          %mul3A_923 = arith.muli %scan3A_921, %mul3A_922 : i32
          %multiple_of3A_924 = tpu.assume_multiple %mul3A_923, 16 : i32
          %get3A_925 = arith.index_cast %scan3A_565 : i32 to index
          %get3A_926 = arith.index_cast %multiple_of3A_924 : i32 to index
          %get3A_927 = tpu.vector_load %arg5[%get3A_925, %get3A_926] {strides = array<i32>} : memref<16x1024xf32, #tpu.memory_space<vmem>>, vector<1x16xf32>,
          %get3A_928 = vector.shape_cast %get3A_927 : vector<1x16xf32> to vector<16xf32>
          %multiple_of3A_929 = tpu.assume_multiple %mul3A_923, 16 : i32
          %get3A_930 = arith.index_cast %scan3A_565 : i32 to index
          %get3A_931 = arith.index_cast %multiple_of3A_929 : i32 to index
          %get3A_932 = tpu.vector_load %arg6[%get3A_930, %get3A_931] {strides = array<i32>} : memref<16x1024xf32, #tpu.memory_space<vmem>>, vector<1x16xf32>,
          %get3A_933 = vector.shape_cast %get3A_932 : vector<1x16xf32> to vector<16xf32>
          %add3A_934 = arith.addf %get3A_928, %get3A_933 : vector<16xf32>
          %gt3A_935 = arith.cmpf ogt, %add3A_934, %select_n3A_917 : vector<16xf32>
          %select_n3A_936 = arith.select %gt3A_935, %add3A_934, %select_n3A_917 : vector<16xi1>, vector<16xf32>
          %broadcast_in_dim3A_937 = vector.broadcast %mul3A_923 : i32 to vector<16xi32>
          %select_n3A_938 = arith.select %gt3A_935, %broadcast_in_dim3A_937, %select_n3A_919 : vector<16xi1>, vector<16xi32>
          %scan3A_939 = arith.constant 2 : i32
          %scan3A_940 = arith.addi %scan3A_900, %scan3A_939 : i32
          %mul3A_941 = arith.constant 16 : i32
          %mul3A_942 = arith.muli %scan3A_940, %mul3A_941 : i32
          %multiple_of3A_943 = tpu.assume_multiple %mul3A_942, 16 : i32
          %get3A_944 = arith.index_cast %scan3A_565 : i32 to index
          %get3A_945 = arith.index_cast %multiple_of3A_943 : i32 to index
          %get3A_946 = tpu.vector_load %arg5[%get3A_944, %get3A_945] {strides = array<i32>} : memref<16x1024xf32, #tpu.memory_space<vmem>>, vector<1x16xf32>,
          %get3A_947 = vector.shape_cast %get3A_946 : vector<1x16xf32> to vector<16xf32>
          %multiple_of3A_948 = tpu.assume_multiple %mul3A_942, 16 : i32
          %get3A_949 = arith.index_cast %scan3A_565 : i32 to index
          %get3A_950 = arith.index_cast %multiple_of3A_948 : i32 to index
          %get3A_951 = tpu.vector_load %arg6[%get3A_949, %get3A_950] {strides = array<i32>} : memref<16x1024xf32, #tpu.memory_space<vmem>>, vector<1x16xf32>,
          %get3A_952 = vector.shape_cast %get3A_951 : vector<1x16xf32> to vector<16xf32>
          %add3A_953 = arith.addf %get3A_947, %get3A_952 : vector<16xf32>
          %gt3A_954 = arith.cmpf ogt, %add3A_953, %select_n3A_936 : vector<16xf32>
          %select_n3A_955 = arith.select %gt3A_954, %add3A_953, %select_n3A_936 : vector<16xi1>, vector<16xf32>
          %broadcast_in_dim3A_956 = vector.broadcast %mul3A_942 : i32 to vector<16xi32>
          %select_n3A_957 = arith.select %gt3A_954, %broadcast_in_dim3A_956, %select_n3A_938 : vector<16xi1>, vector<16xi32>
          %scan3A_958 = arith.constant 3 : i32
          %scan3A_959 = arith.addi %scan3A_900, %scan3A_958 : i32
          %mul3A_960 = arith.constant 16 : i32
          %mul3A_961 = arith.muli %scan3A_959, %mul3A_960 : i32
          %multiple_of3A_962 = tpu.assume_multiple %mul3A_961, 16 : i32
          %get3A_963 = arith.index_cast %scan3A_565 : i32 to index
          %get3A_964 = arith.index_cast %multiple_of3A_962 : i32 to index
          %get3A_965 = tpu.vector_load %arg5[%get3A_963, %get3A_964] {strides = array<i32>} : memref<16x1024xf32, #tpu.memory_space<vmem>>, vector<1x16xf32>,
          %get3A_966 = vector.shape_cast %get3A_965 : vector<1x16xf32> to vector<16xf32>
          %multiple_of3A_967 = tpu.assume_multiple %mul3A_961, 16 : i32
          %get3A_968 = arith.index_cast %scan3A_565 : i32 to index
          %get3A_969 = arith.index_cast %multiple_of3A_967 : i32 to index
          %get3A_970 = tpu.vector_load %arg6[%get3A_968, %get3A_969] {strides = array<i32>} : memref<16x1024xf32, #tpu.memory_space<vmem>>, vector<1x16xf32>,
          %get3A_971 = vector.shape_cast %get3A_970 : vector<1x16xf32> to vector<16xf32>
          %add3A_972 = arith.addf %get3A_966, %get3A_971 : vector<16xf32>
          %gt3A_973 = arith.cmpf ogt, %add3A_972, %select_n3A_955 : vector<16xf32>
          %select_n3A_974 = arith.select %gt3A_973, %add3A_972, %select_n3A_955 : vector<16xi1>, vector<16xf32>
          %broadcast_in_dim3A_975 = vector.broadcast %mul3A_961 : i32 to vector<16xi32>
          %select_n3A_976 = arith.select %gt3A_973, %broadcast_in_dim3A_975, %select_n3A_957 : vector<16xi1>, vector<16xi32>
          %scan3A_977 = arith.constant 4 : i32
          %scan3A_978 = arith.addi %scan3A_900, %scan3A_977 : i32
          %mul3A_979 = arith.constant 16 : i32
          %mul3A_980 = arith.muli %scan3A_978, %mul3A_979 : i32
          %multiple_of3A_981 = tpu.assume_multiple %mul3A_980, 16 : i32
          %get3A_982 = arith.index_cast %scan3A_565 : i32 to index
          %get3A_983 = arith.index_cast %multiple_of3A_981 : i32 to index
          %get3A_984 = tpu.vector_load %arg5[%get3A_982, %get3A_983] {strides = array<i32>} : memref<16x1024xf32, #tpu.memory_space<vmem>>, vector<1x16xf32>,
          %get3A_985 = vector.shape_cast %get3A_984 : vector<1x16xf32> to vector<16xf32>
          %multiple_of3A_986 = tpu.assume_multiple %mul3A_980, 16 : i32
          %get3A_987 = arith.index_cast %scan3A_565 : i32 to index
          %get3A_988 = arith.index_cast %multiple_of3A_986 : i32 to index
          %get3A_989 = tpu.vector_load %arg6[%get3A_987, %get3A_988] {strides = array<i32>} : memref<16x1024xf32, #tpu.memory_space<vmem>>, vector<1x16xf32>,
          %get3A_990 = vector.shape_cast %get3A_989 : vector<1x16xf32> to vector<16xf32>
          %add3A_991 = arith.addf %get3A_985, %get3A_990 : vector<16xf32>
          %gt3A_992 = arith.cmpf ogt, %add3A_991, %select_n3A_974 : vector<16xf32>
          %select_n3A_993 = arith.select %gt3A_992, %add3A_991, %select_n3A_974 : vector<16xi1>, vector<16xf32>
          %broadcast_in_dim3A_994 = vector.broadcast %mul3A_980 : i32 to vector<16xi32>
          %select_n3A_995 = arith.select %gt3A_992, %broadcast_in_dim3A_994, %select_n3A_976 : vector<16xi1>, vector<16xi32>
          %scan3A_996 = arith.constant 5 : i32
          %scan3A_997 = arith.addi %scan3A_900, %scan3A_996 : i32
          %mul3A_998 = arith.constant 16 : i32
          %mul3A_999 = arith.muli %scan3A_997, %mul3A_998 : i32
          %multiple_of3A_1000 = tpu.assume_multiple %mul3A_999, 16 : i32
          %get3A_1001 = arith.index_cast %scan3A_565 : i32 to index
          %get3A_1002 = arith.index_cast %multiple_of3A_1000 : i32 to index
          %get3A_1003 = tpu.vector_load %arg5[%get3A_1001, %get3A_1002] {strides = array<i32>} : memref<16x1024xf32, #tpu.memory_space<vmem>>, vector<1x16xf32>,
          %get3A_1004 = vector.shape_cast %get3A_1003 : vector<1x16xf32> to vector<16xf32>
          %multiple_of3A_1005 = tpu.assume_multiple %mul3A_999, 16 : i32
          %get3A_1006 = arith.index_cast %scan3A_565 : i32 to index
          %get3A_1007 = arith.index_cast %multiple_of3A_1005 : i32 to index
          %get3A_1008 = tpu.vector_load %arg6[%get3A_1006, %get3A_1007] {strides = array<i32>} : memref<16x1024xf32, #tpu.memory_space<vmem>>, vector<1x16xf32>,
          %get3A_1009 = vector.shape_cast %get3A_1008 : vector<1x16xf32> to vector<16xf32>
          %add3A_1010 = arith.addf %get3A_1004, %get3A_1009 : vector<16xf32>
          %gt3A_1011 = arith.cmpf ogt, %add3A_1010, %select_n3A_993 : vector<16xf32>
          %select_n3A_1012 = arith.select %gt3A_1011, %add3A_1010, %select_n3A_993 : vector<16xi1>, vector<16xf32>
          %broadcast_in_dim3A_1013 = vector.broadcast %mul3A_999 : i32 to vector<16xi32>
          %select_n3A_1014 = arith.select %gt3A_1011, %broadcast_in_dim3A_1013, %select_n3A_995 : vector<16xi1>, vector<16xi32>
          %scan3A_1015 = arith.constant 6 : i32
          %scan3A_1016 = arith.addi %scan3A_900, %scan3A_1015 : i32
          %mul3A_1017 = arith.constant 16 : i32
          %mul3A_1018 = arith.muli %scan3A_1016, %mul3A_1017 : i32
          %multiple_of3A_1019 = tpu.assume_multiple %mul3A_1018, 16 : i32
          %get3A_1020 = arith.index_cast %scan3A_565 : i32 to index
          %get3A_1021 = arith.index_cast %multiple_of3A_1019 : i32 to index
          %get3A_1022 = tpu.vector_load %arg5[%get3A_1020, %get3A_1021] {strides = array<i32>} : memref<16x1024xf32, #tpu.memory_space<vmem>>, vector<1x16xf32>,
          %get3A_1023 = vector.shape_cast %get3A_1022 : vector<1x16xf32> to vector<16xf32>
          %multiple_of3A_1024 = tpu.assume_multiple %mul3A_1018, 16 : i32
          %get3A_1025 = arith.index_cast %scan3A_565 : i32 to index
          %get3A_1026 = arith.index_cast %multiple_of3A_1024 : i32 to index
          %get3A_1027 = tpu.vector_load %arg6[%get3A_1025, %get3A_1026] {strides = array<i32>} : memref<16x1024xf32, #tpu.memory_space<vmem>>, vector<1x16xf32>,
          %get3A_1028 = vector.shape_cast %get3A_1027 : vector<1x16xf32> to vector<16xf32>
          %add3A_1029 = arith.addf %get3A_1023, %get3A_1028 : vector<16xf32>
          %gt3A_1030 = arith.cmpf ogt, %add3A_1029, %select_n3A_1012 : vector<16xf32>
          %select_n3A_1031 = arith.select %gt3A_1030, %add3A_1029, %select_n3A_1012 : vector<16xi1>, vector<16xf32>
          %broadcast_in_dim3A_1032 = vector.broadcast %mul3A_1018 : i32 to vector<16xi32>
          %select_n3A_1033 = arith.select %gt3A_1030, %broadcast_in_dim3A_1032, %select_n3A_1014 : vector<16xi1>, vector<16xi32>
          %scan3A_1034 = arith.constant 7 : i32
          %scan3A_1035 = arith.addi %scan3A_900, %scan3A_1034 : i32
          %mul3A_1036 = arith.constant 16 : i32
          %mul3A_1037 = arith.muli %scan3A_1035, %mul3A_1036 : i32
          %multiple_of3A_1038 = tpu.assume_multiple %mul3A_1037, 16 : i32
          %get3A_1039 = arith.index_cast %scan3A_565 : i32 to index
          %get3A_1040 = arith.index_cast %multiple_of3A_1038 : i32 to index
          %get3A_1041 = tpu.vector_load %arg5[%get3A_1039, %get3A_1040] {strides = array<i32>} : memref<16x1024xf32, #tpu.memory_space<vmem>>, vector<1x16xf32>,
          %get3A_1042 = vector.shape_cast %get3A_1041 : vector<1x16xf32> to vector<16xf32>
          %multiple_of3A_1043 = tpu.assume_multiple %mul3A_1037, 16 : i32
          %get3A_1044 = arith.index_cast %scan3A_565 : i32 to index
          %get3A_1045 = arith.index_cast %multiple_of3A_1043 : i32 to index
          %get3A_1046 = tpu.vector_load %arg6[%get3A_1044, %get3A_1045] {strides = array<i32>} : memref<16x1024xf32, #tpu.memory_space<vmem>>, vector<1x16xf32>,
          %get3A_1047 = vector.shape_cast %get3A_1046 : vector<1x16xf32> to vector<16xf32>
          %add3A_1048 = arith.addf %get3A_1042, %get3A_1047 : vector<16xf32>
          %gt3A_1049 = arith.cmpf ogt, %add3A_1048, %select_n3A_1031 : vector<16xf32>
          %select_n3A_1050 = arith.select %gt3A_1049, %add3A_1048, %select_n3A_1031 : vector<16xi1>, vector<16xf32>
          %broadcast_in_dim3A_1051 = vector.broadcast %mul3A_1037 : i32 to vector<16xi32>
          %select_n3A_1052 = arith.select %gt3A_1049, %broadcast_in_dim3A_1051, %select_n3A_1033 : vector<16xi1>, vector<16xi32>
          scf.yield %select_n3A_1050, %select_n3A_1052 : vector<16xf32>, vector<16xi32>
        }
        %scan3A_574 = arith.constant 56 : i32
        %scan3A_575 = arith.addi %scan3A_569, %scan3A_574 : i32
        %mul3A_576 = arith.constant 16 : i32
        %mul3A_577 = arith.muli %scan3A_575, %mul3A_576 : i32
        %multiple_of3A_578 = tpu.assume_multiple %mul3A_577, 16 : i32
        %get3A = arith.index_cast %scan3A_565 : i32 to index
        %get3A_579 = arith.index_cast %multiple_of3A_578 : i32 to index
        %get3A_580 = tpu.vector_load %arg5[%get3A, %get3A_579] {strides = array<i32>} : memref<16x1024xf32, #tpu.memory_space<vmem>>, vector<1x16xf32>,
        %get3A_581 = vector.shape_cast %get3A_580 : vector<1x16xf32> to vector<16xf32>
        %multiple_of3A_582 = tpu.assume_multiple %mul3A_577, 16 : i32
        %get3A_583 = arith.index_cast %scan3A_565 : i32 to index
        %get3A_584 = arith.index_cast %multiple_of3A_582 : i32 to index
        %get3A_585 = tpu.vector_load %arg6[%get3A_583, %get3A_584] {strides = array<i32>} : memref<16x1024xf32, #tpu.memory_space<vmem>>, vector<1x16xf32>,
        %get3A_586 = vector.shape_cast %get3A_585 : vector<1x16xf32> to vector<16xf32>
        %add3A_587 = arith.addf %get3A_581, %get3A_586 : vector<16xf32>
        %gt3A_588 = arith.cmpf ogt, %add3A_587, %scan3A_573#0 : vector<16xf32>
        %select_n3A = arith.select %gt3A_588, %add3A_587, %scan3A_573#0 : vector<16xi1>, vector<16xf32>
        %broadcast_in_dim3A_589 = vector.broadcast %mul3A_577 : i32 to vector<16xi32>
        %select_n3A_590 = arith.select %gt3A_588, %broadcast_in_dim3A_589, %scan3A_573#1 : vector<16xi1>, vector<16xi32>
        %scan3A_591 = arith.constant 57 : i32
        %scan3A_592 = arith.addi %scan3A_569, %scan3A_591 : i32
        %mul3A_593 = arith.constant 16 : i32
        %mul3A_594 = arith.muli %scan3A_592, %mul3A_593 : i32
        %multiple_of3A_595 = tpu.assume_multiple %mul3A_594, 16 : i32
        %get3A_596 = arith.index_cast %scan3A_565 : i32 to index
        %get3A_597 = arith.index_cast %multiple_of3A_595 : i32 to index
        %get3A_598 = tpu.vector_load %arg5[%get3A_596, %get3A_597] {strides = array<i32>} : memref<16x1024xf32, #tpu.memory_space<vmem>>, vector<1x16xf32>,
        %get3A_599 = vector.shape_cast %get3A_598 : vector<1x16xf32> to vector<16xf32>
        %multiple_of3A_600 = tpu.assume_multiple %mul3A_594, 16 : i32
        %get3A_601 = arith.index_cast %scan3A_565 : i32 to index
        %get3A_602 = arith.index_cast %multiple_of3A_600 : i32 to index
        %get3A_603 = tpu.vector_load %arg6[%get3A_601, %get3A_602] {strides = array<i32>} : memref<16x1024xf32, #tpu.memory_space<vmem>>, vector<1x16xf32>,
        %get3A_604 = vector.shape_cast %get3A_603 : vector<1x16xf32> to vector<16xf32>
        %add3A_605 = arith.addf %get3A_599, %get3A_604 : vector<16xf32>
        %gt3A_606 = arith.cmpf ogt, %add3A_605, %select_n3A : vector<16xf32>
        %select_n3A_607 = arith.select %gt3A_606, %add3A_605, %select_n3A : vector<16xi1>, vector<16xf32>
        %broadcast_in_dim3A_608 = vector.broadcast %mul3A_594 : i32 to vector<16xi32>
        %select_n3A_609 = arith.select %gt3A_606, %broadcast_in_dim3A_608, %select_n3A_590 : vector<16xi1>, vector<16xi32>
        %scan3A_610 = arith.constant 58 : i32
        %scan3A_611 = arith.addi %scan3A_569, %scan3A_610 : i32
        %mul3A_612 = arith.constant 16 : i32
        %mul3A_613 = arith.muli %scan3A_611, %mul3A_612 : i32
        %multiple_of3A_614 = tpu.assume_multiple %mul3A_613, 16 : i32
        %get3A_615 = arith.index_cast %scan3A_565 : i32 to index
        %get3A_616 = arith.index_cast %multiple_of3A_614 : i32 to index
        %get3A_617 = tpu.vector_load %arg5[%get3A_615, %get3A_616] {strides = array<i32>} : memref<16x1024xf32, #tpu.memory_space<vmem>>, vector<1x16xf32>,
        %get3A_618 = vector.shape_cast %get3A_617 : vector<1x16xf32> to vector<16xf32>
        %multiple_of3A_619 = tpu.assume_multiple %mul3A_613, 16 : i32
        %get3A_620 = arith.index_cast %scan3A_565 : i32 to index
        %get3A_621 = arith.index_cast %multiple_of3A_619 : i32 to index
        %get3A_622 = tpu.vector_load %arg6[%get3A_620, %get3A_621] {strides = array<i32>} : memref<16x1024xf32, #tpu.memory_space<vmem>>, vector<1x16xf32>,
        %get3A_623 = vector.shape_cast %get3A_622 : vector<1x16xf32> to vector<16xf32>
        %add3A_624 = arith.addf %get3A_618, %get3A_623 : vector<16xf32>
        %gt3A_625 = arith.cmpf ogt, %add3A_624, %select_n3A_607 : vector<16xf32>
        %select_n3A_626 = arith.select %gt3A_625, %add3A_624, %select_n3A_607 : vector<16xi1>, vector<16xf32>
        %broadcast_in_dim3A_627 = vector.broadcast %mul3A_613 : i32 to vector<16xi32>
        %select_n3A_628 = arith.select %gt3A_625, %broadcast_in_dim3A_627, %select_n3A_609 : vector<16xi1>, vector<16xi32>
        %scan3A_629 = arith.constant 59 : i32
        %scan3A_630 = arith.addi %scan3A_569, %scan3A_629 : i32
        %mul3A_631 = arith.constant 16 : i32
        %mul3A_632 = arith.muli %scan3A_630, %mul3A_631 : i32
        %multiple_of3A_633 = tpu.assume_multiple %mul3A_632, 16 : i32
        %get3A_634 = arith.index_cast %scan3A_565 : i32 to index
        %get3A_635 = arith.index_cast %multiple_of3A_633 : i32 to index
        %get3A_636 = tpu.vector_load %arg5[%get3A_634, %get3A_635] {strides = array<i32>} : memref<16x1024xf32, #tpu.memory_space<vmem>>, vector<1x16xf32>,
        %get3A_637 = vector.shape_cast %get3A_636 : vector<1x16xf32> to vector<16xf32>
        %multiple_of3A_638 = tpu.assume_multiple %mul3A_632, 16 : i32
        %get3A_639 = arith.index_cast %scan3A_565 : i32 to index
        %get3A_640 = arith.index_cast %multiple_of3A_638 : i32 to index
        %get3A_641 = tpu.vector_load %arg6[%get3A_639, %get3A_640] {strides = array<i32>} : memref<16x1024xf32, #tpu.memory_space<vmem>>, vector<1x16xf32>,
        %get3A_642 = vector.shape_cast %get3A_641 : vector<1x16xf32> to vector<16xf32>
        %add3A_643 = arith.addf %get3A_637, %get3A_642 : vector<16xf32>
        %gt3A_644 = arith.cmpf ogt, %add3A_643, %select_n3A_626 : vector<16xf32>
        %select_n3A_645 = arith.select %gt3A_644, %add3A_643, %select_n3A_626 : vector<16xi1>, vector<16xf32>
        %broadcast_in_dim3A_646 = vector.broadcast %mul3A_632 : i32 to vector<16xi32>
        %select_n3A_647 = arith.select %gt3A_644, %broadcast_in_dim3A_646, %select_n3A_628 : vector<16xi1>, vector<16xi32>
        %scan3A_648 = arith.constant 60 : i32
        %scan3A_649 = arith.addi %scan3A_569, %scan3A_648 : i32
        %mul3A_650 = arith.constant 16 : i32
        %mul3A_651 = arith.muli %scan3A_649, %mul3A_650 : i32
        %multiple_of3A_652 = tpu.assume_multiple %mul3A_651, 16 : i32
        %get3A_653 = arith.index_cast %scan3A_565 : i32 to index
        %get3A_654 = arith.index_cast %multiple_of3A_652 : i32 to index
        %get3A_655 = tpu.vector_load %arg5[%get3A_653, %get3A_654] {strides = array<i32>} : memref<16x1024xf32, #tpu.memory_space<vmem>>, vector<1x16xf32>,
        %get3A_656 = vector.shape_cast %get3A_655 : vector<1x16xf32> to vector<16xf32>
        %multiple_of3A_657 = tpu.assume_multiple %mul3A_651, 16 : i32
        %get3A_658 = arith.index_cast %scan3A_565 : i32 to index
        %get3A_659 = arith.index_cast %multiple_of3A_657 : i32 to index
        %get3A_660 = tpu.vector_load %arg6[%get3A_658, %get3A_659] {strides = array<i32>} : memref<16x1024xf32, #tpu.memory_space<vmem>>, vector<1x16xf32>,
        %get3A_661 = vector.shape_cast %get3A_660 : vector<1x16xf32> to vector<16xf32>
        %add3A_662 = arith.addf %get3A_656, %get3A_661 : vector<16xf32>
        %gt3A_663 = arith.cmpf ogt, %add3A_662, %select_n3A_645 : vector<16xf32>
        %select_n3A_664 = arith.select %gt3A_663, %add3A_662, %select_n3A_645 : vector<16xi1>, vector<16xf32>
        %broadcast_in_dim3A_665 = vector.broadcast %mul3A_651 : i32 to vector<16xi32>
        %select_n3A_666 = arith.select %gt3A_663, %broadcast_in_dim3A_665, %select_n3A_647 : vector<16xi1>, vector<16xi32>
        %scan3A_667 = arith.constant 61 : i32
        %scan3A_668 = arith.addi %scan3A_569, %scan3A_667 : i32
        %mul3A_669 = arith.constant 16 : i32
        %mul3A_670 = arith.muli %scan3A_668, %mul3A_669 : i32
        %multiple_of3A_671 = tpu.assume_multiple %mul3A_670, 16 : i32
        %get3A_672 = arith.index_cast %scan3A_565 : i32 to index
        %get3A_673 = arith.index_cast %multiple_of3A_671 : i32 to index
        %get3A_674 = tpu.vector_load %arg5[%get3A_672, %get3A_673] {strides = array<i32>} : memref<16x1024xf32, #tpu.memory_space<vmem>>, vector<1x16xf32>,
        %get3A_675 = vector.shape_cast %get3A_674 : vector<1x16xf32> to vector<16xf32>
        %multiple_of3A_676 = tpu.assume_multiple %mul3A_670, 16 : i32
        %get3A_677 = arith.index_cast %scan3A_565 : i32 to index
        %get3A_678 = arith.index_cast %multiple_of3A_676 : i32 to index
        %get3A_679 = tpu.vector_load %arg6[%get3A_677, %get3A_678] {strides = array<i32>} : memref<16x1024xf32, #tpu.memory_space<vmem>>, vector<1x16xf32>,
        %get3A_680 = vector.shape_cast %get3A_679 : vector<1x16xf32> to vector<16xf32>
        %add3A_681 = arith.addf %get3A_675, %get3A_680 : vector<16xf32>
        %gt3A_682 = arith.cmpf ogt, %add3A_681, %select_n3A_664 : vector<16xf32>
        %select_n3A_683 = arith.select %gt3A_682, %add3A_681, %select_n3A_664 : vector<16xi1>, vector<16xf32>
        %broadcast_in_dim3A_684 = vector.broadcast %mul3A_670 : i32 to vector<16xi32>
        %select_n3A_685 = arith.select %gt3A_682, %broadcast_in_dim3A_684, %select_n3A_666 : vector<16xi1>, vector<16xi32>
        %scan3A_686 = arith.constant 62 : i32
        %mul3A_687 = arith.constant 0 : i32
        %mul3A_688 = arith.muli %scan3A_565, %mul3A_687 : i32
        %add3A_689 = arith.constant 992 : i32
        %add3A_690 = arith.addi %mul3A_688, %add3A_689 : i32
        %multiple_of3A_691 = tpu.assume_multiple %add3A_690, 16 : i32
        %get3A_692 = arith.index_cast %scan3A_565 : i32 to index
        %get3A_693 = arith.index_cast %multiple_of3A_691 : i32 to index
        %get3A_694 = tpu.vector_load %arg5[%get3A_692, %get3A_693] {strides = array<i32>} : memref<16x1024xf32, #tpu.memory_space<vmem>>, vector<1x16xf32>,
        %get3A_695 = vector.shape_cast %get3A_694 : vector<1x16xf32> to vector<16xf32>
        %get3A_696 = arith.index_cast %scan3A_565 : i32 to index
        %get3A_697 = arith.index_cast %multiple_of3A_691 : i32 to index
        %get3A_698 = tpu.vector_load %arg6[%get3A_696, %get3A_697] {strides = array<i32>} : memref<16x1024xf32, #tpu.memory_space<vmem>>, vector<1x16xf32>,
        %get3A_699 = vector.shape_cast %get3A_698 : vector<1x16xf32> to vector<16xf32>
        %add3A_700 = arith.addf %get3A_695, %get3A_699 : vector<16xf32>
        %lt3A_701 = arith.constant 8 : i32
        %lt3A_702 = vector.broadcast %lt3A_701 : i32 to vector<16xi32>
        %lt3A_703 = arith.cmpi slt, %iota3A, %lt3A_702 : vector<16xi32>
        %select_n3A_704 = arith.select %lt3A_703, %add3A_700, %broadcast_in_dim3A_5 : vector<16xi1>, vector<16xf32>
        %gt3A_705 = arith.cmpf ogt, %select_n3A_704, %select_n3A_683 : vector<16xf32>
        %select_n3A_706 = arith.select %gt3A_705, %select_n3A_704, %select_n3A_683 : vector<16xi1>, vector<16xf32>
        %jit3A = arith.constant 992 : i32
        %broadcast_in_dim3A_707 = vector.broadcast %jit3A : i32 to vector<16xi32>
        %select_n3A_708 = arith.select %gt3A_705, %broadcast_in_dim3A_707, %select_n3A_685 : vector<16xi1>, vector<16xi32>
        %bitcast_convert_type3A = tpu.bitcast %select_n3A_706 : vector<16xf32> -> vector<16xi32>
        %lt3A_709 = arith.constant 0 : i32
        %lt3A_710 = vector.broadcast %lt3A_709 : i32 to vector<16xi32>
        %lt3A_711 = arith.cmpi slt, %bitcast_convert_type3A, %lt3A_710 : vector<16xi32>
        %xor3A = arith.constant 2147483647 : i32
        %xor3A_712 = vector.broadcast %xor3A : i32 to vector<16xi32>
        %xor3A_713 = arith.xori %bitcast_convert_type3A, %xor3A_712 : vector<16xi32>
        %select_n3A_714 = arith.select %lt3A_711, %xor3A_713, %bitcast_convert_type3A : vector<16xi1>, vector<16xi32>
        %add3A_715 = arith.addi %select_n3A_708, %iota3A : vector<16xi32>
        %slice3A = vector.extract_strided_slice %select_n3A_714 {offsets = [0], sizes = [1], strides = [1]} : vector<16xi32> to vector<1xi32>
        %squeeze3A = vector.extract %slice3A[0] : i32 from vector<1xi32>
        %slice3A_716 = vector.extract_strided_slice %add3A_715 {offsets = [0], sizes = [1], strides = [1]} : vector<16xi32> to vector<1xi32>
        %squeeze3A_717 = vector.extract %slice3A_716[0] : i32 from vector<1xi32>
        %slice3A_718 = vector.extract_strided_slice %select_n3A_714 {offsets = [1], sizes = [1], strides = [1]} : vector<16xi32> to vector<1xi32>
        %squeeze3A_719 = vector.extract %slice3A_718[0] : i32 from vector<1xi32>
        %slice3A_720 = vector.extract_strided_slice %add3A_715 {offsets = [1], sizes = [1], strides = [1]} : vector<16xi32> to vector<1xi32>
        %squeeze3A_721 = vector.extract %slice3A_720[0] : i32 from vector<1xi32>
        %gt3A_722 = arith.cmpi sgt, %squeeze3A_719, %squeeze3A : i32
        %eq3A_723 = arith.cmpi eq, %squeeze3A_719, %squeeze3A : i32
        %lt3A_724 = arith.cmpi slt, %squeeze3A_721, %squeeze3A_717 : i32
        %and3A_725 = arith.andi %eq3A_723, %lt3A_724 : i1
        %or3A = arith.ori %gt3A_722, %and3A_725 : i1
        %select_n3A_726 = arith.select %or3A, %squeeze3A_719, %squeeze3A : i32
        %select_n3A_727 = arith.select %or3A, %squeeze3A_721, %squeeze3A_717 : i32
        %slice3A_728 = vector.extract_strided_slice %select_n3A_714 {offsets = [2], sizes = [1], strides = [1]} : vector<16xi32> to vector<1xi32>
        %squeeze3A_729 = vector.extract %slice3A_728[0] : i32 from vector<1xi32>
        %slice3A_730 = vector.extract_strided_slice %add3A_715 {offsets = [2], sizes = [1], strides = [1]} : vector<16xi32> to vector<1xi32>
        %squeeze3A_731 = vector.extract %slice3A_730[0] : i32 from vector<1xi32>
        %gt3A_732 = arith.cmpi sgt, %squeeze3A_729, %select_n3A_726 : i32
        %eq3A_733 = arith.cmpi eq, %squeeze3A_729, %select_n3A_726 : i32
        %lt3A_734 = arith.cmpi slt, %squeeze3A_731, %select_n3A_727 : i32
        %and3A_735 = arith.andi %eq3A_733, %lt3A_734 : i1
        %or3A_736 = arith.ori %gt3A_732, %and3A_735 : i1
        %select_n3A_737 = arith.select %or3A_736, %squeeze3A_729, %select_n3A_726 : i32
        %select_n3A_738 = arith.select %or3A_736, %squeeze3A_731, %select_n3A_727 : i32
        %slice3A_739 = vector.extract_strided_slice %select_n3A_714 {offsets = [3], sizes = [1], strides = [1]} : vector<16xi32> to vector<1xi32>
        %squeeze3A_740 = vector.extract %slice3A_739[0] : i32 from vector<1xi32>
        %slice3A_741 = vector.extract_strided_slice %add3A_715 {offsets = [3], sizes = [1], strides = [1]} : vector<16xi32> to vector<1xi32>
        %squeeze3A_742 = vector.extract %slice3A_741[0] : i32 from vector<1xi32>
        %gt3A_743 = arith.cmpi sgt, %squeeze3A_740, %select_n3A_737 : i32
        %eq3A_744 = arith.cmpi eq, %squeeze3A_740, %select_n3A_737 : i32
        %lt3A_745 = arith.cmpi slt, %squeeze3A_742, %select_n3A_738 : i32
        %and3A_746 = arith.andi %eq3A_744, %lt3A_745 : i1
        %or3A_747 = arith.ori %gt3A_743, %and3A_746 : i1
        %select_n3A_748 = arith.select %or3A_747, %squeeze3A_740, %select_n3A_737 : i32
        %select_n3A_749 = arith.select %or3A_747, %squeeze3A_742, %select_n3A_738 : i32
        %slice3A_750 = vector.extract_strided_slice %select_n3A_714 {offsets = [4], sizes = [1], strides = [1]} : vector<16xi32> to vector<1xi32>
        %squeeze3A_751 = vector.extract %slice3A_750[0] : i32 from vector<1xi32>
        %slice3A_752 = vector.extract_strided_slice %add3A_715 {offsets = [4], sizes = [1], strides = [1]} : vector<16xi32> to vector<1xi32>
        %squeeze3A_753 = vector.extract %slice3A_752[0] : i32 from vector<1xi32>
        %gt3A_754 = arith.cmpi sgt, %squeeze3A_751, %select_n3A_748 : i32
        %eq3A_755 = arith.cmpi eq, %squeeze3A_751, %select_n3A_748 : i32
        %lt3A_756 = arith.cmpi slt, %squeeze3A_753, %select_n3A_749 : i32
        %and3A_757 = arith.andi %eq3A_755, %lt3A_756 : i1
        %or3A_758 = arith.ori %gt3A_754, %and3A_757 : i1
        %select_n3A_759 = arith.select %or3A_758, %squeeze3A_751, %select_n3A_748 : i32
        %select_n3A_760 = arith.select %or3A_758, %squeeze3A_753, %select_n3A_749 : i32
        %slice3A_761 = vector.extract_strided_slice %select_n3A_714 {offsets = [5], sizes = [1], strides = [1]} : vector<16xi32> to vector<1xi32>
        %squeeze3A_762 = vector.extract %slice3A_761[0] : i32 from vector<1xi32>
        %slice3A_763 = vector.extract_strided_slice %add3A_715 {offsets = [5], sizes = [1], strides = [1]} : vector<16xi32> to vector<1xi32>
        %squeeze3A_764 = vector.extract %slice3A_763[0] : i32 from vector<1xi32>
        %gt3A_765 = arith.cmpi sgt, %squeeze3A_762, %select_n3A_759 : i32
        %eq3A_766 = arith.cmpi eq, %squeeze3A_762, %select_n3A_759 : i32
        %lt3A_767 = arith.cmpi slt, %squeeze3A_764, %select_n3A_760 : i32
        %and3A_768 = arith.andi %eq3A_766, %lt3A_767 : i1
        %or3A_769 = arith.ori %gt3A_765, %and3A_768 : i1
        %select_n3A_770 = arith.select %or3A_769, %squeeze3A_762, %select_n3A_759 : i32
        %select_n3A_771 = arith.select %or3A_769, %squeeze3A_764, %select_n3A_760 : i32
        %slice3A_772 = vector.extract_strided_slice %select_n3A_714 {offsets = [6], sizes = [1], strides = [1]} : vector<16xi32> to vector<1xi32>
        %squeeze3A_773 = vector.extract %slice3A_772[0] : i32 from vector<1xi32>
        %slice3A_774 = vector.extract_strided_slice %add3A_715 {offsets = [6], sizes = [1], strides = [1]} : vector<16xi32> to vector<1xi32>
        %squeeze3A_775 = vector.extract %slice3A_774[0] : i32 from vector<1xi32>
        %gt3A_776 = arith.cmpi sgt, %squeeze3A_773, %select_n3A_770 : i32
        %eq3A_777 = arith.cmpi eq, %squeeze3A_773, %select_n3A_770 : i32
        %lt3A_778 = arith.cmpi slt, %squeeze3A_775, %select_n3A_771 : i32
        %and3A_779 = arith.andi %eq3A_777, %lt3A_778 : i1
        %or3A_780 = arith.ori %gt3A_776, %and3A_779 : i1
        %select_n3A_781 = arith.select %or3A_780, %squeeze3A_773, %select_n3A_770 : i32
        %select_n3A_782 = arith.select %or3A_780, %squeeze3A_775, %select_n3A_771 : i32
        %slice3A_783 = vector.extract_strided_slice %select_n3A_714 {offsets = [7], sizes = [1], strides = [1]} : vector<16xi32> to vector<1xi32>
        %squeeze3A_784 = vector.extract %slice3A_783[0] : i32 from vector<1xi32>
        %slice3A_785 = vector.extract_strided_slice %add3A_715 {offsets = [7], sizes = [1], strides = [1]} : vector<16xi32> to vector<1xi32>
        %squeeze3A_786 = vector.extract %slice3A_785[0] : i32 from vector<1xi32>
        %gt3A_787 = arith.cmpi sgt, %squeeze3A_784, %select_n3A_781 : i32
        %eq3A_788 = arith.cmpi eq, %squeeze3A_784, %select_n3A_781 : i32
        %lt3A_789 = arith.cmpi slt, %squeeze3A_786, %select_n3A_782 : i32
        %and3A_790 = arith.andi %eq3A_788, %lt3A_789 : i1
        %or3A_791 = arith.ori %gt3A_787, %and3A_790 : i1
        %select_n3A_792 = arith.select %or3A_791, %squeeze3A_784, %select_n3A_781 : i32
        %select_n3A_793 = arith.select %or3A_791, %squeeze3A_786, %select_n3A_782 : i32
        %slice3A_794 = vector.extract_strided_slice %select_n3A_714 {offsets = [8], sizes = [1], strides = [1]} : vector<16xi32> to vector<1xi32>
        %squeeze3A_795 = vector.extract %slice3A_794[0] : i32 from vector<1xi32>
        %slice3A_796 = vector.extract_strided_slice %add3A_715 {offsets = [8], sizes = [1], strides = [1]} : vector<16xi32> to vector<1xi32>
        %squeeze3A_797 = vector.extract %slice3A_796[0] : i32 from vector<1xi32>
        %gt3A_798 = arith.cmpi sgt, %squeeze3A_795, %select_n3A_792 : i32
        %eq3A_799 = arith.cmpi eq, %squeeze3A_795, %select_n3A_792 : i32
        %lt3A_800 = arith.cmpi slt, %squeeze3A_797, %select_n3A_793 : i32
        %and3A_801 = arith.andi %eq3A_799, %lt3A_800 : i1
        %or3A_802 = arith.ori %gt3A_798, %and3A_801 : i1
        %select_n3A_803 = arith.select %or3A_802, %squeeze3A_795, %select_n3A_792 : i32
        %select_n3A_804 = arith.select %or3A_802, %squeeze3A_797, %select_n3A_793 : i32
        %slice3A_805 = vector.extract_strided_slice %select_n3A_714 {offsets = [9], sizes = [1], strides = [1]} : vector<16xi32> to vector<1xi32>
        %squeeze3A_806 = vector.extract %slice3A_805[0] : i32 from vector<1xi32>
        %slice3A_807 = vector.extract_strided_slice %add3A_715 {offsets = [9], sizes = [1], strides = [1]} : vector<16xi32> to vector<1xi32>
        %squeeze3A_808 = vector.extract %slice3A_807[0] : i32 from vector<1xi32>
        %gt3A_809 = arith.cmpi sgt, %squeeze3A_806, %select_n3A_803 : i32
        %eq3A_810 = arith.cmpi eq, %squeeze3A_806, %select_n3A_803 : i32
        %lt3A_811 = arith.cmpi slt, %squeeze3A_808, %select_n3A_804 : i32
        %and3A_812 = arith.andi %eq3A_810, %lt3A_811 : i1
        %or3A_813 = arith.ori %gt3A_809, %and3A_812 : i1
        %select_n3A_814 = arith.select %or3A_813, %squeeze3A_806, %select_n3A_803 : i32
        %select_n3A_815 = arith.select %or3A_813, %squeeze3A_808, %select_n3A_804 : i32
        %slice3A_816 = vector.extract_strided_slice %select_n3A_714 {offsets = [10], sizes = [1], strides = [1]} : vector<16xi32> to vector<1xi32>
        %squeeze3A_817 = vector.extract %slice3A_816[0] : i32 from vector<1xi32>
        %slice3A_818 = vector.extract_strided_slice %add3A_715 {offsets = [10], sizes = [1], strides = [1]} : vector<16xi32> to vector<1xi32>
        %squeeze3A_819 = vector.extract %slice3A_818[0] : i32 from vector<1xi32>
        %gt3A_820 = arith.cmpi sgt, %squeeze3A_817, %select_n3A_814 : i32
        %eq3A_821 = arith.cmpi eq, %squeeze3A_817, %select_n3A_814 : i32
        %lt3A_822 = arith.cmpi slt, %squeeze3A_819, %select_n3A_815 : i32
        %and3A_823 = arith.andi %eq3A_821, %lt3A_822 : i1
        %or3A_824 = arith.ori %gt3A_820, %and3A_823 : i1
        %select_n3A_825 = arith.select %or3A_824, %squeeze3A_817, %select_n3A_814 : i32
        %select_n3A_826 = arith.select %or3A_824, %squeeze3A_819, %select_n3A_815 : i32
        %slice3A_827 = vector.extract_strided_slice %select_n3A_714 {offsets = [11], sizes = [1], strides = [1]} : vector<16xi32> to vector<1xi32>
        %squeeze3A_828 = vector.extract %slice3A_827[0] : i32 from vector<1xi32>
        %slice3A_829 = vector.extract_strided_slice %add3A_715 {offsets = [11], sizes = [1], strides = [1]} : vector<16xi32> to vector<1xi32>
        %squeeze3A_830 = vector.extract %slice3A_829[0] : i32 from vector<1xi32>
        %gt3A_831 = arith.cmpi sgt, %squeeze3A_828, %select_n3A_825 : i32
        %eq3A_832 = arith.cmpi eq, %squeeze3A_828, %select_n3A_825 : i32
        %lt3A_833 = arith.cmpi slt, %squeeze3A_830, %select_n3A_826 : i32
        %and3A_834 = arith.andi %eq3A_832, %lt3A_833 : i1
        %or3A_835 = arith.ori %gt3A_831, %and3A_834 : i1
        %select_n3A_836 = arith.select %or3A_835, %squeeze3A_828, %select_n3A_825 : i32
        %select_n3A_837 = arith.select %or3A_835, %squeeze3A_830, %select_n3A_826 : i32
        %slice3A_838 = vector.extract_strided_slice %select_n3A_714 {offsets = [12], sizes = [1], strides = [1]} : vector<16xi32> to vector<1xi32>
        %squeeze3A_839 = vector.extract %slice3A_838[0] : i32 from vector<1xi32>
        %slice3A_840 = vector.extract_strided_slice %add3A_715 {offsets = [12], sizes = [1], strides = [1]} : vector<16xi32> to vector<1xi32>
        %squeeze3A_841 = vector.extract %slice3A_840[0] : i32 from vector<1xi32>
        %gt3A_842 = arith.cmpi sgt, %squeeze3A_839, %select_n3A_836 : i32
        %eq3A_843 = arith.cmpi eq, %squeeze3A_839, %select_n3A_836 : i32
        %lt3A_844 = arith.cmpi slt, %squeeze3A_841, %select_n3A_837 : i32
        %and3A_845 = arith.andi %eq3A_843, %lt3A_844 : i1
        %or3A_846 = arith.ori %gt3A_842, %and3A_845 : i1
        %select_n3A_847 = arith.select %or3A_846, %squeeze3A_839, %select_n3A_836 : i32
        %select_n3A_848 = arith.select %or3A_846, %squeeze3A_841, %select_n3A_837 : i32
        %slice3A_849 = vector.extract_strided_slice %select_n3A_714 {offsets = [13], sizes = [1], strides = [1]} : vector<16xi32> to vector<1xi32>
        %squeeze3A_850 = vector.extract %slice3A_849[0] : i32 from vector<1xi32>
        %slice3A_851 = vector.extract_strided_slice %add3A_715 {offsets = [13], sizes = [1], strides = [1]} : vector<16xi32> to vector<1xi32>
        %squeeze3A_852 = vector.extract %slice3A_851[0] : i32 from vector<1xi32>
        %gt3A_853 = arith.cmpi sgt, %squeeze3A_850, %select_n3A_847 : i32
        %eq3A_854 = arith.cmpi eq, %squeeze3A_850, %select_n3A_847 : i32
        %lt3A_855 = arith.cmpi slt, %squeeze3A_852, %select_n3A_848 : i32
        %and3A_856 = arith.andi %eq3A_854, %lt3A_855 : i1
        %or3A_857 = arith.ori %gt3A_853, %and3A_856 : i1
        %select_n3A_858 = arith.select %or3A_857, %squeeze3A_850, %select_n3A_847 : i32
        %select_n3A_859 = arith.select %or3A_857, %squeeze3A_852, %select_n3A_848 : i32
        %slice3A_860 = vector.extract_strided_slice %select_n3A_714 {offsets = [14], sizes = [1], strides = [1]} : vector<16xi32> to vector<1xi32>
        %squeeze3A_861 = vector.extract %slice3A_860[0] : i32 from vector<1xi32>
        %slice3A_862 = vector.extract_strided_slice %add3A_715 {offsets = [14], sizes = [1], strides = [1]} : vector<16xi32> to vector<1xi32>
        %squeeze3A_863 = vector.extract %slice3A_862[0] : i32 from vector<1xi32>
        %gt3A_864 = arith.cmpi sgt, %squeeze3A_861, %select_n3A_858 : i32
        %eq3A_865 = arith.cmpi eq, %squeeze3A_861, %select_n3A_858 : i32
        %lt3A_866 = arith.cmpi slt, %squeeze3A_863, %select_n3A_859 : i32
        %and3A_867 = arith.andi %eq3A_865, %lt3A_866 : i1
        %or3A_868 = arith.ori %gt3A_864, %and3A_867 : i1
        %select_n3A_869 = arith.select %or3A_868, %squeeze3A_861, %select_n3A_858 : i32
        %select_n3A_870 = arith.select %or3A_868, %squeeze3A_863, %select_n3A_859 : i32
        %slice3A_871 = vector.extract_strided_slice %select_n3A_714 {offsets = [15], sizes = [1], strides = [1]} : vector<16xi32> to vector<1xi32>
        %squeeze3A_872 = vector.extract %slice3A_871[0] : i32 from vector<1xi32>
        %slice3A_873 = vector.extract_strided_slice %add3A_715 {offsets = [15], sizes = [1], strides = [1]} : vector<16xi32> to vector<1xi32>
        %squeeze3A_874 = vector.extract %slice3A_873[0] : i32 from vector<1xi32>
        %gt3A_875 = arith.cmpi sgt, %squeeze3A_872, %select_n3A_869 : i32
        %eq3A_876 = arith.cmpi eq, %squeeze3A_872, %select_n3A_869 : i32
        %lt3A_877 = arith.cmpi slt, %squeeze3A_874, %select_n3A_870 : i32
        %and3A_878 = arith.andi %eq3A_876, %lt3A_877 : i1
        %or3A_879 = arith.ori %gt3A_875, %and3A_878 : i1
        %select_n3A_880 = arith.select %or3A_879, %squeeze3A_872, %select_n3A_869 : i32
        %select_n3A_881 = arith.select %or3A_879, %squeeze3A_874, %select_n3A_870 : i32
        %ne3A = arith.constant 2139095040 : i32
        %ne3A_882 = arith.cmpi ne, %select_n3A_880, %ne3A : i32
        %jit3A_883 = arith.constant 1.000000e+00 : f32
        %jit3A_884 = arith.constant 0.000000e+00 : f32
        %select_n3A_885 = arith.select %ne3A_882, %jit3A_883, %jit3A_884 : f32
        %shift_right_arithmetic3A = arith.constant 4 : i32
        %shift_right_arithmetic3A_886 = arith.shrsi %select_n3A_881, %shift_right_arithmetic3A : i32
        %shift_left3A = arith.constant 4 : i32
        %shift_left3A_887 = arith.shli %shift_right_arithmetic3A_886, %shift_left3A : i32
        %multiple_of3A_888 = tpu.assume_multiple %shift_left3A_887, 16 : i32
        %sub3A = arith.subi %select_n3A_881, %multiple_of3A_888 : i32
        %eq3A_889 = vector.broadcast %sub3A : i32 to vector<16xi32>
        %eq3A_890 = arith.cmpi eq, %iota3A, %eq3A_889 : vector<16xi32>
        %jit3A_891 = arith.constant 0.000000e+00 : f32
        %broadcast_in_dim3A_892 = vector.broadcast %select_n3A_885 : f32 to vector<16xf32>
        %broadcast_in_dim3A_893 = vector.broadcast %jit3A_891 : f32 to vector<16xf32>
        %select_n3A_894 = arith.select %eq3A_890, %broadcast_in_dim3A_892, %broadcast_in_dim3A_893 : vector<16xi1>, vector<16xf32>
        %swap3A = arith.index_cast %scan3A_565 : i32 to index
        %swap3A_895 = arith.index_cast %multiple_of3A_888 : i32 to index
        %swap3A_896 = tpu.vector_load %arg7[%swap3A, %swap3A_895] {strides = array<i32>} : memref<16x1024xf32, #tpu.memory_space<vmem>>, vector<1x16xf32>,
        %swap3A_897 = vector.shape_cast %swap3A_896 : vector<1x16xf32> to vector<16xf32>
        %swap3A_898 = vector.shape_cast %select_n3A_894 : vector<16xf32> to vector<1x16xf32>
        tpu.vector_store %arg7[%swap3A, %swap3A_895], %swap3A_898 {strides = array<i32>} : memref<16x1024xf32, #tpu.memory_space<vmem>>, vector<1x16xf32>,
        %scan3A_899 = arith.constant 0 : i32
        scf.yield %scan3A_899 : i32
      }
      %scan3A_360 = arith.constant 16 : i32
      %eq3A = arith.constant 0 : i32
      %eq3A_361 = arith.cmpi eq, %add3A, %eq3A : i32
      %eq3A_362 = arith.constant 0 : i32
      %eq3A_363 = arith.cmpi eq, %mul3A_179, %eq3A_362 : i32
      %and3A = arith.andi %eq3A_361, %eq3A_363 : i1
      %convert_element_type3A_364 = arith.extui %and3A : i1 to i32
      %cond3A_365 = arith.constant 0 : i32
      %cond3A_366 = arith.cmpi ne, %convert_element_type3A_364, %cond3A_365 : i32
      scf.if %cond3A_366 {
        %get3A = arith.constant 0 : i32
        %get3A_565 = arith.index_cast %get3A : i32 to index
        %get3A_566 = arith.constant 0 : index
        %get3A_567 = tpu.vector_load %arg7[%get3A_565, %get3A_566] {strides = array<i32>} : memref<16x1024xf32, #tpu.memory_space<vmem>>, vector<1x16xf32>,
        %get3A_568 = vector.shape_cast %get3A_567 : vector<1x16xf32> to vector<16xf32>
        %eq3A_569 = arith.constant 1 : i32
        %eq3A_570 = vector.broadcast %eq3A_569 : i32 to vector<16xi32>
        %eq3A_571 = arith.cmpi eq, %iota3A, %eq3A_570 : vector<16xi32>
        %jit3A = arith.constant 1.000000e+00 : f32
        %broadcast_in_dim3A_572 = vector.broadcast %jit3A : f32 to vector<16xf32>
        %select_n3A = arith.select %eq3A_571, %broadcast_in_dim3A_572, %get3A_568 : vector<16xi1>, vector<16xf32>
        %swap3A = arith.constant 0 : i32
        %swap3A_573 = arith.index_cast %swap3A : i32 to index
        %swap3A_574 = arith.constant 0 : index
        %swap3A_575 = tpu.vector_load %arg7[%swap3A_573, %swap3A_574] {strides = array<i32>} : memref<16x1024xf32, #tpu.memory_space<vmem>>, vector<1x16xf32>,
        %swap3A_576 = vector.shape_cast %swap3A_575 : vector<1x16xf32> to vector<16xf32>
        %swap3A_577 = vector.shape_cast %select_n3A : vector<16xf32> to vector<1x16xf32>
        tpu.vector_store %arg7[%swap3A_573, %swap3A_574], %swap3A_577 {strides = array<i32>} : memref<16x1024xf32, #tpu.memory_space<vmem>>, vector<1x16xf32>,
      } else {
      }
      %mul3A_367 = arith.constant 16 : i32
      %mul3A_368 = arith.muli %mul3A_179, %mul3A_367 : i32
      %add3A_369 = arith.addi %mul3A_2, %mul3A_368 : i32
      %add3A_370 = arith.constant 0 : i32
      %add3A_371 = arith.addi %add3A_369, %add3A_370 : i32
      %dma_start3A_372 = arith.constant 0 : i32
      %dma_start3A_373 = arith.constant 0 : i32
      %dma_start3A_374 = tpu.memref_slice %arg7[%dma_start3A_372, %dma_start3A_373] : memref<16x1024xf32, #tpu.memory_space<vmem>> -> memref<8x896xf32, #tpu.memory_space<vmem>>
      %dma_start3A_375 = arith.constant 0 : i32
      %dma_start3A_376 = tpu.memref_slice %arg4[%add3A_371, %dma_start3A_375] : memref<16384x1000xf32, #tpu.memory_space<hbm>> -> memref<8x896xf32, #tpu.memory_space<hbm>>
      %dma_start3A_377 = arith.constant 0 : i32
      %dma_start3A_378 = tpu.memref_slice %arg4[%add3A_371, %dma_start3A_377] : memref<16384x1000xf32, #tpu.memory_space<hbm>> -> memref<8x896xf32, #tpu.memory_space<hbm>>
      %dma_start3A_379 = arith.constant 0 : i32
      %dma_start3A_380 = arith.constant 0 : i32
      %dma_start3A_381 = tpu.memref_slice %arg7[%dma_start3A_379, %dma_start3A_380] : memref<16x1024xf32, #tpu.memory_space<vmem>> -> memref<8x896xf32, #tpu.memory_space<vmem>>
      tpu.enqueue_dma source(%dma_start3A_381 : memref<8x896xf32, #tpu.memory_space<vmem>>) target(%dma_start3A_378 : memref<8x896xf32, #tpu.memory_space<hbm>>) target_semaphore(%arg13 : memref<!tpu.dma_semaphore, #tpu.memory_space<semaphore_mem>>)
      %dma_start3A_382 = arith.constant 0 : i32
      %dma_start3A_383 = arith.constant 896 : i32
      %dma_start3A_384 = tpu.memref_slice %arg7[%dma_start3A_382, %dma_start3A_383] : memref<16x1024xf32, #tpu.memory_space<vmem>> -> memref<8x128xf32, #tpu.memory_space<vmem>>
      %dma_start3A_385 = tpu.memref_slice %arg4[%add3A_371, %multiple_of3A] : memref<16384x1000xf32, #tpu.memory_space<hbm>> -> memref<8x128xf32, #tpu.memory_space<hbm>>
      %dma_start3A_386 = tpu.memref_slice %arg4[%add3A_371, %multiple_of3A] : memref<16384x1000xf32, #tpu.memory_space<hbm>> -> memref<8x128xf32, #tpu.memory_space<hbm>>
      %dma_start3A_387 = arith.constant 0 : i32
      %dma_start3A_388 = arith.constant 896 : i32
      %dma_start3A_389 = tpu.memref_slice %arg7[%dma_start3A_387, %dma_start3A_388] : memref<16x1024xf32, #tpu.memory_space<vmem>> -> memref<8x128xf32, #tpu.memory_space<vmem>>
      tpu.enqueue_dma source(%dma_start3A_389 : memref<8x128xf32, #tpu.memory_space<vmem>>) target(%dma_start3A_386 : memref<8x128xf32, #tpu.memory_space<hbm>>) target_semaphore(%arg13 : memref<!tpu.dma_semaphore, #tpu.memory_space<semaphore_mem>>)
      %add3A_390 = arith.constant 8 : i32
      %add3A_391 = arith.addi %add3A_369, %add3A_390 : i32
      %dma_start3A_392 = arith.constant 8 : i32
      %dma_start3A_393 = arith.constant 0 : i32
      %dma_start3A_394 = tpu.memref_slice %arg7[%dma_start3A_392, %dma_start3A_393] : memref<16x1024xf32, #tpu.memory_space<vmem>> -> memref<8x896xf32, #tpu.memory_space<vmem>>
      %dma_start3A_395 = arith.constant 0 : i32
      %dma_start3A_396 = tpu.memref_slice %arg4[%add3A_391, %dma_start3A_395] : memref<16384x1000xf32, #tpu.memory_space<hbm>> -> memref<8x896xf32, #tpu.memory_space<hbm>>
      %dma_start3A_397 = arith.constant 0 : i32
      %dma_start3A_398 = tpu.memref_slice %arg4[%add3A_391, %dma_start3A_397] : memref<16384x1000xf32, #tpu.memory_space<hbm>> -> memref<8x896xf32, #tpu.memory_space<hbm>>
      %dma_start3A_399 = arith.constant 8 : i32
      %dma_start3A_400 = arith.constant 0 : i32
      %dma_start3A_401 = tpu.memref_slice %arg7[%dma_start3A_399, %dma_start3A_400] : memref<16x1024xf32, #tpu.memory_space<vmem>> -> memref<8x896xf32, #tpu.memory_space<vmem>>
      tpu.enqueue_dma source(%dma_start3A_401 : memref<8x896xf32, #tpu.memory_space<vmem>>) target(%dma_start3A_398 : memref<8x896xf32, #tpu.memory_space<hbm>>) target_semaphore(%arg13 : memref<!tpu.dma_semaphore, #tpu.memory_space<semaphore_mem>>)
      %dma_start3A_402 = arith.constant 8 : i32
      %dma_start3A_403 = arith.constant 896 : i32
      %dma_start3A_404 = tpu.memref_slice %arg7[%dma_start3A_402, %dma_start3A_403] : memref<16x1024xf32, #tpu.memory_space<vmem>> -> memref<8x128xf32, #tpu.memory_space<vmem>>
      %dma_start3A_405 = tpu.memref_slice %arg4[%add3A_391, %multiple_of3A] : memref<16384x1000xf32, #tpu.memory_space<hbm>> -> memref<8x128xf32, #tpu.memory_space<hbm>>
      %dma_start3A_406 = tpu.memref_slice %arg4[%add3A_391, %multiple_of3A] : memref<16384x1000xf32, #tpu.memory_space<hbm>> -> memref<8x128xf32, #tpu.memory_space<hbm>>
      %dma_start3A_407 = arith.constant 8 : i32
      %dma_start3A_408 = arith.constant 896 : i32
      %dma_start3A_409 = tpu.memref_slice %arg7[%dma_start3A_407, %dma_start3A_408] : memref<16x1024xf32, #tpu.memory_space<vmem>> -> memref<8x128xf32, #tpu.memory_space<vmem>>
      tpu.enqueue_dma source(%dma_start3A_409 : memref<8x128xf32, #tpu.memory_space<vmem>>) target(%dma_start3A_406 : memref<8x128xf32, #tpu.memory_space<hbm>>) target_semaphore(%arg13 : memref<!tpu.dma_semaphore, #tpu.memory_space<semaphore_mem>>)
      %lt3A = arith.constant 15 : i32
      %lt3A_410 = arith.cmpi slt, %scan3A_176, %lt3A : i32
      %convert_element_type3A_411 = arith.extui %lt3A_410 : i1 to i32
      %cond3A_412 = arith.constant 0 : i32
      %cond3A_413 = arith.cmpi ne, %convert_element_type3A_411, %cond3A_412 : i32
      scf.if %cond3A_413 {
        %add3A_565 = arith.constant 2 : i32
        %add3A_566 = arith.addi %mul3A_179, %add3A_565 : i32
        %mul3A_567 = arith.constant 16 : i32
        %mul3A_568 = arith.muli %add3A_566, %mul3A_567 : i32
        %add3A_569 = arith.addi %mul3A_2, %mul3A_568 : i32
        %add3A_570 = arith.constant 0 : i32
        %add3A_571 = arith.addi %add3A_569, %add3A_570 : i32
        %dma_start3A_572 = arith.constant 0 : i32
        %dma_start3A_573 = arith.constant 0 : i32
        %dma_start3A_574 = tpu.memref_slice %arg5[%dma_start3A_572, %dma_start3A_573] : memref<16x1024xf32, #tpu.memory_space<vmem>> -> memref<8x896xf32, #tpu.memory_space<vmem>>
        %dma_start3A_575 = arith.constant 0 : i32
        %dma_start3A_576 = tpu.memref_slice %arg2[%add3A_571, %dma_start3A_575] : memref<16384x1000xf32, #tpu.memory_space<hbm>> -> memref<8x896xf32, #tpu.memory_space<hbm>>
        %dma_start3A_577 = arith.constant 0 : i32
        %dma_start3A_578 = arith.constant 0 : i32
        %dma_start3A_579 = tpu.memref_slice %arg5[%dma_start3A_577, %dma_start3A_578] : memref<16x1024xf32, #tpu.memory_space<vmem>> -> memref<8x896xf32, #tpu.memory_space<vmem>>
        %dma_start3A_580 = arith.constant 0 : i32
        %dma_start3A_581 = tpu.memref_slice %arg2[%add3A_571, %dma_start3A_580] : memref<16384x1000xf32, #tpu.memory_space<hbm>> -> memref<8x896xf32, #tpu.memory_space<hbm>>
        tpu.enqueue_dma source(%dma_start3A_581 : memref<8x896xf32, #tpu.memory_space<hbm>>) target(%dma_start3A_579 : memref<8x896xf32, #tpu.memory_space<vmem>>) target_semaphore(%arg11 : memref<!tpu.dma_semaphore, #tpu.memory_space<semaphore_mem>>)
        %dma_start3A_582 = arith.constant 0 : i32
        %dma_start3A_583 = arith.constant 896 : i32
        %dma_start3A_584 = tpu.memref_slice %arg5[%dma_start3A_582, %dma_start3A_583] : memref<16x1024xf32, #tpu.memory_space<vmem>> -> memref<8x128xf32, #tpu.memory_space<vmem>>
        %dma_start3A_585 = tpu.memref_slice %arg2[%add3A_571, %multiple_of3A] : memref<16384x1000xf32, #tpu.memory_space<hbm>> -> memref<8x128xf32, #tpu.memory_space<hbm>>
        %dma_start3A_586 = arith.constant 0 : i32
        %dma_start3A_587 = arith.constant 896 : i32
        %dma_start3A_588 = tpu.memref_slice %arg5[%dma_start3A_586, %dma_start3A_587] : memref<16x1024xf32, #tpu.memory_space<vmem>> -> memref<8x128xf32, #tpu.memory_space<vmem>>
        %dma_start3A_589 = tpu.memref_slice %arg2[%add3A_571, %multiple_of3A] : memref<16384x1000xf32, #tpu.memory_space<hbm>> -> memref<8x128xf32, #tpu.memory_space<hbm>>
        tpu.enqueue_dma source(%dma_start3A_589 : memref<8x128xf32, #tpu.memory_space<hbm>>) target(%dma_start3A_588 : memref<8x128xf32, #tpu.memory_space<vmem>>) target_semaphore(%arg11 : memref<!tpu.dma_semaphore, #tpu.memory_space<semaphore_mem>>)
        %add3A_590 = arith.constant 8 : i32
        %add3A_591 = arith.addi %add3A_569, %add3A_590 : i32
        %dma_start3A_592 = arith.constant 8 : i32
        %dma_start3A_593 = arith.constant 0 : i32
        %dma_start3A_594 = tpu.memref_slice %arg5[%dma_start3A_592, %dma_start3A_593] : memref<16x1024xf32, #tpu.memory_space<vmem>> -> memref<8x896xf32, #tpu.memory_space<vmem>>
        %dma_start3A_595 = arith.constant 0 : i32
        %dma_start3A_596 = tpu.memref_slice %arg2[%add3A_591, %dma_start3A_595] : memref<16384x1000xf32, #tpu.memory_space<hbm>> -> memref<8x896xf32, #tpu.memory_space<hbm>>
        %dma_start3A_597 = arith.constant 8 : i32
        %dma_start3A_598 = arith.constant 0 : i32
        %dma_start3A_599 = tpu.memref_slice %arg5[%dma_start3A_597, %dma_start3A_598] : memref<16x1024xf32, #tpu.memory_space<vmem>> -> memref<8x896xf32, #tpu.memory_space<vmem>>
        %dma_start3A_600 = arith.constant 0 : i32
        %dma_start3A_601 = tpu.memref_slice %arg2[%add3A_591, %dma_start3A_600] : memref<16384x1000xf32, #tpu.memory_space<hbm>> -> memref<8x896xf32, #tpu.memory_space<hbm>>
        tpu.enqueue_dma source(%dma_start3A_601 : memref<8x896xf32, #tpu.memory_space<hbm>>) target(%dma_start3A_599 : memref<8x896xf32, #tpu.memory_space<vmem>>) target_semaphore(%arg11 : memref<!tpu.dma_semaphore, #tpu.memory_space<semaphore_mem>>)
        %dma_start3A_602 = arith.constant 8 : i32
        %dma_start3A_603 = arith.constant 896 : i32
        %dma_start3A_604 = tpu.memref_slice %arg5[%dma_start3A_602, %dma_start3A_603] : memref<16x1024xf32, #tpu.memory_space<vmem>> -> memref<8x128xf32, #tpu.memory_space<vmem>>
        %dma_start3A_605 = tpu.memref_slice %arg2[%add3A_591, %multiple_of3A] : memref<16384x1000xf32, #tpu.memory_space<hbm>> -> memref<8x128xf32, #tpu.memory_space<hbm>>
        %dma_start3A_606 = arith.constant 8 : i32
        %dma_start3A_607 = arith.constant 896 : i32
        %dma_start3A_608 = tpu.memref_slice %arg5[%dma_start3A_606, %dma_start3A_607] : memref<16x1024xf32, #tpu.memory_space<vmem>> -> memref<8x128xf32, #tpu.memory_space<vmem>>
        %dma_start3A_609 = tpu.memref_slice %arg2[%add3A_591, %multiple_of3A] : memref<16384x1000xf32, #tpu.memory_space<hbm>> -> memref<8x128xf32, #tpu.memory_space<hbm>>
        tpu.enqueue_dma source(%dma_start3A_609 : memref<8x128xf32, #tpu.memory_space<hbm>>) target(%dma_start3A_608 : memref<8x128xf32, #tpu.memory_space<vmem>>) target_semaphore(%arg11 : memref<!tpu.dma_semaphore, #tpu.memory_space<semaphore_mem>>)
        %add3A_610 = arith.constant 0 : i32
        %add3A_611 = arith.addi %add3A_569, %add3A_610 : i32
        %dma_start3A_612 = arith.constant 0 : i32
        %dma_start3A_613 = arith.constant 0 : i32
        %dma_start3A_614 = tpu.memref_slice %arg6[%dma_start3A_612, %dma_start3A_613] : memref<16x1024xf32, #tpu.memory_space<vmem>> -> memref<8x896xf32, #tpu.memory_space<vmem>>
        %dma_start3A_615 = arith.constant 0 : i32
        %dma_start3A_616 = tpu.memref_slice %arg3[%add3A_611, %dma_start3A_615] : memref<16384x1000xf32, #tpu.memory_space<hbm>> -> memref<8x896xf32, #tpu.memory_space<hbm>>
        %dma_start3A_617 = arith.constant 0 : i32
        %dma_start3A_618 = arith.constant 0 : i32
        %dma_start3A_619 = tpu.memref_slice %arg6[%dma_start3A_617, %dma_start3A_618] : memref<16x1024xf32, #tpu.memory_space<vmem>> -> memref<8x896xf32, #tpu.memory_space<vmem>>
        %dma_start3A_620 = arith.constant 0 : i32
        %dma_start3A_621 = tpu.memref_slice %arg3[%add3A_611, %dma_start3A_620] : memref<16384x1000xf32, #tpu.memory_space<hbm>> -> memref<8x896xf32, #tpu.memory_space<hbm>>
        tpu.enqueue_dma source(%dma_start3A_621 : memref<8x896xf32, #tpu.memory_space<hbm>>) target(%dma_start3A_619 : memref<8x896xf32, #tpu.memory_space<vmem>>) target_semaphore(%arg12 : memref<!tpu.dma_semaphore, #tpu.memory_space<semaphore_mem>>)
        %dma_start3A_622 = arith.constant 0 : i32
        %dma_start3A_623 = arith.constant 896 : i32
        %dma_start3A_624 = tpu.memref_slice %arg6[%dma_start3A_622, %dma_start3A_623] : memref<16x1024xf32, #tpu.memory_space<vmem>> -> memref<8x128xf32, #tpu.memory_space<vmem>>
        %dma_start3A_625 = tpu.memref_slice %arg3[%add3A_611, %multiple_of3A] : memref<16384x1000xf32, #tpu.memory_space<hbm>> -> memref<8x128xf32, #tpu.memory_space<hbm>>
        %dma_start3A_626 = arith.constant 0 : i32
        %dma_start3A_627 = arith.constant 896 : i32
        %dma_start3A_628 = tpu.memref_slice %arg6[%dma_start3A_626, %dma_start3A_627] : memref<16x1024xf32, #tpu.memory_space<vmem>> -> memref<8x128xf32, #tpu.memory_space<vmem>>
        %dma_start3A_629 = tpu.memref_slice %arg3[%add3A_611, %multiple_of3A] : memref<16384x1000xf32, #tpu.memory_space<hbm>> -> memref<8x128xf32, #tpu.memory_space<hbm>>
        tpu.enqueue_dma source(%dma_start3A_629 : memref<8x128xf32, #tpu.memory_space<hbm>>) target(%dma_start3A_628 : memref<8x128xf32, #tpu.memory_space<vmem>>) target_semaphore(%arg12 : memref<!tpu.dma_semaphore, #tpu.memory_space<semaphore_mem>>)
        %add3A_630 = arith.constant 8 : i32
        %add3A_631 = arith.addi %add3A_569, %add3A_630 : i32
        %dma_start3A_632 = arith.constant 8 : i32
        %dma_start3A_633 = arith.constant 0 : i32
        %dma_start3A_634 = tpu.memref_slice %arg6[%dma_start3A_632, %dma_start3A_633] : memref<16x1024xf32, #tpu.memory_space<vmem>> -> memref<8x896xf32, #tpu.memory_space<vmem>>
        %dma_start3A_635 = arith.constant 0 : i32
        %dma_start3A_636 = tpu.memref_slice %arg3[%add3A_631, %dma_start3A_635] : memref<16384x1000xf32, #tpu.memory_space<hbm>> -> memref<8x896xf32, #tpu.memory_space<hbm>>
        %dma_start3A_637 = arith.constant 8 : i32
        %dma_start3A_638 = arith.constant 0 : i32
        %dma_start3A_639 = tpu.memref_slice %arg6[%dma_start3A_637, %dma_start3A_638] : memref<16x1024xf32, #tpu.memory_space<vmem>> -> memref<8x896xf32, #tpu.memory_space<vmem>>
        %dma_start3A_640 = arith.constant 0 : i32
        %dma_start3A_641 = tpu.memref_slice %arg3[%add3A_631, %dma_start3A_640] : memref<16384x1000xf32, #tpu.memory_space<hbm>> -> memref<8x896xf32, #tpu.memory_space<hbm>>
        tpu.enqueue_dma source(%dma_start3A_641 : memref<8x896xf32, #tpu.memory_space<hbm>>) target(%dma_start3A_639 : memref<8x896xf32, #tpu.memory_space<vmem>>) target_semaphore(%arg12 : memref<!tpu.dma_semaphore, #tpu.memory_space<semaphore_mem>>)
        %dma_start3A_642 = arith.constant 8 : i32
        %dma_start3A_643 = arith.constant 896 : i32
        %dma_start3A_644 = tpu.memref_slice %arg6[%dma_start3A_642, %dma_start3A_643] : memref<16x1024xf32, #tpu.memory_space<vmem>> -> memref<8x128xf32, #tpu.memory_space<vmem>>
        %dma_start3A_645 = tpu.memref_slice %arg3[%add3A_631, %multiple_of3A] : memref<16384x1000xf32, #tpu.memory_space<hbm>> -> memref<8x128xf32, #tpu.memory_space<hbm>>
        %dma_start3A_646 = arith.constant 8 : i32
        %dma_start3A_647 = arith.constant 896 : i32
        %dma_start3A_648 = tpu.memref_slice %arg6[%dma_start3A_646, %dma_start3A_647] : memref<16x1024xf32, #tpu.memory_space<vmem>> -> memref<8x128xf32, #tpu.memory_space<vmem>>
        %dma_start3A_649 = tpu.memref_slice %arg3[%add3A_631, %multiple_of3A] : memref<16384x1000xf32, #tpu.memory_space<hbm>> -> memref<8x128xf32, #tpu.memory_space<hbm>>
        tpu.enqueue_dma source(%dma_start3A_649 : memref<8x128xf32, #tpu.memory_space<hbm>>) target(%dma_start3A_648 : memref<8x128xf32, #tpu.memory_space<vmem>>) target_semaphore(%arg12 : memref<!tpu.dma_semaphore, #tpu.memory_space<semaphore_mem>>)
      } else {
      }
      %add3A_414 = arith.constant 0 : i32
      %add3A_415 = arith.addi %mul3A_2, %add3A_414 : i32
      %dma_wait3A_416 = arith.constant 0 : i32
      %dma_wait3A_417 = arith.constant 0 : i32
      %dma_wait3A_418 = tpu.memref_slice %arg8[%dma_wait3A_416, %dma_wait3A_417] : memref<16x1024xf32, #tpu.memory_space<vmem>> -> memref<8x896xf32, #tpu.memory_space<vmem>>
      %dma_wait3A_419 = arith.constant 0 : i32
      %dma_wait3A_420 = tpu.memref_slice %arg2[%add3A_415, %dma_wait3A_419] : memref<16384x1000xf32, #tpu.memory_space<hbm>> -> memref<8x896xf32, #tpu.memory_space<hbm>>
      %dma_wait3A_421 = arith.constant 0 : i32
      %dma_wait3A_422 = arith.constant 0 : i32
      %dma_wait3A_423 = tpu.memref_slice %arg8[%dma_wait3A_421, %dma_wait3A_422] : memref<16x1024xf32, #tpu.memory_space<vmem>> -> memref<8x896xf32, #tpu.memory_space<vmem>>
      %dma_wait3A_424 = arith.constant 0 : i32
      %dma_wait3A_425 = tpu.memref_slice %arg2[%add3A_415, %dma_wait3A_424] : memref<16384x1000xf32, #tpu.memory_space<hbm>> -> memref<8x896xf32, #tpu.memory_space<hbm>>
      tpu.wait_dma2 semaphore(%arg14 : memref<!tpu.dma_semaphore, #tpu.memory_space<semaphore_mem>>) src(%dma_wait3A_425 : memref<8x896xf32, #tpu.memory_space<hbm>>) dst(%dma_wait3A_423 : memref<8x896xf32, #tpu.memory_space<vmem>>)
      %dma_wait3A_426 = arith.constant 0 : i32
      %dma_wait3A_427 = arith.constant 896 : i32
      %dma_wait3A_428 = tpu.memref_slice %arg8[%dma_wait3A_426, %dma_wait3A_427] : memref<16x1024xf32, #tpu.memory_space<vmem>> -> memref<8x128xf32, #tpu.memory_space<vmem>>
      %dma_wait3A_429 = tpu.memref_slice %arg2[%add3A_415, %multiple_of3A] : memref<16384x1000xf32, #tpu.memory_space<hbm>> -> memref<8x128xf32, #tpu.memory_space<hbm>>
      %dma_wait3A_430 = arith.constant 0 : i32
      %dma_wait3A_431 = arith.constant 896 : i32
      %dma_wait3A_432 = tpu.memref_slice %arg8[%dma_wait3A_430, %dma_wait3A_431] : memref<16x1024xf32, #tpu.memory_space<vmem>> -> memref<8x128xf32, #tpu.memory_space<vmem>>
      %dma_wait3A_433 = tpu.memref_slice %arg2[%add3A_415, %multiple_of3A] : memref<16384x1000xf32, #tpu.memory_space<hbm>> -> memref<8x128xf32, #tpu.memory_space<hbm>>
      tpu.wait_dma2 semaphore(%arg14 : memref<!tpu.dma_semaphore, #tpu.memory_space<semaphore_mem>>) src(%dma_wait3A_433 : memref<8x128xf32, #tpu.memory_space<hbm>>) dst(%dma_wait3A_432 : memref<8x128xf32, #tpu.memory_space<vmem>>)
      %add3A_434 = arith.constant 8 : i32
      %add3A_435 = arith.addi %mul3A_2, %add3A_434 : i32
      %dma_wait3A_436 = arith.constant 8 : i32
      %dma_wait3A_437 = arith.constant 0 : i32
      %dma_wait3A_438 = tpu.memref_slice %arg8[%dma_wait3A_436, %dma_wait3A_437] : memref<16x1024xf32, #tpu.memory_space<vmem>> -> memref<8x896xf32, #tpu.memory_space<vmem>>
      %dma_wait3A_439 = arith.constant 0 : i32
      %dma_wait3A_440 = tpu.memref_slice %arg2[%add3A_435, %dma_wait3A_439] : memref<16384x1000xf32, #tpu.memory_space<hbm>> -> memref<8x896xf32, #tpu.memory_space<hbm>>
      %dma_wait3A_441 = arith.constant 8 : i32
      %dma_wait3A_442 = arith.constant 0 : i32
      %dma_wait3A_443 = tpu.memref_slice %arg8[%dma_wait3A_441, %dma_wait3A_442] : memref<16x1024xf32, #tpu.memory_space<vmem>> -> memref<8x896xf32, #tpu.memory_space<vmem>>
      %dma_wait3A_444 = arith.constant 0 : i32
      %dma_wait3A_445 = tpu.memref_slice %arg2[%add3A_435, %dma_wait3A_444] : memref<16384x1000xf32, #tpu.memory_space<hbm>> -> memref<8x896xf32, #tpu.memory_space<hbm>>
      tpu.wait_dma2 semaphore(%arg14 : memref<!tpu.dma_semaphore, #tpu.memory_space<semaphore_mem>>) src(%dma_wait3A_445 : memref<8x896xf32, #tpu.memory_space<hbm>>) dst(%dma_wait3A_443 : memref<8x896xf32, #tpu.memory_space<vmem>>)
      %dma_wait3A_446 = arith.constant 8 : i32
      %dma_wait3A_447 = arith.constant 896 : i32
      %dma_wait3A_448 = tpu.memref_slice %arg8[%dma_wait3A_446, %dma_wait3A_447] : memref<16x1024xf32, #tpu.memory_space<vmem>> -> memref<8x128xf32, #tpu.memory_space<vmem>>
      %dma_wait3A_449 = tpu.memref_slice %arg2[%add3A_435, %multiple_of3A] : memref<16384x1000xf32, #tpu.memory_space<hbm>> -> memref<8x128xf32, #tpu.memory_space<hbm>>
      %dma_wait3A_450 = arith.constant 8 : i32
      %dma_wait3A_451 = arith.constant 896 : i32
      %dma_wait3A_452 = tpu.memref_slice %arg8[%dma_wait3A_450, %dma_wait3A_451] : memref<16x1024xf32, #tpu.memory_space<vmem>> -> memref<8x128xf32, #tpu.memory_space<vmem>>
      %dma_wait3A_453 = tpu.memref_slice %arg2[%add3A_435, %multiple_of3A] : memref<16384x1000xf32, #tpu.memory_space<hbm>> -> memref<8x128xf32, #tpu.memory_space<hbm>>
      tpu.wait_dma2 semaphore(%arg14 : memref<!tpu.dma_semaphore, #tpu.memory_space<semaphore_mem>>) src(%dma_wait3A_453 : memref<8x128xf32, #tpu.memory_space<hbm>>) dst(%dma_wait3A_452 : memref<8x128xf32, #tpu.memory_space<vmem>>)
      %add3A_454 = arith.constant 0 : i32
      %add3A_455 = arith.addi %mul3A_2, %add3A_454 : i32
      %dma_wait3A_456 = arith.constant 0 : i32
      %dma_wait3A_457 = arith.constant 0 : i32
      %dma_wait3A_458 = tpu.memref_slice %arg9[%dma_wait3A_456, %dma_wait3A_457] : memref<16x1024xf32, #tpu.memory_space<vmem>> -> memref<8x896xf32, #tpu.memory_space<vmem>>
      %dma_wait3A_459 = arith.constant 0 : i32
      %dma_wait3A_460 = tpu.memref_slice %arg3[%add3A_455, %dma_wait3A_459] : memref<16384x1000xf32, #tpu.memory_space<hbm>> -> memref<8x896xf32, #tpu.memory_space<hbm>>
      %dma_wait3A_461 = arith.constant 0 : i32
      %dma_wait3A_462 = arith.constant 0 : i32
      %dma_wait3A_463 = tpu.memref_slice %arg9[%dma_wait3A_461, %dma_wait3A_462] : memref<16x1024xf32, #tpu.memory_space<vmem>> -> memref<8x896xf32, #tpu.memory_space<vmem>>
      %dma_wait3A_464 = arith.constant 0 : i32
      %dma_wait3A_465 = tpu.memref_slice %arg3[%add3A_455, %dma_wait3A_464] : memref<16384x1000xf32, #tpu.memory_space<hbm>> -> memref<8x896xf32, #tpu.memory_space<hbm>>
      tpu.wait_dma2 semaphore(%arg15 : memref<!tpu.dma_semaphore, #tpu.memory_space<semaphore_mem>>) src(%dma_wait3A_465 : memref<8x896xf32, #tpu.memory_space<hbm>>) dst(%dma_wait3A_463 : memref<8x896xf32, #tpu.memory_space<vmem>>)
      %dma_wait3A_466 = arith.constant 0 : i32
      %dma_wait3A_467 = arith.constant 896 : i32
      %dma_wait3A_468 = tpu.memref_slice %arg9[%dma_wait3A_466, %dma_wait3A_467] : memref<16x1024xf32, #tpu.memory_space<vmem>> -> memref<8x128xf32, #tpu.memory_space<vmem>>
      %dma_wait3A_469 = tpu.memref_slice %arg3[%add3A_455, %multiple_of3A] : memref<16384x1000xf32, #tpu.memory_space<hbm>> -> memref<8x128xf32, #tpu.memory_space<hbm>>
      %dma_wait3A_470 = arith.constant 0 : i32
      %dma_wait3A_471 = arith.constant 896 : i32
      %dma_wait3A_472 = tpu.memref_slice %arg9[%dma_wait3A_470, %dma_wait3A_471] : memref<16x1024xf32, #tpu.memory_space<vmem>> -> memref<8x128xf32, #tpu.memory_space<vmem>>
      %dma_wait3A_473 = tpu.memref_slice %arg3[%add3A_455, %multiple_of3A] : memref<16384x1000xf32, #tpu.memory_space<hbm>> -> memref<8x128xf32, #tpu.memory_space<hbm>>
      tpu.wait_dma2 semaphore(%arg15 : memref<!tpu.dma_semaphore, #tpu.memory_space<semaphore_mem>>) src(%dma_wait3A_473 : memref<8x128xf32, #tpu.memory_space<hbm>>) dst(%dma_wait3A_472 : memref<8x128xf32, #tpu.memory_space<vmem>>)
      %add3A_474 = arith.constant 8 : i32
      %add3A_475 = arith.addi %mul3A_2, %add3A_474 : i32
      %dma_wait3A_476 = arith.constant 8 : i32
      %dma_wait3A_477 = arith.constant 0 : i32
      %dma_wait3A_478 = tpu.memref_slice %arg9[%dma_wait3A_476, %dma_wait3A_477] : memref<16x1024xf32, #tpu.memory_space<vmem>> -> memref<8x896xf32, #tpu.memory_space<vmem>>
      %dma_wait3A_479 = arith.constant 0 : i32
      %dma_wait3A_480 = tpu.memref_slice %arg3[%add3A_475, %dma_wait3A_479] : memref<16384x1000xf32, #tpu.memory_space<hbm>> -> memref<8x896xf32, #tpu.memory_space<hbm>>
      %dma_wait3A_481 = arith.constant 8 : i32
      %dma_wait3A_482 = arith.constant 0 : i32
      %dma_wait3A_483 = tpu.memref_slice %arg9[%dma_wait3A_481, %dma_wait3A_482] : memref<16x1024xf32, #tpu.memory_space<vmem>> -> memref<8x896xf32, #tpu.memory_space<vmem>>
      %dma_wait3A_484 = arith.constant 0 : i32
      %dma_wait3A_485 = tpu.memref_slice %arg3[%add3A_475, %dma_wait3A_484] : memref<16384x1000xf32, #tpu.memory_space<hbm>> -> memref<8x896xf32, #tpu.memory_space<hbm>>
      tpu.wait_dma2 semaphore(%arg15 : memref<!tpu.dma_semaphore, #tpu.memory_space<semaphore_mem>>) src(%dma_wait3A_485 : memref<8x896xf32, #tpu.memory_space<hbm>>) dst(%dma_wait3A_483 : memref<8x896xf32, #tpu.memory_space<vmem>>)
      %dma_wait3A_486 = arith.constant 8 : i32
      %dma_wait3A_487 = arith.constant 896 : i32
      %dma_wait3A_488 = tpu.memref_slice %arg9[%dma_wait3A_486, %dma_wait3A_487] : memref<16x1024xf32, #tpu.memory_space<vmem>> -> memref<8x128xf32, #tpu.memory_space<vmem>>
      %dma_wait3A_489 = tpu.memref_slice %arg3[%add3A_475, %multiple_of3A] : memref<16384x1000xf32, #tpu.memory_space<hbm>> -> memref<8x128xf32, #tpu.memory_space<hbm>>
      %dma_wait3A_490 = arith.constant 8 : i32
      %dma_wait3A_491 = arith.constant 896 : i32
      %dma_wait3A_492 = tpu.memref_slice %arg9[%dma_wait3A_490, %dma_wait3A_491] : memref<16x1024xf32, #tpu.memory_space<vmem>> -> memref<8x128xf32, #tpu.memory_space<vmem>>
      %dma_wait3A_493 = tpu.memref_slice %arg3[%add3A_475, %multiple_of3A] : memref<16384x1000xf32, #tpu.memory_space<hbm>> -> memref<8x128xf32, #tpu.memory_space<hbm>>
      tpu.wait_dma2 semaphore(%arg15 : memref<!tpu.dma_semaphore, #tpu.memory_space<semaphore_mem>>) src(%dma_wait3A_493 : memref<8x128xf32, #tpu.memory_space<hbm>>) dst(%dma_wait3A_492 : memref<8x128xf32, #tpu.memory_space<vmem>>)
      %gt3A_494 = arith.constant 0 : i32
      %gt3A_495 = arith.cmpi sgt, %scan3A_176, %gt3A_494 : i32
      %convert_element_type3A_496 = arith.extui %gt3A_495 : i1 to i32
      %cond3A_497 = arith.constant 0 : i32
      %cond3A_498 = arith.cmpi ne, %convert_element_type3A_496, %cond3A_497 : i32
      scf.if %cond3A_498 {
        %add3A_565 = arith.constant 0 : i32
        %add3A_566 = arith.addi %mul3A_2, %add3A_565 : i32
        %dma_wait3A_567 = arith.constant 0 : i32
        %dma_wait3A_568 = arith.constant 0 : i32
        %dma_wait3A_569 = tpu.memref_slice %arg10[%dma_wait3A_567, %dma_wait3A_568] : memref<16x1024xf32, #tpu.memory_space<vmem>> -> memref<8x896xf32, #tpu.memory_space<vmem>>
        %dma_wait3A_570 = arith.constant 0 : i32
        %dma_wait3A_571 = tpu.memref_slice %arg4[%add3A_566, %dma_wait3A_570] : memref<16384x1000xf32, #tpu.memory_space<hbm>> -> memref<8x896xf32, #tpu.memory_space<hbm>>
        %dma_wait3A_572 = arith.constant 0 : i32
        %dma_wait3A_573 = tpu.memref_slice %arg4[%add3A_566, %dma_wait3A_572] : memref<16384x1000xf32, #tpu.memory_space<hbm>> -> memref<8x896xf32, #tpu.memory_space<hbm>>
        %dma_wait3A_574 = arith.constant 0 : i32
        %dma_wait3A_575 = arith.constant 0 : i32
        %dma_wait3A_576 = tpu.memref_slice %arg10[%dma_wait3A_574, %dma_wait3A_575] : memref<16x1024xf32, #tpu.memory_space<vmem>> -> memref<8x896xf32, #tpu.memory_space<vmem>>
        tpu.wait_dma2 semaphore(%arg16 : memref<!tpu.dma_semaphore, #tpu.memory_space<semaphore_mem>>) src(%dma_wait3A_576 : memref<8x896xf32, #tpu.memory_space<vmem>>) dst(%dma_wait3A_573 : memref<8x896xf32, #tpu.memory_space<hbm>>)
        %dma_wait3A_577 = arith.constant 0 : i32
        %dma_wait3A_578 = arith.constant 896 : i32
        %dma_wait3A_579 = tpu.memref_slice %arg10[%dma_wait3A_577, %dma_wait3A_578] : memref<16x1024xf32, #tpu.memory_space<vmem>> -> memref<8x128xf32, #tpu.memory_space<vmem>>
        %dma_wait3A_580 = tpu.memref_slice %arg4[%add3A_566, %multiple_of3A] : memref<16384x1000xf32, #tpu.memory_space<hbm>> -> memref<8x128xf32, #tpu.memory_space<hbm>>
        %dma_wait3A_581 = tpu.memref_slice %arg4[%add3A_566, %multiple_of3A] : memref<16384x1000xf32, #tpu.memory_space<hbm>> -> memref<8x128xf32, #tpu.memory_space<hbm>>
        %dma_wait3A_582 = arith.constant 0 : i32
        %dma_wait3A_583 = arith.constant 896 : i32
        %dma_wait3A_584 = tpu.memref_slice %arg10[%dma_wait3A_582, %dma_wait3A_583] : memref<16x1024xf32, #tpu.memory_space<vmem>> -> memref<8x128xf32, #tpu.memory_space<vmem>>
        tpu.wait_dma2 semaphore(%arg16 : memref<!tpu.dma_semaphore, #tpu.memory_space<semaphore_mem>>) src(%dma_wait3A_584 : memref<8x128xf32, #tpu.memory_space<vmem>>) dst(%dma_wait3A_581 : memref<8x128xf32, #tpu.memory_space<hbm>>)
        %add3A_585 = arith.constant 8 : i32
        %add3A_586 = arith.addi %mul3A_2, %add3A_585 : i32
        %dma_wait3A_587 = arith.constant 8 : i32
        %dma_wait3A_588 = arith.constant 0 : i32
        %dma_wait3A_589 = tpu.memref_slice %arg10[%dma_wait3A_587, %dma_wait3A_588] : memref<16x1024xf32, #tpu.memory_space<vmem>> -> memref<8x896xf32, #tpu.memory_space<vmem>>
        %dma_wait3A_590 = arith.constant 0 : i32
        %dma_wait3A_591 = tpu.memref_slice %arg4[%add3A_586, %dma_wait3A_590] : memref<16384x1000xf32, #tpu.memory_space<hbm>> -> memref<8x896xf32, #tpu.memory_space<hbm>>
        %dma_wait3A_592 = arith.constant 0 : i32
        %dma_wait3A_593 = tpu.memref_slice %arg4[%add3A_586, %dma_wait3A_592] : memref<16384x1000xf32, #tpu.memory_space<hbm>> -> memref<8x896xf32, #tpu.memory_space<hbm>>
        %dma_wait3A_594 = arith.constant 8 : i32
        %dma_wait3A_595 = arith.constant 0 : i32
        %dma_wait3A_596 = tpu.memref_slice %arg10[%dma_wait3A_594, %dma_wait3A_595] : memref<16x1024xf32, #tpu.memory_space<vmem>> -> memref<8x896xf32, #tpu.memory_space<vmem>>
        tpu.wait_dma2 semaphore(%arg16 : memref<!tpu.dma_semaphore, #tpu.memory_space<semaphore_mem>>) src(%dma_wait3A_596 : memref<8x896xf32, #tpu.memory_space<vmem>>) dst(%dma_wait3A_593 : memref<8x896xf32, #tpu.memory_space<hbm>>)
        %dma_wait3A_597 = arith.constant 8 : i32
        %dma_wait3A_598 = arith.constant 896 : i32
        %dma_wait3A_599 = tpu.memref_slice %arg10[%dma_wait3A_597, %dma_wait3A_598] : memref<16x1024xf32, #tpu.memory_space<vmem>> -> memref<8x128xf32, #tpu.memory_space<vmem>>
        %dma_wait3A_600 = tpu.memref_slice %arg4[%add3A_586, %multiple_of3A] : memref<16384x1000xf32, #tpu.memory_space<hbm>> -> memref<8x128xf32, #tpu.memory_space<hbm>>
        %dma_wait3A_601 = tpu.memref_slice %arg4[%add3A_586, %multiple_of3A] : memref<16384x1000xf32, #tpu.memory_space<hbm>> -> memref<8x128xf32, #tpu.memory_space<hbm>>
        %dma_wait3A_602 = arith.constant 8 : i32
        %dma_wait3A_603 = arith.constant 896 : i32
        %dma_wait3A_604 = tpu.memref_slice %arg10[%dma_wait3A_602, %dma_wait3A_603] : memref<16x1024xf32, #tpu.memory_space<vmem>> -> memref<8x128xf32, #tpu.memory_space<vmem>>
        tpu.wait_dma2 semaphore(%arg16 : memref<!tpu.dma_semaphore, #tpu.memory_space<semaphore_mem>>) src(%dma_wait3A_604 : memref<8x128xf32, #tpu.memory_space<vmem>>) dst(%dma_wait3A_601 : memref<8x128xf32, #tpu.memory_space<hbm>>)
      } else {
      }
      %scan3A_499 = arith.constant 0 : i32
      %scan3A_500 = arith.constant 0 : i32
      %scan3A_501 = arith.constant 16 : i32
      %scan3A_502 = arith.addi %scan3A_500, %scan3A_501 : i32
      %scan3A_503 = arith.constant 1 : i32
      %scan3A_504 = scf.for %scan3A_565 = %scan3A_500 to %scan3A_502 step %scan3A_503 iter_args(%scan3A_566 = %scan3A_499) -> (i32)  : i32 {
        %scan3A_567 = arith.constant 0 : i32
        %scan3A_568 = arith.constant 0 : i32
        %scan3A_569 = arith.constant 56 : i32
        %scan3A_570 = arith.addi %scan3A_568, %scan3A_569 : i32
        %scan3A_571 = arith.constant 8 : i32
        %scan3A_572 = scf.for %scan3A_650 = %scan3A_568 to %scan3A_570 step %scan3A_571 iter_args(%scan3A_651 = %scan3A_567) -> (i32)  : i32 {
          %mul3A_652 = arith.constant 16 : i32
          %mul3A_653 = arith.muli %scan3A_650, %mul3A_652 : i32
          %multiple_of3A_654 = tpu.assume_multiple %mul3A_653, 16 : i32
          %swap3A_655 = arith.index_cast %scan3A_565 : i32 to index
          %swap3A_656 = arith.index_cast %multiple_of3A_654 : i32 to index
          %swap3A_657 = tpu.vector_load %arg10[%swap3A_655, %swap3A_656] {strides = array<i32>} : memref<16x1024xf32, #tpu.memory_space<vmem>>, vector<1x16xf32>,
          %swap3A_658 = vector.shape_cast %swap3A_657 : vector<1x16xf32> to vector<16xf32>
          %swap3A_659 = vector.shape_cast %broadcast_in_dim3A_3 : vector<16xf32> to vector<1x16xf32>
          tpu.vector_store %arg10[%swap3A_655, %swap3A_656], %swap3A_659 {strides = array<i32>} : memref<16x1024xf32, #tpu.memory_space<vmem>>, vector<1x16xf32>,
          %scan3A_660 = arith.constant 0 : i32
          %scan3A_661 = arith.constant 1 : i32
          %scan3A_662 = arith.addi %scan3A_650, %scan3A_661 : i32
          %mul3A_663 = arith.constant 16 : i32
          %mul3A_664 = arith.muli %scan3A_662, %mul3A_663 : i32
          %multiple_of3A_665 = tpu.assume_multiple %mul3A_664, 16 : i32
          %swap3A_666 = arith.index_cast %scan3A_565 : i32 to index
          %swap3A_667 = arith.index_cast %multiple_of3A_665 : i32 to index
          %swap3A_668 = tpu.vector_load %arg10[%swap3A_666, %swap3A_667] {strides = array<i32>} : memref<16x1024xf32, #tpu.memory_space<vmem>>, vector<1x16xf32>,
          %swap3A_669 = vector.shape_cast %swap3A_668 : vector<1x16xf32> to vector<16xf32>
          %swap3A_670 = vector.shape_cast %broadcast_in_dim3A_3 : vector<16xf32> to vector<1x16xf32>
          tpu.vector_store %arg10[%swap3A_666, %swap3A_667], %swap3A_670 {strides = array<i32>} : memref<16x1024xf32, #tpu.memory_space<vmem>>, vector<1x16xf32>,
          %scan3A_671 = arith.constant 0 : i32
          %scan3A_672 = arith.constant 2 : i32
          %scan3A_673 = arith.addi %scan3A_650, %scan3A_672 : i32
          %mul3A_674 = arith.constant 16 : i32
          %mul3A_675 = arith.muli %scan3A_673, %mul3A_674 : i32
          %multiple_of3A_676 = tpu.assume_multiple %mul3A_675, 16 : i32
          %swap3A_677 = arith.index_cast %scan3A_565 : i32 to index
          %swap3A_678 = arith.index_cast %multiple_of3A_676 : i32 to index
          %swap3A_679 = tpu.vector_load %arg10[%swap3A_677, %swap3A_678] {strides = array<i32>} : memref<16x1024xf32, #tpu.memory_space<vmem>>, vector<1x16xf32>,
          %swap3A_680 = vector.shape_cast %swap3A_679 : vector<1x16xf32> to vector<16xf32>
          %swap3A_681 = vector.shape_cast %broadcast_in_dim3A_3 : vector<16xf32> to vector<1x16xf32>
          tpu.vector_store %arg10[%swap3A_677, %swap3A_678], %swap3A_681 {strides = array<i32>} : memref<16x1024xf32, #tpu.memory_space<vmem>>, vector<1x16xf32>,
          %scan3A_682 = arith.constant 0 : i32
          %scan3A_683 = arith.constant 3 : i32
          %scan3A_684 = arith.addi %scan3A_650, %scan3A_683 : i32
          %mul3A_685 = arith.constant 16 : i32
          %mul3A_686 = arith.muli %scan3A_684, %mul3A_685 : i32
          %multiple_of3A_687 = tpu.assume_multiple %mul3A_686, 16 : i32
          %swap3A_688 = arith.index_cast %scan3A_565 : i32 to index
          %swap3A_689 = arith.index_cast %multiple_of3A_687 : i32 to index
          %swap3A_690 = tpu.vector_load %arg10[%swap3A_688, %swap3A_689] {strides = array<i32>} : memref<16x1024xf32, #tpu.memory_space<vmem>>, vector<1x16xf32>,
          %swap3A_691 = vector.shape_cast %swap3A_690 : vector<1x16xf32> to vector<16xf32>
          %swap3A_692 = vector.shape_cast %broadcast_in_dim3A_3 : vector<16xf32> to vector<1x16xf32>
          tpu.vector_store %arg10[%swap3A_688, %swap3A_689], %swap3A_692 {strides = array<i32>} : memref<16x1024xf32, #tpu.memory_space<vmem>>, vector<1x16xf32>,
          %scan3A_693 = arith.constant 0 : i32
          %scan3A_694 = arith.constant 4 : i32
          %scan3A_695 = arith.addi %scan3A_650, %scan3A_694 : i32
          %mul3A_696 = arith.constant 16 : i32
          %mul3A_697 = arith.muli %scan3A_695, %mul3A_696 : i32
          %multiple_of3A_698 = tpu.assume_multiple %mul3A_697, 16 : i32
          %swap3A_699 = arith.index_cast %scan3A_565 : i32 to index
          %swap3A_700 = arith.index_cast %multiple_of3A_698 : i32 to index
          %swap3A_701 = tpu.vector_load %arg10[%swap3A_699, %swap3A_700] {strides = array<i32>} : memref<16x1024xf32, #tpu.memory_space<vmem>>, vector<1x16xf32>,
          %swap3A_702 = vector.shape_cast %swap3A_701 : vector<1x16xf32> to vector<16xf32>
          %swap3A_703 = vector.shape_cast %broadcast_in_dim3A_3 : vector<16xf32> to vector<1x16xf32>
          tpu.vector_store %arg10[%swap3A_699, %swap3A_700], %swap3A_703 {strides = array<i32>} : memref<16x1024xf32, #tpu.memory_space<vmem>>, vector<1x16xf32>,
          %scan3A_704 = arith.constant 0 : i32
          %scan3A_705 = arith.constant 5 : i32
          %scan3A_706 = arith.addi %scan3A_650, %scan3A_705 : i32
          %mul3A_707 = arith.constant 16 : i32
          %mul3A_708 = arith.muli %scan3A_706, %mul3A_707 : i32
          %multiple_of3A_709 = tpu.assume_multiple %mul3A_708, 16 : i32
          %swap3A_710 = arith.index_cast %scan3A_565 : i32 to index
          %swap3A_711 = arith.index_cast %multiple_of3A_709 : i32 to index
          %swap3A_712 = tpu.vector_load %arg10[%swap3A_710, %swap3A_711] {strides = array<i32>} : memref<16x1024xf32, #tpu.memory_space<vmem>>, vector<1x16xf32>,
          %swap3A_713 = vector.shape_cast %swap3A_712 : vector<1x16xf32> to vector<16xf32>
          %swap3A_714 = vector.shape_cast %broadcast_in_dim3A_3 : vector<16xf32> to vector<1x16xf32>
          tpu.vector_store %arg10[%swap3A_710, %swap3A_711], %swap3A_714 {strides = array<i32>} : memref<16x1024xf32, #tpu.memory_space<vmem>>, vector<1x16xf32>,
          %scan3A_715 = arith.constant 0 : i32
          %scan3A_716 = arith.constant 6 : i32
          %scan3A_717 = arith.addi %scan3A_650, %scan3A_716 : i32
          %mul3A_718 = arith.constant 16 : i32
          %mul3A_719 = arith.muli %scan3A_717, %mul3A_718 : i32
          %multiple_of3A_720 = tpu.assume_multiple %mul3A_719, 16 : i32
          %swap3A_721 = arith.index_cast %scan3A_565 : i32 to index
          %swap3A_722 = arith.index_cast %multiple_of3A_720 : i32 to index
          %swap3A_723 = tpu.vector_load %arg10[%swap3A_721, %swap3A_722] {strides = array<i32>} : memref<16x1024xf32, #tpu.memory_space<vmem>>, vector<1x16xf32>,
          %swap3A_724 = vector.shape_cast %swap3A_723 : vector<1x16xf32> to vector<16xf32>
          %swap3A_725 = vector.shape_cast %broadcast_in_dim3A_3 : vector<16xf32> to vector<1x16xf32>
          tpu.vector_store %arg10[%swap3A_721, %swap3A_722], %swap3A_725 {strides = array<i32>} : memref<16x1024xf32, #tpu.memory_space<vmem>>, vector<1x16xf32>,
          %scan3A_726 = arith.constant 0 : i32
          %scan3A_727 = arith.constant 7 : i32
          %scan3A_728 = arith.addi %scan3A_650, %scan3A_727 : i32
          %mul3A_729 = arith.constant 16 : i32
          %mul3A_730 = arith.muli %scan3A_728, %mul3A_729 : i32
          %multiple_of3A_731 = tpu.assume_multiple %mul3A_730, 16 : i32
          %swap3A_732 = arith.index_cast %scan3A_565 : i32 to index
          %swap3A_733 = arith.index_cast %multiple_of3A_731 : i32 to index
          %swap3A_734 = tpu.vector_load %arg10[%swap3A_732, %swap3A_733] {strides = array<i32>} : memref<16x1024xf32, #tpu.memory_space<vmem>>, vector<1x16xf32>,
          %swap3A_735 = vector.shape_cast %swap3A_734 : vector<1x16xf32> to vector<16xf32>
          %swap3A_736 = vector.shape_cast %broadcast_in_dim3A_3 : vector<16xf32> to vector<1x16xf32>
          tpu.vector_store %arg10[%swap3A_732, %swap3A_733], %swap3A_736 {strides = array<i32>} : memref<16x1024xf32, #tpu.memory_space<vmem>>, vector<1x16xf32>,
          %scan3A_737 = arith.constant 0 : i32
          scf.yield %scan3A_737 : i32
        }
        %scan3A_573 = arith.constant 56 : i32
        %scan3A_574 = arith.addi %scan3A_568, %scan3A_573 : i32
        %mul3A_575 = arith.constant 16 : i32
        %mul3A_576 = arith.muli %scan3A_574, %mul3A_575 : i32
        %multiple_of3A_577 = tpu.assume_multiple %mul3A_576, 16 : i32
        %swap3A = arith.index_cast %scan3A_565 : i32 to index
        %swap3A_578 = arith.index_cast %multiple_of3A_577 : i32 to index
        %swap3A_579 = tpu.vector_load %arg10[%swap3A, %swap3A_578] {strides = array<i32>} : memref<16x1024xf32, #tpu.memory_space<vmem>>, vector<1x16xf32>,
        %swap3A_580 = vector.shape_cast %swap3A_579 : vector<1x16xf32> to vector<16xf32>
        %swap3A_581 = vector.shape_cast %broadcast_in_dim3A_3 : vector<16xf32> to vector<1x16xf32>
        tpu.vector_store %arg10[%swap3A, %swap3A_578], %swap3A_581 {strides = array<i32>} : memref<16x1024xf32, #tpu.memory_space<vmem>>, vector<1x16xf32>,
        %scan3A_582 = arith.constant 0 : i32
        %scan3A_583 = arith.constant 57 : i32
        %scan3A_584 = arith.addi %scan3A_568, %scan3A_583 : i32
        %mul3A_585 = arith.constant 16 : i32
        %mul3A_586 = arith.muli %scan3A_584, %mul3A_585 : i32
        %multiple_of3A_587 = tpu.assume_multiple %mul3A_586, 16 : i32
        %swap3A_588 = arith.index_cast %scan3A_565 : i32 to index
        %swap3A_589 = arith.index_cast %multiple_of3A_587 : i32 to index
        %swap3A_590 = tpu.vector_load %arg10[%swap3A_588, %swap3A_589] {strides = array<i32>} : memref<16x1024xf32, #tpu.memory_space<vmem>>, vector<1x16xf32>,
        %swap3A_591 = vector.shape_cast %swap3A_590 : vector<1x16xf32> to vector<16xf32>
        %swap3A_592 = vector.shape_cast %broadcast_in_dim3A_3 : vector<16xf32> to vector<1x16xf32>
        tpu.vector_store %arg10[%swap3A_588, %swap3A_589], %swap3A_592 {strides = array<i32>} : memref<16x1024xf32, #tpu.memory_space<vmem>>, vector<1x16xf32>,
        %scan3A_593 = arith.constant 0 : i32
        %scan3A_594 = arith.constant 58 : i32
        %scan3A_595 = arith.addi %scan3A_568, %scan3A_594 : i32
        %mul3A_596 = arith.constant 16 : i32
        %mul3A_597 = arith.muli %scan3A_595, %mul3A_596 : i32
        %multiple_of3A_598 = tpu.assume_multiple %mul3A_597, 16 : i32
        %swap3A_599 = arith.index_cast %scan3A_565 : i32 to index
        %swap3A_600 = arith.index_cast %multiple_of3A_598 : i32 to index
        %swap3A_601 = tpu.vector_load %arg10[%swap3A_599, %swap3A_600] {strides = array<i32>} : memref<16x1024xf32, #tpu.memory_space<vmem>>, vector<1x16xf32>,
        %swap3A_602 = vector.shape_cast %swap3A_601 : vector<1x16xf32> to vector<16xf32>
        %swap3A_603 = vector.shape_cast %broadcast_in_dim3A_3 : vector<16xf32> to vector<1x16xf32>
        tpu.vector_store %arg10[%swap3A_599, %swap3A_600], %swap3A_603 {strides = array<i32>} : memref<16x1024xf32, #tpu.memory_space<vmem>>, vector<1x16xf32>,
        %scan3A_604 = arith.constant 0 : i32
        %scan3A_605 = arith.constant 59 : i32
        %scan3A_606 = arith.addi %scan3A_568, %scan3A_605 : i32
        %mul3A_607 = arith.constant 16 : i32
        %mul3A_608 = arith.muli %scan3A_606, %mul3A_607 : i32
        %multiple_of3A_609 = tpu.assume_multiple %mul3A_608, 16 : i32
        %swap3A_610 = arith.index_cast %scan3A_565 : i32 to index
        %swap3A_611 = arith.index_cast %multiple_of3A_609 : i32 to index
        %swap3A_612 = tpu.vector_load %arg10[%swap3A_610, %swap3A_611] {strides = array<i32>} : memref<16x1024xf32, #tpu.memory_space<vmem>>, vector<1x16xf32>,
        %swap3A_613 = vector.shape_cast %swap3A_612 : vector<1x16xf32> to vector<16xf32>
        %swap3A_614 = vector.shape_cast %broadcast_in_dim3A_3 : vector<16xf32> to vector<1x16xf32>
        tpu.vector_store %arg10[%swap3A_610, %swap3A_611], %swap3A_614 {strides = array<i32>} : memref<16x1024xf32, #tpu.memory_space<vmem>>, vector<1x16xf32>,
        %scan3A_615 = arith.constant 0 : i32
        %scan3A_616 = arith.constant 60 : i32
        %scan3A_617 = arith.addi %scan3A_568, %scan3A_616 : i32
        %mul3A_618 = arith.constant 16 : i32
        %mul3A_619 = arith.muli %scan3A_617, %mul3A_618 : i32
        %multiple_of3A_620 = tpu.assume_multiple %mul3A_619, 16 : i32
        %swap3A_621 = arith.index_cast %scan3A_565 : i32 to index
        %swap3A_622 = arith.index_cast %multiple_of3A_620 : i32 to index
        %swap3A_623 = tpu.vector_load %arg10[%swap3A_621, %swap3A_622] {strides = array<i32>} : memref<16x1024xf32, #tpu.memory_space<vmem>>, vector<1x16xf32>,
        %swap3A_624 = vector.shape_cast %swap3A_623 : vector<1x16xf32> to vector<16xf32>
        %swap3A_625 = vector.shape_cast %broadcast_in_dim3A_3 : vector<16xf32> to vector<1x16xf32>
        tpu.vector_store %arg10[%swap3A_621, %swap3A_622], %swap3A_625 {strides = array<i32>} : memref<16x1024xf32, #tpu.memory_space<vmem>>, vector<1x16xf32>,
        %scan3A_626 = arith.constant 0 : i32
        %scan3A_627 = arith.constant 61 : i32
        %scan3A_628 = arith.addi %scan3A_568, %scan3A_627 : i32
        %mul3A_629 = arith.constant 16 : i32
        %mul3A_630 = arith.muli %scan3A_628, %mul3A_629 : i32
        %multiple_of3A_631 = tpu.assume_multiple %mul3A_630, 16 : i32
        %swap3A_632 = arith.index_cast %scan3A_565 : i32 to index
        %swap3A_633 = arith.index_cast %multiple_of3A_631 : i32 to index
        %swap3A_634 = tpu.vector_load %arg10[%swap3A_632, %swap3A_633] {strides = array<i32>} : memref<16x1024xf32, #tpu.memory_space<vmem>>, vector<1x16xf32>,
        %swap3A_635 = vector.shape_cast %swap3A_634 : vector<1x16xf32> to vector<16xf32>
        %swap3A_636 = vector.shape_cast %broadcast_in_dim3A_3 : vector<16xf32> to vector<1x16xf32>
        tpu.vector_store %arg10[%swap3A_632, %swap3A_633], %swap3A_636 {strides = array<i32>} : memref<16x1024xf32, #tpu.memory_space<vmem>>, vector<1x16xf32>,
        %scan3A_637 = arith.constant 0 : i32
        %scan3A_638 = arith.constant 62 : i32
        %scan3A_639 = arith.addi %scan3A_568, %scan3A_638 : i32
        %mul3A_640 = arith.constant 16 : i32
        %mul3A_641 = arith.muli %scan3A_639, %mul3A_640 : i32
        %multiple_of3A_642 = tpu.assume_multiple %mul3A_641, 16 : i32
        %swap3A_643 = arith.index_cast %scan3A_565 : i32 to index
        %swap3A_644 = arith.index_cast %multiple_of3A_642 : i32 to index
        %swap3A_645 = tpu.vector_load %arg10[%swap3A_643, %swap3A_644] {strides = array<i32>} : memref<16x1024xf32, #tpu.memory_space<vmem>>, vector<1x16xf32>,
        %swap3A_646 = vector.shape_cast %swap3A_645 : vector<1x16xf32> to vector<16xf32>
        %swap3A_647 = vector.shape_cast %broadcast_in_dim3A_3 : vector<16xf32> to vector<1x16xf32>
        tpu.vector_store %arg10[%swap3A_643, %swap3A_644], %swap3A_647 {strides = array<i32>} : memref<16x1024xf32, #tpu.memory_space<vmem>>, vector<1x16xf32>,
        %scan3A_648 = arith.constant 0 : i32
        %scan3A_649 = arith.constant 63 : i32
        scf.yield %scan3A_648 : i32
      }
      %scan3A_505 = arith.constant 16 : i32
      %scan3A_506 = arith.constant 0 : i32
      %scan3A_507 = arith.constant 0 : i32
      %scan3A_508 = arith.constant 16 : i32
      %scan3A_509 = arith.addi %scan3A_507, %scan3A_508 : i32
      %scan3A_510 = arith.constant 1 : i32
      %scan3A_511 = scf.for %scan3A_565 = %scan3A_507 to %scan3A_509 step %scan3A_510 iter_args(%scan3A_566 = %scan3A_506) -> (i32)  : i32 {
        %broadcast_in_dim3A_567 = arith.constant 0 : i32
        %broadcast_in_dim3A_568 = vector.broadcast %broadcast_in_dim3A_567 : i32 to vector<16xi32>
        %scan3A_569 = arith.constant 0 : i32
        %scan3A_570 = arith.constant 56 : i32
        %scan3A_571 = arith.addi %scan3A_569, %scan3A_570 : i32
        %scan3A_572 = arith.constant 8 : i32
        %scan3A_573:2 = scf.for %scan3A_900 = %scan3A_569 to %scan3A_571 step %scan3A_572 iter_args(%scan3A_901 = %broadcast_in_dim3A_5, %scan3A_902 = %broadcast_in_dim3A_568) -> (vector<16xf32>, vector<16xi32>)  : i32 {
          %mul3A_903 = arith.constant 16 : i32
          %mul3A_904 = arith.muli %scan3A_900, %mul3A_903 : i32
          %multiple_of3A_905 = tpu.assume_multiple %mul3A_904, 16 : i32
          %get3A_906 = arith.index_cast %scan3A_565 : i32 to index
          %get3A_907 = arith.index_cast %multiple_of3A_905 : i32 to index
          %get3A_908 = tpu.vector_load %arg8[%get3A_906, %get3A_907] {strides = array<i32>} : memref<16x1024xf32, #tpu.memory_space<vmem>>, vector<1x16xf32>,
          %get3A_909 = vector.shape_cast %get3A_908 : vector<1x16xf32> to vector<16xf32>
          %multiple_of3A_910 = tpu.assume_multiple %mul3A_904, 16 : i32
          %get3A_911 = arith.index_cast %scan3A_565 : i32 to index
          %get3A_912 = arith.index_cast %multiple_of3A_910 : i32 to index
          %get3A_913 = tpu.vector_load %arg9[%get3A_911, %get3A_912] {strides = array<i32>} : memref<16x1024xf32, #tpu.memory_space<vmem>>, vector<1x16xf32>,
          %get3A_914 = vector.shape_cast %get3A_913 : vector<1x16xf32> to vector<16xf32>
          %add3A_915 = arith.addf %get3A_909, %get3A_914 : vector<16xf32>
          %gt3A_916 = arith.cmpf ogt, %add3A_915, %scan3A_901 : vector<16xf32>
          %select_n3A_917 = arith.select %gt3A_916, %add3A_915, %scan3A_901 : vector<16xi1>, vector<16xf32>
          %broadcast_in_dim3A_918 = vector.broadcast %mul3A_904 : i32 to vector<16xi32>
          %select_n3A_919 = arith.select %gt3A_916, %broadcast_in_dim3A_918, %scan3A_902 : vector<16xi1>, vector<16xi32>
          %scan3A_920 = arith.constant 1 : i32
          %scan3A_921 = arith.addi %scan3A_900, %scan3A_920 : i32
          %mul3A_922 = arith.constant 16 : i32
          %mul3A_923 = arith.muli %scan3A_921, %mul3A_922 : i32
          %multiple_of3A_924 = tpu.assume_multiple %mul3A_923, 16 : i32
          %get3A_925 = arith.index_cast %scan3A_565 : i32 to index
          %get3A_926 = arith.index_cast %multiple_of3A_924 : i32 to index
          %get3A_927 = tpu.vector_load %arg8[%get3A_925, %get3A_926] {strides = array<i32>} : memref<16x1024xf32, #tpu.memory_space<vmem>>, vector<1x16xf32>,
          %get3A_928 = vector.shape_cast %get3A_927 : vector<1x16xf32> to vector<16xf32>
          %multiple_of3A_929 = tpu.assume_multiple %mul3A_923, 16 : i32
          %get3A_930 = arith.index_cast %scan3A_565 : i32 to index
          %get3A_931 = arith.index_cast %multiple_of3A_929 : i32 to index
          %get3A_932 = tpu.vector_load %arg9[%get3A_930, %get3A_931] {strides = array<i32>} : memref<16x1024xf32, #tpu.memory_space<vmem>>, vector<1x16xf32>,
          %get3A_933 = vector.shape_cast %get3A_932 : vector<1x16xf32> to vector<16xf32>
          %add3A_934 = arith.addf %get3A_928, %get3A_933 : vector<16xf32>
          %gt3A_935 = arith.cmpf ogt, %add3A_934, %select_n3A_917 : vector<16xf32>
          %select_n3A_936 = arith.select %gt3A_935, %add3A_934, %select_n3A_917 : vector<16xi1>, vector<16xf32>
          %broadcast_in_dim3A_937 = vector.broadcast %mul3A_923 : i32 to vector<16xi32>
          %select_n3A_938 = arith.select %gt3A_935, %broadcast_in_dim3A_937, %select_n3A_919 : vector<16xi1>, vector<16xi32>
          %scan3A_939 = arith.constant 2 : i32
          %scan3A_940 = arith.addi %scan3A_900, %scan3A_939 : i32
          %mul3A_941 = arith.constant 16 : i32
          %mul3A_942 = arith.muli %scan3A_940, %mul3A_941 : i32
          %multiple_of3A_943 = tpu.assume_multiple %mul3A_942, 16 : i32
          %get3A_944 = arith.index_cast %scan3A_565 : i32 to index
          %get3A_945 = arith.index_cast %multiple_of3A_943 : i32 to index
          %get3A_946 = tpu.vector_load %arg8[%get3A_944, %get3A_945] {strides = array<i32>} : memref<16x1024xf32, #tpu.memory_space<vmem>>, vector<1x16xf32>,
          %get3A_947 = vector.shape_cast %get3A_946 : vector<1x16xf32> to vector<16xf32>
          %multiple_of3A_948 = tpu.assume_multiple %mul3A_942, 16 : i32
          %get3A_949 = arith.index_cast %scan3A_565 : i32 to index
          %get3A_950 = arith.index_cast %multiple_of3A_948 : i32 to index
          %get3A_951 = tpu.vector_load %arg9[%get3A_949, %get3A_950] {strides = array<i32>} : memref<16x1024xf32, #tpu.memory_space<vmem>>, vector<1x16xf32>,
          %get3A_952 = vector.shape_cast %get3A_951 : vector<1x16xf32> to vector<16xf32>
          %add3A_953 = arith.addf %get3A_947, %get3A_952 : vector<16xf32>
          %gt3A_954 = arith.cmpf ogt, %add3A_953, %select_n3A_936 : vector<16xf32>
          %select_n3A_955 = arith.select %gt3A_954, %add3A_953, %select_n3A_936 : vector<16xi1>, vector<16xf32>
          %broadcast_in_dim3A_956 = vector.broadcast %mul3A_942 : i32 to vector<16xi32>
          %select_n3A_957 = arith.select %gt3A_954, %broadcast_in_dim3A_956, %select_n3A_938 : vector<16xi1>, vector<16xi32>
          %scan3A_958 = arith.constant 3 : i32
          %scan3A_959 = arith.addi %scan3A_900, %scan3A_958 : i32
          %mul3A_960 = arith.constant 16 : i32
          %mul3A_961 = arith.muli %scan3A_959, %mul3A_960 : i32
          %multiple_of3A_962 = tpu.assume_multiple %mul3A_961, 16 : i32
          %get3A_963 = arith.index_cast %scan3A_565 : i32 to index
          %get3A_964 = arith.index_cast %multiple_of3A_962 : i32 to index
          %get3A_965 = tpu.vector_load %arg8[%get3A_963, %get3A_964] {strides = array<i32>} : memref<16x1024xf32, #tpu.memory_space<vmem>>, vector<1x16xf32>,
          %get3A_966 = vector.shape_cast %get3A_965 : vector<1x16xf32> to vector<16xf32>
          %multiple_of3A_967 = tpu.assume_multiple %mul3A_961, 16 : i32
          %get3A_968 = arith.index_cast %scan3A_565 : i32 to index
          %get3A_969 = arith.index_cast %multiple_of3A_967 : i32 to index
          %get3A_970 = tpu.vector_load %arg9[%get3A_968, %get3A_969] {strides = array<i32>} : memref<16x1024xf32, #tpu.memory_space<vmem>>, vector<1x16xf32>,
          %get3A_971 = vector.shape_cast %get3A_970 : vector<1x16xf32> to vector<16xf32>
          %add3A_972 = arith.addf %get3A_966, %get3A_971 : vector<16xf32>
          %gt3A_973 = arith.cmpf ogt, %add3A_972, %select_n3A_955 : vector<16xf32>
          %select_n3A_974 = arith.select %gt3A_973, %add3A_972, %select_n3A_955 : vector<16xi1>, vector<16xf32>
          %broadcast_in_dim3A_975 = vector.broadcast %mul3A_961 : i32 to vector<16xi32>
          %select_n3A_976 = arith.select %gt3A_973, %broadcast_in_dim3A_975, %select_n3A_957 : vector<16xi1>, vector<16xi32>
          %scan3A_977 = arith.constant 4 : i32
          %scan3A_978 = arith.addi %scan3A_900, %scan3A_977 : i32
          %mul3A_979 = arith.constant 16 : i32
          %mul3A_980 = arith.muli %scan3A_978, %mul3A_979 : i32
          %multiple_of3A_981 = tpu.assume_multiple %mul3A_980, 16 : i32
          %get3A_982 = arith.index_cast %scan3A_565 : i32 to index
          %get3A_983 = arith.index_cast %multiple_of3A_981 : i32 to index
          %get3A_984 = tpu.vector_load %arg8[%get3A_982, %get3A_983] {strides = array<i32>} : memref<16x1024xf32, #tpu.memory_space<vmem>>, vector<1x16xf32>,
          %get3A_985 = vector.shape_cast %get3A_984 : vector<1x16xf32> to vector<16xf32>
          %multiple_of3A_986 = tpu.assume_multiple %mul3A_980, 16 : i32
          %get3A_987 = arith.index_cast %scan3A_565 : i32 to index
          %get3A_988 = arith.index_cast %multiple_of3A_986 : i32 to index
          %get3A_989 = tpu.vector_load %arg9[%get3A_987, %get3A_988] {strides = array<i32>} : memref<16x1024xf32, #tpu.memory_space<vmem>>, vector<1x16xf32>,
          %get3A_990 = vector.shape_cast %get3A_989 : vector<1x16xf32> to vector<16xf32>
          %add3A_991 = arith.addf %get3A_985, %get3A_990 : vector<16xf32>
          %gt3A_992 = arith.cmpf ogt, %add3A_991, %select_n3A_974 : vector<16xf32>
          %select_n3A_993 = arith.select %gt3A_992, %add3A_991, %select_n3A_974 : vector<16xi1>, vector<16xf32>
          %broadcast_in_dim3A_994 = vector.broadcast %mul3A_980 : i32 to vector<16xi32>
          %select_n3A_995 = arith.select %gt3A_992, %broadcast_in_dim3A_994, %select_n3A_976 : vector<16xi1>, vector<16xi32>
          %scan3A_996 = arith.constant 5 : i32
          %scan3A_997 = arith.addi %scan3A_900, %scan3A_996 : i32
          %mul3A_998 = arith.constant 16 : i32
          %mul3A_999 = arith.muli %scan3A_997, %mul3A_998 : i32
          %multiple_of3A_1000 = tpu.assume_multiple %mul3A_999, 16 : i32
          %get3A_1001 = arith.index_cast %scan3A_565 : i32 to index
          %get3A_1002 = arith.index_cast %multiple_of3A_1000 : i32 to index
          %get3A_1003 = tpu.vector_load %arg8[%get3A_1001, %get3A_1002] {strides = array<i32>} : memref<16x1024xf32, #tpu.memory_space<vmem>>, vector<1x16xf32>,
          %get3A_1004 = vector.shape_cast %get3A_1003 : vector<1x16xf32> to vector<16xf32>
          %multiple_of3A_1005 = tpu.assume_multiple %mul3A_999, 16 : i32
          %get3A_1006 = arith.index_cast %scan3A_565 : i32 to index
          %get3A_1007 = arith.index_cast %multiple_of3A_1005 : i32 to index
          %get3A_1008 = tpu.vector_load %arg9[%get3A_1006, %get3A_1007] {strides = array<i32>} : memref<16x1024xf32, #tpu.memory_space<vmem>>, vector<1x16xf32>,
          %get3A_1009 = vector.shape_cast %get3A_1008 : vector<1x16xf32> to vector<16xf32>
          %add3A_1010 = arith.addf %get3A_1004, %get3A_1009 : vector<16xf32>
          %gt3A_1011 = arith.cmpf ogt, %add3A_1010, %select_n3A_993 : vector<16xf32>
          %select_n3A_1012 = arith.select %gt3A_1011, %add3A_1010, %select_n3A_993 : vector<16xi1>, vector<16xf32>
          %broadcast_in_dim3A_1013 = vector.broadcast %mul3A_999 : i32 to vector<16xi32>
          %select_n3A_1014 = arith.select %gt3A_1011, %broadcast_in_dim3A_1013, %select_n3A_995 : vector<16xi1>, vector<16xi32>
          %scan3A_1015 = arith.constant 6 : i32
          %scan3A_1016 = arith.addi %scan3A_900, %scan3A_1015 : i32
          %mul3A_1017 = arith.constant 16 : i32
          %mul3A_1018 = arith.muli %scan3A_1016, %mul3A_1017 : i32
          %multiple_of3A_1019 = tpu.assume_multiple %mul3A_1018, 16 : i32
          %get3A_1020 = arith.index_cast %scan3A_565 : i32 to index
          %get3A_1021 = arith.index_cast %multiple_of3A_1019 : i32 to index
          %get3A_1022 = tpu.vector_load %arg8[%get3A_1020, %get3A_1021] {strides = array<i32>} : memref<16x1024xf32, #tpu.memory_space<vmem>>, vector<1x16xf32>,
          %get3A_1023 = vector.shape_cast %get3A_1022 : vector<1x16xf32> to vector<16xf32>
          %multiple_of3A_1024 = tpu.assume_multiple %mul3A_1018, 16 : i32
          %get3A_1025 = arith.index_cast %scan3A_565 : i32 to index
          %get3A_1026 = arith.index_cast %multiple_of3A_1024 : i32 to index
          %get3A_1027 = tpu.vector_load %arg9[%get3A_1025, %get3A_1026] {strides = array<i32>} : memref<16x1024xf32, #tpu.memory_space<vmem>>, vector<1x16xf32>,
          %get3A_1028 = vector.shape_cast %get3A_1027 : vector<1x16xf32> to vector<16xf32>
          %add3A_1029 = arith.addf %get3A_1023, %get3A_1028 : vector<16xf32>
          %gt3A_1030 = arith.cmpf ogt, %add3A_1029, %select_n3A_1012 : vector<16xf32>
          %select_n3A_1031 = arith.select %gt3A_1030, %add3A_1029, %select_n3A_1012 : vector<16xi1>, vector<16xf32>
          %broadcast_in_dim3A_1032 = vector.broadcast %mul3A_1018 : i32 to vector<16xi32>
          %select_n3A_1033 = arith.select %gt3A_1030, %broadcast_in_dim3A_1032, %select_n3A_1014 : vector<16xi1>, vector<16xi32>
          %scan3A_1034 = arith.constant 7 : i32
          %scan3A_1035 = arith.addi %scan3A_900, %scan3A_1034 : i32
          %mul3A_1036 = arith.constant 16 : i32
          %mul3A_1037 = arith.muli %scan3A_1035, %mul3A_1036 : i32
          %multiple_of3A_1038 = tpu.assume_multiple %mul3A_1037, 16 : i32
          %get3A_1039 = arith.index_cast %scan3A_565 : i32 to index
          %get3A_1040 = arith.index_cast %multiple_of3A_1038 : i32 to index
          %get3A_1041 = tpu.vector_load %arg8[%get3A_1039, %get3A_1040] {strides = array<i32>} : memref<16x1024xf32, #tpu.memory_space<vmem>>, vector<1x16xf32>,
          %get3A_1042 = vector.shape_cast %get3A_1041 : vector<1x16xf32> to vector<16xf32>
          %multiple_of3A_1043 = tpu.assume_multiple %mul3A_1037, 16 : i32
          %get3A_1044 = arith.index_cast %scan3A_565 : i32 to index
          %get3A_1045 = arith.index_cast %multiple_of3A_1043 : i32 to index
          %get3A_1046 = tpu.vector_load %arg9[%get3A_1044, %get3A_1045] {strides = array<i32>} : memref<16x1024xf32, #tpu.memory_space<vmem>>, vector<1x16xf32>,
          %get3A_1047 = vector.shape_cast %get3A_1046 : vector<1x16xf32> to vector<16xf32>
          %add3A_1048 = arith.addf %get3A_1042, %get3A_1047 : vector<16xf32>
          %gt3A_1049 = arith.cmpf ogt, %add3A_1048, %select_n3A_1031 : vector<16xf32>
          %select_n3A_1050 = arith.select %gt3A_1049, %add3A_1048, %select_n3A_1031 : vector<16xi1>, vector<16xf32>
          %broadcast_in_dim3A_1051 = vector.broadcast %mul3A_1037 : i32 to vector<16xi32>
          %select_n3A_1052 = arith.select %gt3A_1049, %broadcast_in_dim3A_1051, %select_n3A_1033 : vector<16xi1>, vector<16xi32>
          scf.yield %select_n3A_1050, %select_n3A_1052 : vector<16xf32>, vector<16xi32>
        }
        %scan3A_574 = arith.constant 56 : i32
        %scan3A_575 = arith.addi %scan3A_569, %scan3A_574 : i32
        %mul3A_576 = arith.constant 16 : i32
        %mul3A_577 = arith.muli %scan3A_575, %mul3A_576 : i32
        %multiple_of3A_578 = tpu.assume_multiple %mul3A_577, 16 : i32
        %get3A = arith.index_cast %scan3A_565 : i32 to index
        %get3A_579 = arith.index_cast %multiple_of3A_578 : i32 to index
        %get3A_580 = tpu.vector_load %arg8[%get3A, %get3A_579] {strides = array<i32>} : memref<16x1024xf32, #tpu.memory_space<vmem>>, vector<1x16xf32>,
        %get3A_581 = vector.shape_cast %get3A_580 : vector<1x16xf32> to vector<16xf32>
        %multiple_of3A_582 = tpu.assume_multiple %mul3A_577, 16 : i32
        %get3A_583 = arith.index_cast %scan3A_565 : i32 to index
        %get3A_584 = arith.index_cast %multiple_of3A_582 : i32 to index
        %get3A_585 = tpu.vector_load %arg9[%get3A_583, %get3A_584] {strides = array<i32>} : memref<16x1024xf32, #tpu.memory_space<vmem>>, vector<1x16xf32>,
        %get3A_586 = vector.shape_cast %get3A_585 : vector<1x16xf32> to vector<16xf32>
        %add3A_587 = arith.addf %get3A_581, %get3A_586 : vector<16xf32>
        %gt3A_588 = arith.cmpf ogt, %add3A_587, %scan3A_573#0 : vector<16xf32>
        %select_n3A = arith.select %gt3A_588, %add3A_587, %scan3A_573#0 : vector<16xi1>, vector<16xf32>
        %broadcast_in_dim3A_589 = vector.broadcast %mul3A_577 : i32 to vector<16xi32>
        %select_n3A_590 = arith.select %gt3A_588, %broadcast_in_dim3A_589, %scan3A_573#1 : vector<16xi1>, vector<16xi32>
        %scan3A_591 = arith.constant 57 : i32
        %scan3A_592 = arith.addi %scan3A_569, %scan3A_591 : i32
        %mul3A_593 = arith.constant 16 : i32
        %mul3A_594 = arith.muli %scan3A_592, %mul3A_593 : i32
        %multiple_of3A_595 = tpu.assume_multiple %mul3A_594, 16 : i32
        %get3A_596 = arith.index_cast %scan3A_565 : i32 to index
        %get3A_597 = arith.index_cast %multiple_of3A_595 : i32 to index
        %get3A_598 = tpu.vector_load %arg8[%get3A_596, %get3A_597] {strides = array<i32>} : memref<16x1024xf32, #tpu.memory_space<vmem>>, vector<1x16xf32>,
        %get3A_599 = vector.shape_cast %get3A_598 : vector<1x16xf32> to vector<16xf32>
        %multiple_of3A_600 = tpu.assume_multiple %mul3A_594, 16 : i32
        %get3A_601 = arith.index_cast %scan3A_565 : i32 to index
        %get3A_602 = arith.index_cast %multiple_of3A_600 : i32 to index
        %get3A_603 = tpu.vector_load %arg9[%get3A_601, %get3A_602] {strides = array<i32>} : memref<16x1024xf32, #tpu.memory_space<vmem>>, vector<1x16xf32>,
        %get3A_604 = vector.shape_cast %get3A_603 : vector<1x16xf32> to vector<16xf32>
        %add3A_605 = arith.addf %get3A_599, %get3A_604 : vector<16xf32>
        %gt3A_606 = arith.cmpf ogt, %add3A_605, %select_n3A : vector<16xf32>
        %select_n3A_607 = arith.select %gt3A_606, %add3A_605, %select_n3A : vector<16xi1>, vector<16xf32>
        %broadcast_in_dim3A_608 = vector.broadcast %mul3A_594 : i32 to vector<16xi32>
        %select_n3A_609 = arith.select %gt3A_606, %broadcast_in_dim3A_608, %select_n3A_590 : vector<16xi1>, vector<16xi32>
        %scan3A_610 = arith.constant 58 : i32
        %scan3A_611 = arith.addi %scan3A_569, %scan3A_610 : i32
        %mul3A_612 = arith.constant 16 : i32
        %mul3A_613 = arith.muli %scan3A_611, %mul3A_612 : i32
        %multiple_of3A_614 = tpu.assume_multiple %mul3A_613, 16 : i32
        %get3A_615 = arith.index_cast %scan3A_565 : i32 to index
        %get3A_616 = arith.index_cast %multiple_of3A_614 : i32 to index
        %get3A_617 = tpu.vector_load %arg8[%get3A_615, %get3A_616] {strides = array<i32>} : memref<16x1024xf32, #tpu.memory_space<vmem>>, vector<1x16xf32>,
        %get3A_618 = vector.shape_cast %get3A_617 : vector<1x16xf32> to vector<16xf32>
        %multiple_of3A_619 = tpu.assume_multiple %mul3A_613, 16 : i32
        %get3A_620 = arith.index_cast %scan3A_565 : i32 to index
        %get3A_621 = arith.index_cast %multiple_of3A_619 : i32 to index
        %get3A_622 = tpu.vector_load %arg9[%get3A_620, %get3A_621] {strides = array<i32>} : memref<16x1024xf32, #tpu.memory_space<vmem>>, vector<1x16xf32>,
        %get3A_623 = vector.shape_cast %get3A_622 : vector<1x16xf32> to vector<16xf32>
        %add3A_624 = arith.addf %get3A_618, %get3A_623 : vector<16xf32>
        %gt3A_625 = arith.cmpf ogt, %add3A_624, %select_n3A_607 : vector<16xf32>
        %select_n3A_626 = arith.select %gt3A_625, %add3A_624, %select_n3A_607 : vector<16xi1>, vector<16xf32>
        %broadcast_in_dim3A_627 = vector.broadcast %mul3A_613 : i32 to vector<16xi32>
        %select_n3A_628 = arith.select %gt3A_625, %broadcast_in_dim3A_627, %select_n3A_609 : vector<16xi1>, vector<16xi32>
        %scan3A_629 = arith.constant 59 : i32
        %scan3A_630 = arith.addi %scan3A_569, %scan3A_629 : i32
        %mul3A_631 = arith.constant 16 : i32
        %mul3A_632 = arith.muli %scan3A_630, %mul3A_631 : i32
        %multiple_of3A_633 = tpu.assume_multiple %mul3A_632, 16 : i32
        %get3A_634 = arith.index_cast %scan3A_565 : i32 to index
        %get3A_635 = arith.index_cast %multiple_of3A_633 : i32 to index
        %get3A_636 = tpu.vector_load %arg8[%get3A_634, %get3A_635] {strides = array<i32>} : memref<16x1024xf32, #tpu.memory_space<vmem>>, vector<1x16xf32>,
        %get3A_637 = vector.shape_cast %get3A_636 : vector<1x16xf32> to vector<16xf32>
        %multiple_of3A_638 = tpu.assume_multiple %mul3A_632, 16 : i32
        %get3A_639 = arith.index_cast %scan3A_565 : i32 to index
        %get3A_640 = arith.index_cast %multiple_of3A_638 : i32 to index
        %get3A_641 = tpu.vector_load %arg9[%get3A_639, %get3A_640] {strides = array<i32>} : memref<16x1024xf32, #tpu.memory_space<vmem>>, vector<1x16xf32>,
        %get3A_642 = vector.shape_cast %get3A_641 : vector<1x16xf32> to vector<16xf32>
        %add3A_643 = arith.addf %get3A_637, %get3A_642 : vector<16xf32>
        %gt3A_644 = arith.cmpf ogt, %add3A_643, %select_n3A_626 : vector<16xf32>
        %select_n3A_645 = arith.select %gt3A_644, %add3A_643, %select_n3A_626 : vector<16xi1>, vector<16xf32>
        %broadcast_in_dim3A_646 = vector.broadcast %mul3A_632 : i32 to vector<16xi32>
        %select_n3A_647 = arith.select %gt3A_644, %broadcast_in_dim3A_646, %select_n3A_628 : vector<16xi1>, vector<16xi32>
        %scan3A_648 = arith.constant 60 : i32
        %scan3A_649 = arith.addi %scan3A_569, %scan3A_648 : i32
        %mul3A_650 = arith.constant 16 : i32
        %mul3A_651 = arith.muli %scan3A_649, %mul3A_650 : i32
        %multiple_of3A_652 = tpu.assume_multiple %mul3A_651, 16 : i32
        %get3A_653 = arith.index_cast %scan3A_565 : i32 to index
        %get3A_654 = arith.index_cast %multiple_of3A_652 : i32 to index
        %get3A_655 = tpu.vector_load %arg8[%get3A_653, %get3A_654] {strides = array<i32>} : memref<16x1024xf32, #tpu.memory_space<vmem>>, vector<1x16xf32>,
        %get3A_656 = vector.shape_cast %get3A_655 : vector<1x16xf32> to vector<16xf32>
        %multiple_of3A_657 = tpu.assume_multiple %mul3A_651, 16 : i32
        %get3A_658 = arith.index_cast %scan3A_565 : i32 to index
        %get3A_659 = arith.index_cast %multiple_of3A_657 : i32 to index
        %get3A_660 = tpu.vector_load %arg9[%get3A_658, %get3A_659] {strides = array<i32>} : memref<16x1024xf32, #tpu.memory_space<vmem>>, vector<1x16xf32>,
        %get3A_661 = vector.shape_cast %get3A_660 : vector<1x16xf32> to vector<16xf32>
        %add3A_662 = arith.addf %get3A_656, %get3A_661 : vector<16xf32>
        %gt3A_663 = arith.cmpf ogt, %add3A_662, %select_n3A_645 : vector<16xf32>
        %select_n3A_664 = arith.select %gt3A_663, %add3A_662, %select_n3A_645 : vector<16xi1>, vector<16xf32>
        %broadcast_in_dim3A_665 = vector.broadcast %mul3A_651 : i32 to vector<16xi32>
        %select_n3A_666 = arith.select %gt3A_663, %broadcast_in_dim3A_665, %select_n3A_647 : vector<16xi1>, vector<16xi32>
        %scan3A_667 = arith.constant 61 : i32
        %scan3A_668 = arith.addi %scan3A_569, %scan3A_667 : i32
        %mul3A_669 = arith.constant 16 : i32
        %mul3A_670 = arith.muli %scan3A_668, %mul3A_669 : i32
        %multiple_of3A_671 = tpu.assume_multiple %mul3A_670, 16 : i32
        %get3A_672 = arith.index_cast %scan3A_565 : i32 to index
        %get3A_673 = arith.index_cast %multiple_of3A_671 : i32 to index
        %get3A_674 = tpu.vector_load %arg8[%get3A_672, %get3A_673] {strides = array<i32>} : memref<16x1024xf32, #tpu.memory_space<vmem>>, vector<1x16xf32>,
        %get3A_675 = vector.shape_cast %get3A_674 : vector<1x16xf32> to vector<16xf32>
        %multiple_of3A_676 = tpu.assume_multiple %mul3A_670, 16 : i32
        %get3A_677 = arith.index_cast %scan3A_565 : i32 to index
        %get3A_678 = arith.index_cast %multiple_of3A_676 : i32 to index
        %get3A_679 = tpu.vector_load %arg9[%get3A_677, %get3A_678] {strides = array<i32>} : memref<16x1024xf32, #tpu.memory_space<vmem>>, vector<1x16xf32>,
        %get3A_680 = vector.shape_cast %get3A_679 : vector<1x16xf32> to vector<16xf32>
        %add3A_681 = arith.addf %get3A_675, %get3A_680 : vector<16xf32>
        %gt3A_682 = arith.cmpf ogt, %add3A_681, %select_n3A_664 : vector<16xf32>
        %select_n3A_683 = arith.select %gt3A_682, %add3A_681, %select_n3A_664 : vector<16xi1>, vector<16xf32>
        %broadcast_in_dim3A_684 = vector.broadcast %mul3A_670 : i32 to vector<16xi32>
        %select_n3A_685 = arith.select %gt3A_682, %broadcast_in_dim3A_684, %select_n3A_666 : vector<16xi1>, vector<16xi32>
        %scan3A_686 = arith.constant 62 : i32
        %mul3A_687 = arith.constant 0 : i32
        %mul3A_688 = arith.muli %scan3A_565, %mul3A_687 : i32
        %add3A_689 = arith.constant 992 : i32
        %add3A_690 = arith.addi %mul3A_688, %add3A_689 : i32
        %multiple_of3A_691 = tpu.assume_multiple %add3A_690, 16 : i32
        %get3A_692 = arith.index_cast %scan3A_565 : i32 to index
        %get3A_693 = arith.index_cast %multiple_of3A_691 : i32 to index
        %get3A_694 = tpu.vector_load %arg8[%get3A_692, %get3A_693] {strides = array<i32>} : memref<16x1024xf32, #tpu.memory_space<vmem>>, vector<1x16xf32>,
        %get3A_695 = vector.shape_cast %get3A_694 : vector<1x16xf32> to vector<16xf32>
        %get3A_696 = arith.index_cast %scan3A_565 : i32 to index
        %get3A_697 = arith.index_cast %multiple_of3A_691 : i32 to index
        %get3A_698 = tpu.vector_load %arg9[%get3A_696, %get3A_697] {strides = array<i32>} : memref<16x1024xf32, #tpu.memory_space<vmem>>, vector<1x16xf32>,
        %get3A_699 = vector.shape_cast %get3A_698 : vector<1x16xf32> to vector<16xf32>
        %add3A_700 = arith.addf %get3A_695, %get3A_699 : vector<16xf32>
        %lt3A_701 = arith.constant 8 : i32
        %lt3A_702 = vector.broadcast %lt3A_701 : i32 to vector<16xi32>
        %lt3A_703 = arith.cmpi slt, %iota3A, %lt3A_702 : vector<16xi32>
        %select_n3A_704 = arith.select %lt3A_703, %add3A_700, %broadcast_in_dim3A_5 : vector<16xi1>, vector<16xf32>
        %gt3A_705 = arith.cmpf ogt, %select_n3A_704, %select_n3A_683 : vector<16xf32>
        %select_n3A_706 = arith.select %gt3A_705, %select_n3A_704, %select_n3A_683 : vector<16xi1>, vector<16xf32>
        %jit3A = arith.constant 992 : i32
        %broadcast_in_dim3A_707 = vector.broadcast %jit3A : i32 to vector<16xi32>
        %select_n3A_708 = arith.select %gt3A_705, %broadcast_in_dim3A_707, %select_n3A_685 : vector<16xi1>, vector<16xi32>
        %bitcast_convert_type3A = tpu.bitcast %select_n3A_706 : vector<16xf32> -> vector<16xi32>
        %lt3A_709 = arith.constant 0 : i32
        %lt3A_710 = vector.broadcast %lt3A_709 : i32 to vector<16xi32>
        %lt3A_711 = arith.cmpi slt, %bitcast_convert_type3A, %lt3A_710 : vector<16xi32>
        %xor3A = arith.constant 2147483647 : i32
        %xor3A_712 = vector.broadcast %xor3A : i32 to vector<16xi32>
        %xor3A_713 = arith.xori %bitcast_convert_type3A, %xor3A_712 : vector<16xi32>
        %select_n3A_714 = arith.select %lt3A_711, %xor3A_713, %bitcast_convert_type3A : vector<16xi1>, vector<16xi32>
        %add3A_715 = arith.addi %select_n3A_708, %iota3A : vector<16xi32>
        %slice3A = vector.extract_strided_slice %select_n3A_714 {offsets = [0], sizes = [1], strides = [1]} : vector<16xi32> to vector<1xi32>
        %squeeze3A = vector.extract %slice3A[0] : i32 from vector<1xi32>
        %slice3A_716 = vector.extract_strided_slice %add3A_715 {offsets = [0], sizes = [1], strides = [1]} : vector<16xi32> to vector<1xi32>
        %squeeze3A_717 = vector.extract %slice3A_716[0] : i32 from vector<1xi32>
        %slice3A_718 = vector.extract_strided_slice %select_n3A_714 {offsets = [1], sizes = [1], strides = [1]} : vector<16xi32> to vector<1xi32>
        %squeeze3A_719 = vector.extract %slice3A_718[0] : i32 from vector<1xi32>
        %slice3A_720 = vector.extract_strided_slice %add3A_715 {offsets = [1], sizes = [1], strides = [1]} : vector<16xi32> to vector<1xi32>
        %squeeze3A_721 = vector.extract %slice3A_720[0] : i32 from vector<1xi32>
        %gt3A_722 = arith.cmpi sgt, %squeeze3A_719, %squeeze3A : i32
        %eq3A_723 = arith.cmpi eq, %squeeze3A_719, %squeeze3A : i32
        %lt3A_724 = arith.cmpi slt, %squeeze3A_721, %squeeze3A_717 : i32
        %and3A_725 = arith.andi %eq3A_723, %lt3A_724 : i1
        %or3A = arith.ori %gt3A_722, %and3A_725 : i1
        %select_n3A_726 = arith.select %or3A, %squeeze3A_719, %squeeze3A : i32
        %select_n3A_727 = arith.select %or3A, %squeeze3A_721, %squeeze3A_717 : i32
        %slice3A_728 = vector.extract_strided_slice %select_n3A_714 {offsets = [2], sizes = [1], strides = [1]} : vector<16xi32> to vector<1xi32>
        %squeeze3A_729 = vector.extract %slice3A_728[0] : i32 from vector<1xi32>
        %slice3A_730 = vector.extract_strided_slice %add3A_715 {offsets = [2], sizes = [1], strides = [1]} : vector<16xi32> to vector<1xi32>
        %squeeze3A_731 = vector.extract %slice3A_730[0] : i32 from vector<1xi32>
        %gt3A_732 = arith.cmpi sgt, %squeeze3A_729, %select_n3A_726 : i32
        %eq3A_733 = arith.cmpi eq, %squeeze3A_729, %select_n3A_726 : i32
        %lt3A_734 = arith.cmpi slt, %squeeze3A_731, %select_n3A_727 : i32
        %and3A_735 = arith.andi %eq3A_733, %lt3A_734 : i1
        %or3A_736 = arith.ori %gt3A_732, %and3A_735 : i1
        %select_n3A_737 = arith.select %or3A_736, %squeeze3A_729, %select_n3A_726 : i32
        %select_n3A_738 = arith.select %or3A_736, %squeeze3A_731, %select_n3A_727 : i32
        %slice3A_739 = vector.extract_strided_slice %select_n3A_714 {offsets = [3], sizes = [1], strides = [1]} : vector<16xi32> to vector<1xi32>
        %squeeze3A_740 = vector.extract %slice3A_739[0] : i32 from vector<1xi32>
        %slice3A_741 = vector.extract_strided_slice %add3A_715 {offsets = [3], sizes = [1], strides = [1]} : vector<16xi32> to vector<1xi32>
        %squeeze3A_742 = vector.extract %slice3A_741[0] : i32 from vector<1xi32>
        %gt3A_743 = arith.cmpi sgt, %squeeze3A_740, %select_n3A_737 : i32
        %eq3A_744 = arith.cmpi eq, %squeeze3A_740, %select_n3A_737 : i32
        %lt3A_745 = arith.cmpi slt, %squeeze3A_742, %select_n3A_738 : i32
        %and3A_746 = arith.andi %eq3A_744, %lt3A_745 : i1
        %or3A_747 = arith.ori %gt3A_743, %and3A_746 : i1
        %select_n3A_748 = arith.select %or3A_747, %squeeze3A_740, %select_n3A_737 : i32
        %select_n3A_749 = arith.select %or3A_747, %squeeze3A_742, %select_n3A_738 : i32
        %slice3A_750 = vector.extract_strided_slice %select_n3A_714 {offsets = [4], sizes = [1], strides = [1]} : vector<16xi32> to vector<1xi32>
        %squeeze3A_751 = vector.extract %slice3A_750[0] : i32 from vector<1xi32>
        %slice3A_752 = vector.extract_strided_slice %add3A_715 {offsets = [4], sizes = [1], strides = [1]} : vector<16xi32> to vector<1xi32>
        %squeeze3A_753 = vector.extract %slice3A_752[0] : i32 from vector<1xi32>
        %gt3A_754 = arith.cmpi sgt, %squeeze3A_751, %select_n3A_748 : i32
        %eq3A_755 = arith.cmpi eq, %squeeze3A_751, %select_n3A_748 : i32
        %lt3A_756 = arith.cmpi slt, %squeeze3A_753, %select_n3A_749 : i32
        %and3A_757 = arith.andi %eq3A_755, %lt3A_756 : i1
        %or3A_758 = arith.ori %gt3A_754, %and3A_757 : i1
        %select_n3A_759 = arith.select %or3A_758, %squeeze3A_751, %select_n3A_748 : i32
        %select_n3A_760 = arith.select %or3A_758, %squeeze3A_753, %select_n3A_749 : i32
        %slice3A_761 = vector.extract_strided_slice %select_n3A_714 {offsets = [5], sizes = [1], strides = [1]} : vector<16xi32> to vector<1xi32>
        %squeeze3A_762 = vector.extract %slice3A_761[0] : i32 from vector<1xi32>
        %slice3A_763 = vector.extract_strided_slice %add3A_715 {offsets = [5], sizes = [1], strides = [1]} : vector<16xi32> to vector<1xi32>
        %squeeze3A_764 = vector.extract %slice3A_763[0] : i32 from vector<1xi32>
        %gt3A_765 = arith.cmpi sgt, %squeeze3A_762, %select_n3A_759 : i32
        %eq3A_766 = arith.cmpi eq, %squeeze3A_762, %select_n3A_759 : i32
        %lt3A_767 = arith.cmpi slt, %squeeze3A_764, %select_n3A_760 : i32
        %and3A_768 = arith.andi %eq3A_766, %lt3A_767 : i1
        %or3A_769 = arith.ori %gt3A_765, %and3A_768 : i1
        %select_n3A_770 = arith.select %or3A_769, %squeeze3A_762, %select_n3A_759 : i32
        %select_n3A_771 = arith.select %or3A_769, %squeeze3A_764, %select_n3A_760 : i32
        %slice3A_772 = vector.extract_strided_slice %select_n3A_714 {offsets = [6], sizes = [1], strides = [1]} : vector<16xi32> to vector<1xi32>
        %squeeze3A_773 = vector.extract %slice3A_772[0] : i32 from vector<1xi32>
        %slice3A_774 = vector.extract_strided_slice %add3A_715 {offsets = [6], sizes = [1], strides = [1]} : vector<16xi32> to vector<1xi32>
        %squeeze3A_775 = vector.extract %slice3A_774[0] : i32 from vector<1xi32>
        %gt3A_776 = arith.cmpi sgt, %squeeze3A_773, %select_n3A_770 : i32
        %eq3A_777 = arith.cmpi eq, %squeeze3A_773, %select_n3A_770 : i32
        %lt3A_778 = arith.cmpi slt, %squeeze3A_775, %select_n3A_771 : i32
        %and3A_779 = arith.andi %eq3A_777, %lt3A_778 : i1
        %or3A_780 = arith.ori %gt3A_776, %and3A_779 : i1
        %select_n3A_781 = arith.select %or3A_780, %squeeze3A_773, %select_n3A_770 : i32
        %select_n3A_782 = arith.select %or3A_780, %squeeze3A_775, %select_n3A_771 : i32
        %slice3A_783 = vector.extract_strided_slice %select_n3A_714 {offsets = [7], sizes = [1], strides = [1]} : vector<16xi32> to vector<1xi32>
        %squeeze3A_784 = vector.extract %slice3A_783[0] : i32 from vector<1xi32>
        %slice3A_785 = vector.extract_strided_slice %add3A_715 {offsets = [7], sizes = [1], strides = [1]} : vector<16xi32> to vector<1xi32>
        %squeeze3A_786 = vector.extract %slice3A_785[0] : i32 from vector<1xi32>
        %gt3A_787 = arith.cmpi sgt, %squeeze3A_784, %select_n3A_781 : i32
        %eq3A_788 = arith.cmpi eq, %squeeze3A_784, %select_n3A_781 : i32
        %lt3A_789 = arith.cmpi slt, %squeeze3A_786, %select_n3A_782 : i32
        %and3A_790 = arith.andi %eq3A_788, %lt3A_789 : i1
        %or3A_791 = arith.ori %gt3A_787, %and3A_790 : i1
        %select_n3A_792 = arith.select %or3A_791, %squeeze3A_784, %select_n3A_781 : i32
        %select_n3A_793 = arith.select %or3A_791, %squeeze3A_786, %select_n3A_782 : i32
        %slice3A_794 = vector.extract_strided_slice %select_n3A_714 {offsets = [8], sizes = [1], strides = [1]} : vector<16xi32> to vector<1xi32>
        %squeeze3A_795 = vector.extract %slice3A_794[0] : i32 from vector<1xi32>
        %slice3A_796 = vector.extract_strided_slice %add3A_715 {offsets = [8], sizes = [1], strides = [1]} : vector<16xi32> to vector<1xi32>
        %squeeze3A_797 = vector.extract %slice3A_796[0] : i32 from vector<1xi32>
        %gt3A_798 = arith.cmpi sgt, %squeeze3A_795, %select_n3A_792 : i32
        %eq3A_799 = arith.cmpi eq, %squeeze3A_795, %select_n3A_792 : i32
        %lt3A_800 = arith.cmpi slt, %squeeze3A_797, %select_n3A_793 : i32
        %and3A_801 = arith.andi %eq3A_799, %lt3A_800 : i1
        %or3A_802 = arith.ori %gt3A_798, %and3A_801 : i1
        %select_n3A_803 = arith.select %or3A_802, %squeeze3A_795, %select_n3A_792 : i32
        %select_n3A_804 = arith.select %or3A_802, %squeeze3A_797, %select_n3A_793 : i32
        %slice3A_805 = vector.extract_strided_slice %select_n3A_714 {offsets = [9], sizes = [1], strides = [1]} : vector<16xi32> to vector<1xi32>
        %squeeze3A_806 = vector.extract %slice3A_805[0] : i32 from vector<1xi32>
        %slice3A_807 = vector.extract_strided_slice %add3A_715 {offsets = [9], sizes = [1], strides = [1]} : vector<16xi32> to vector<1xi32>
        %squeeze3A_808 = vector.extract %slice3A_807[0] : i32 from vector<1xi32>
        %gt3A_809 = arith.cmpi sgt, %squeeze3A_806, %select_n3A_803 : i32
        %eq3A_810 = arith.cmpi eq, %squeeze3A_806, %select_n3A_803 : i32
        %lt3A_811 = arith.cmpi slt, %squeeze3A_808, %select_n3A_804 : i32
        %and3A_812 = arith.andi %eq3A_810, %lt3A_811 : i1
        %or3A_813 = arith.ori %gt3A_809, %and3A_812 : i1
        %select_n3A_814 = arith.select %or3A_813, %squeeze3A_806, %select_n3A_803 : i32
        %select_n3A_815 = arith.select %or3A_813, %squeeze3A_808, %select_n3A_804 : i32
        %slice3A_816 = vector.extract_strided_slice %select_n3A_714 {offsets = [10], sizes = [1], strides = [1]} : vector<16xi32> to vector<1xi32>
        %squeeze3A_817 = vector.extract %slice3A_816[0] : i32 from vector<1xi32>
        %slice3A_818 = vector.extract_strided_slice %add3A_715 {offsets = [10], sizes = [1], strides = [1]} : vector<16xi32> to vector<1xi32>
        %squeeze3A_819 = vector.extract %slice3A_818[0] : i32 from vector<1xi32>
        %gt3A_820 = arith.cmpi sgt, %squeeze3A_817, %select_n3A_814 : i32
        %eq3A_821 = arith.cmpi eq, %squeeze3A_817, %select_n3A_814 : i32
        %lt3A_822 = arith.cmpi slt, %squeeze3A_819, %select_n3A_815 : i32
        %and3A_823 = arith.andi %eq3A_821, %lt3A_822 : i1
        %or3A_824 = arith.ori %gt3A_820, %and3A_823 : i1
        %select_n3A_825 = arith.select %or3A_824, %squeeze3A_817, %select_n3A_814 : i32
        %select_n3A_826 = arith.select %or3A_824, %squeeze3A_819, %select_n3A_815 : i32
        %slice3A_827 = vector.extract_strided_slice %select_n3A_714 {offsets = [11], sizes = [1], strides = [1]} : vector<16xi32> to vector<1xi32>
        %squeeze3A_828 = vector.extract %slice3A_827[0] : i32 from vector<1xi32>
        %slice3A_829 = vector.extract_strided_slice %add3A_715 {offsets = [11], sizes = [1], strides = [1]} : vector<16xi32> to vector<1xi32>
        %squeeze3A_830 = vector.extract %slice3A_829[0] : i32 from vector<1xi32>
        %gt3A_831 = arith.cmpi sgt, %squeeze3A_828, %select_n3A_825 : i32
        %eq3A_832 = arith.cmpi eq, %squeeze3A_828, %select_n3A_825 : i32
        %lt3A_833 = arith.cmpi slt, %squeeze3A_830, %select_n3A_826 : i32
        %and3A_834 = arith.andi %eq3A_832, %lt3A_833 : i1
        %or3A_835 = arith.ori %gt3A_831, %and3A_834 : i1
        %select_n3A_836 = arith.select %or3A_835, %squeeze3A_828, %select_n3A_825 : i32
        %select_n3A_837 = arith.select %or3A_835, %squeeze3A_830, %select_n3A_826 : i32
        %slice3A_838 = vector.extract_strided_slice %select_n3A_714 {offsets = [12], sizes = [1], strides = [1]} : vector<16xi32> to vector<1xi32>
        %squeeze3A_839 = vector.extract %slice3A_838[0] : i32 from vector<1xi32>
        %slice3A_840 = vector.extract_strided_slice %add3A_715 {offsets = [12], sizes = [1], strides = [1]} : vector<16xi32> to vector<1xi32>
        %squeeze3A_841 = vector.extract %slice3A_840[0] : i32 from vector<1xi32>
        %gt3A_842 = arith.cmpi sgt, %squeeze3A_839, %select_n3A_836 : i32
        %eq3A_843 = arith.cmpi eq, %squeeze3A_839, %select_n3A_836 : i32
        %lt3A_844 = arith.cmpi slt, %squeeze3A_841, %select_n3A_837 : i32
        %and3A_845 = arith.andi %eq3A_843, %lt3A_844 : i1
        %or3A_846 = arith.ori %gt3A_842, %and3A_845 : i1
        %select_n3A_847 = arith.select %or3A_846, %squeeze3A_839, %select_n3A_836 : i32
        %select_n3A_848 = arith.select %or3A_846, %squeeze3A_841, %select_n3A_837 : i32
        %slice3A_849 = vector.extract_strided_slice %select_n3A_714 {offsets = [13], sizes = [1], strides = [1]} : vector<16xi32> to vector<1xi32>
        %squeeze3A_850 = vector.extract %slice3A_849[0] : i32 from vector<1xi32>
        %slice3A_851 = vector.extract_strided_slice %add3A_715 {offsets = [13], sizes = [1], strides = [1]} : vector<16xi32> to vector<1xi32>
        %squeeze3A_852 = vector.extract %slice3A_851[0] : i32 from vector<1xi32>
        %gt3A_853 = arith.cmpi sgt, %squeeze3A_850, %select_n3A_847 : i32
        %eq3A_854 = arith.cmpi eq, %squeeze3A_850, %select_n3A_847 : i32
        %lt3A_855 = arith.cmpi slt, %squeeze3A_852, %select_n3A_848 : i32
        %and3A_856 = arith.andi %eq3A_854, %lt3A_855 : i1
        %or3A_857 = arith.ori %gt3A_853, %and3A_856 : i1
        %select_n3A_858 = arith.select %or3A_857, %squeeze3A_850, %select_n3A_847 : i32
        %select_n3A_859 = arith.select %or3A_857, %squeeze3A_852, %select_n3A_848 : i32
        %slice3A_860 = vector.extract_strided_slice %select_n3A_714 {offsets = [14], sizes = [1], strides = [1]} : vector<16xi32> to vector<1xi32>
        %squeeze3A_861 = vector.extract %slice3A_860[0] : i32 from vector<1xi32>
        %slice3A_862 = vector.extract_strided_slice %add3A_715 {offsets = [14], sizes = [1], strides = [1]} : vector<16xi32> to vector<1xi32>
        %squeeze3A_863 = vector.extract %slice3A_862[0] : i32 from vector<1xi32>
        %gt3A_864 = arith.cmpi sgt, %squeeze3A_861, %select_n3A_858 : i32
        %eq3A_865 = arith.cmpi eq, %squeeze3A_861, %select_n3A_858 : i32
        %lt3A_866 = arith.cmpi slt, %squeeze3A_863, %select_n3A_859 : i32
        %and3A_867 = arith.andi %eq3A_865, %lt3A_866 : i1
        %or3A_868 = arith.ori %gt3A_864, %and3A_867 : i1
        %select_n3A_869 = arith.select %or3A_868, %squeeze3A_861, %select_n3A_858 : i32
        %select_n3A_870 = arith.select %or3A_868, %squeeze3A_863, %select_n3A_859 : i32
        %slice3A_871 = vector.extract_strided_slice %select_n3A_714 {offsets = [15], sizes = [1], strides = [1]} : vector<16xi32> to vector<1xi32>
        %squeeze3A_872 = vector.extract %slice3A_871[0] : i32 from vector<1xi32>
        %slice3A_873 = vector.extract_strided_slice %add3A_715 {offsets = [15], sizes = [1], strides = [1]} : vector<16xi32> to vector<1xi32>
        %squeeze3A_874 = vector.extract %slice3A_873[0] : i32 from vector<1xi32>
        %gt3A_875 = arith.cmpi sgt, %squeeze3A_872, %select_n3A_869 : i32
        %eq3A_876 = arith.cmpi eq, %squeeze3A_872, %select_n3A_869 : i32
        %lt3A_877 = arith.cmpi slt, %squeeze3A_874, %select_n3A_870 : i32
        %and3A_878 = arith.andi %eq3A_876, %lt3A_877 : i1
        %or3A_879 = arith.ori %gt3A_875, %and3A_878 : i1
        %select_n3A_880 = arith.select %or3A_879, %squeeze3A_872, %select_n3A_869 : i32
        %select_n3A_881 = arith.select %or3A_879, %squeeze3A_874, %select_n3A_870 : i32
        %ne3A = arith.constant 2139095040 : i32
        %ne3A_882 = arith.cmpi ne, %select_n3A_880, %ne3A : i32
        %jit3A_883 = arith.constant 1.000000e+00 : f32
        %jit3A_884 = arith.constant 0.000000e+00 : f32
        %select_n3A_885 = arith.select %ne3A_882, %jit3A_883, %jit3A_884 : f32
        %shift_right_arithmetic3A = arith.constant 4 : i32
        %shift_right_arithmetic3A_886 = arith.shrsi %select_n3A_881, %shift_right_arithmetic3A : i32
        %shift_left3A = arith.constant 4 : i32
        %shift_left3A_887 = arith.shli %shift_right_arithmetic3A_886, %shift_left3A : i32
        %multiple_of3A_888 = tpu.assume_multiple %shift_left3A_887, 16 : i32
        %sub3A = arith.subi %select_n3A_881, %multiple_of3A_888 : i32
        %eq3A_889 = vector.broadcast %sub3A : i32 to vector<16xi32>
        %eq3A_890 = arith.cmpi eq, %iota3A, %eq3A_889 : vector<16xi32>
        %jit3A_891 = arith.constant 0.000000e+00 : f32
        %broadcast_in_dim3A_892 = vector.broadcast %select_n3A_885 : f32 to vector<16xf32>
        %broadcast_in_dim3A_893 = vector.broadcast %jit3A_891 : f32 to vector<16xf32>
        %select_n3A_894 = arith.select %eq3A_890, %broadcast_in_dim3A_892, %broadcast_in_dim3A_893 : vector<16xi1>, vector<16xf32>
        %swap3A = arith.index_cast %scan3A_565 : i32 to index
        %swap3A_895 = arith.index_cast %multiple_of3A_888 : i32 to index
        %swap3A_896 = tpu.vector_load %arg10[%swap3A, %swap3A_895] {strides = array<i32>} : memref<16x1024xf32, #tpu.memory_space<vmem>>, vector<1x16xf32>,
        %swap3A_897 = vector.shape_cast %swap3A_896 : vector<1x16xf32> to vector<16xf32>
        %swap3A_898 = vector.shape_cast %select_n3A_894 : vector<16xf32> to vector<1x16xf32>
        tpu.vector_store %arg10[%swap3A, %swap3A_895], %swap3A_898 {strides = array<i32>} : memref<16x1024xf32, #tpu.memory_space<vmem>>, vector<1x16xf32>,
        %scan3A_899 = arith.constant 0 : i32
        scf.yield %scan3A_899 : i32
      }
      %scan3A_512 = arith.constant 16 : i32
      %eq3A_513 = arith.constant 0 : i32
      %eq3A_514 = arith.cmpi eq, %add3A, %eq3A_513 : i32
      %eq3A_515 = arith.constant 0 : i32
      %eq3A_516 = arith.cmpi eq, %add3A_181, %eq3A_515 : i32
      %and3A_517 = arith.andi %eq3A_514, %eq3A_516 : i1
      %convert_element_type3A_518 = arith.extui %and3A_517 : i1 to i32
      %cond3A_519 = arith.constant 0 : i32
      %cond3A_520 = arith.cmpi ne, %convert_element_type3A_518, %cond3A_519 : i32
      scf.if %cond3A_520 {
        %get3A = arith.constant 0 : i32
        %get3A_565 = arith.index_cast %get3A : i32 to index
        %get3A_566 = arith.constant 0 : index
        %get3A_567 = tpu.vector_load %arg10[%get3A_565, %get3A_566] {strides = array<i32>} : memref<16x1024xf32, #tpu.memory_space<vmem>>, vector<1x16xf32>,
        %get3A_568 = vector.shape_cast %get3A_567 : vector<1x16xf32> to vector<16xf32>
        %eq3A_569 = arith.constant 1 : i32
        %eq3A_570 = vector.broadcast %eq3A_569 : i32 to vector<16xi32>
        %eq3A_571 = arith.cmpi eq, %iota3A, %eq3A_570 : vector<16xi32>
        %jit3A = arith.constant 1.000000e+00 : f32
        %broadcast_in_dim3A_572 = vector.broadcast %jit3A : f32 to vector<16xf32>
        %select_n3A = arith.select %eq3A_571, %broadcast_in_dim3A_572, %get3A_568 : vector<16xi1>, vector<16xf32>
        %swap3A = arith.constant 0 : i32
        %swap3A_573 = arith.index_cast %swap3A : i32 to index
        %swap3A_574 = arith.constant 0 : index
        %swap3A_575 = tpu.vector_load %arg10[%swap3A_573, %swap3A_574] {strides = array<i32>} : memref<16x1024xf32, #tpu.memory_space<vmem>>, vector<1x16xf32>,
        %swap3A_576 = vector.shape_cast %swap3A_575 : vector<1x16xf32> to vector<16xf32>
        %swap3A_577 = vector.shape_cast %select_n3A : vector<16xf32> to vector<1x16xf32>
        tpu.vector_store %arg10[%swap3A_573, %swap3A_574], %swap3A_577 {strides = array<i32>} : memref<16x1024xf32, #tpu.memory_space<vmem>>, vector<1x16xf32>,
      } else {
      }
      %mul3A_521 = arith.constant 16 : i32
      %mul3A_522 = arith.muli %add3A_181, %mul3A_521 : i32
      %add3A_523 = arith.addi %mul3A_2, %mul3A_522 : i32
      %add3A_524 = arith.constant 0 : i32
      %add3A_525 = arith.addi %add3A_523, %add3A_524 : i32
      %dma_start3A_526 = arith.constant 0 : i32
      %dma_start3A_527 = arith.constant 0 : i32
      %dma_start3A_528 = tpu.memref_slice %arg10[%dma_start3A_526, %dma_start3A_527] : memref<16x1024xf32, #tpu.memory_space<vmem>> -> memref<8x896xf32, #tpu.memory_space<vmem>>
      %dma_start3A_529 = arith.constant 0 : i32
      %dma_start3A_530 = tpu.memref_slice %arg4[%add3A_525, %dma_start3A_529] : memref<16384x1000xf32, #tpu.memory_space<hbm>> -> memref<8x896xf32, #tpu.memory_space<hbm>>
      %dma_start3A_531 = arith.constant 0 : i32
      %dma_start3A_532 = tpu.memref_slice %arg4[%add3A_525, %dma_start3A_531] : memref<16384x1000xf32, #tpu.memory_space<hbm>> -> memref<8x896xf32, #tpu.memory_space<hbm>>
      %dma_start3A_533 = arith.constant 0 : i32
      %dma_start3A_534 = arith.constant 0 : i32
      %dma_start3A_535 = tpu.memref_slice %arg10[%dma_start3A_533, %dma_start3A_534] : memref<16x1024xf32, #tpu.memory_space<vmem>> -> memref<8x896xf32, #tpu.memory_space<vmem>>
      tpu.enqueue_dma source(%dma_start3A_535 : memref<8x896xf32, #tpu.memory_space<vmem>>) target(%dma_start3A_532 : memref<8x896xf32, #tpu.memory_space<hbm>>) target_semaphore(%arg16 : memref<!tpu.dma_semaphore, #tpu.memory_space<semaphore_mem>>)
      %dma_start3A_536 = arith.constant 0 : i32
      %dma_start3A_537 = arith.constant 896 : i32
      %dma_start3A_538 = tpu.memref_slice %arg10[%dma_start3A_536, %dma_start3A_537] : memref<16x1024xf32, #tpu.memory_space<vmem>> -> memref<8x128xf32, #tpu.memory_space<vmem>>
      %dma_start3A_539 = tpu.memref_slice %arg4[%add3A_525, %multiple_of3A] : memref<16384x1000xf32, #tpu.memory_space<hbm>> -> memref<8x128xf32, #tpu.memory_space<hbm>>
      %dma_start3A_540 = tpu.memref_slice %arg4[%add3A_525, %multiple_of3A] : memref<16384x1000xf32, #tpu.memory_space<hbm>> -> memref<8x128xf32, #tpu.memory_space<hbm>>
      %dma_start3A_541 = arith.constant 0 : i32
      %dma_start3A_542 = arith.constant 896 : i32
      %dma_start3A_543 = tpu.memref_slice %arg10[%dma_start3A_541, %dma_start3A_542] : memref<16x1024xf32, #tpu.memory_space<vmem>> -> memref<8x128xf32, #tpu.memory_space<vmem>>
      tpu.enqueue_dma source(%dma_start3A_543 : memref<8x128xf32, #tpu.memory_space<vmem>>) target(%dma_start3A_540 : memref<8x128xf32, #tpu.memory_space<hbm>>) target_semaphore(%arg16 : memref<!tpu.dma_semaphore, #tpu.memory_space<semaphore_mem>>)
      %add3A_544 = arith.constant 8 : i32
      %add3A_545 = arith.addi %add3A_523, %add3A_544 : i32
      %dma_start3A_546 = arith.constant 8 : i32
      %dma_start3A_547 = arith.constant 0 : i32
      %dma_start3A_548 = tpu.memref_slice %arg10[%dma_start3A_546, %dma_start3A_547] : memref<16x1024xf32, #tpu.memory_space<vmem>> -> memref<8x896xf32, #tpu.memory_space<vmem>>
      %dma_start3A_549 = arith.constant 0 : i32
      %dma_start3A_550 = tpu.memref_slice %arg4[%add3A_545, %dma_start3A_549] : memref<16384x1000xf32, #tpu.memory_space<hbm>> -> memref<8x896xf32, #tpu.memory_space<hbm>>
      %dma_start3A_551 = arith.constant 0 : i32
      %dma_start3A_552 = tpu.memref_slice %arg4[%add3A_545, %dma_start3A_551] : memref<16384x1000xf32, #tpu.memory_space<hbm>> -> memref<8x896xf32, #tpu.memory_space<hbm>>
      %dma_start3A_553 = arith.constant 8 : i32
      %dma_start3A_554 = arith.constant 0 : i32
      %dma_start3A_555 = tpu.memref_slice %arg10[%dma_start3A_553, %dma_start3A_554] : memref<16x1024xf32, #tpu.memory_space<vmem>> -> memref<8x896xf32, #tpu.memory_space<vmem>>
      tpu.enqueue_dma source(%dma_start3A_555 : memref<8x896xf32, #tpu.memory_space<vmem>>) target(%dma_start3A_552 : memref<8x896xf32, #tpu.memory_space<hbm>>) target_semaphore(%arg16 : memref<!tpu.dma_semaphore, #tpu.memory_space<semaphore_mem>>)
      %dma_start3A_556 = arith.constant 8 : i32
      %dma_start3A_557 = arith.constant 896 : i32
      %dma_start3A_558 = tpu.memref_slice %arg10[%dma_start3A_556, %dma_start3A_557] : memref<16x1024xf32, #tpu.memory_space<vmem>> -> memref<8x128xf32, #tpu.memory_space<vmem>>
      %dma_start3A_559 = tpu.memref_slice %arg4[%add3A_545, %multiple_of3A] : memref<16384x1000xf32, #tpu.memory_space<hbm>> -> memref<8x128xf32, #tpu.memory_space<hbm>>
      %dma_start3A_560 = tpu.memref_slice %arg4[%add3A_545, %multiple_of3A] : memref<16384x1000xf32, #tpu.memory_space<hbm>> -> memref<8x128xf32, #tpu.memory_space<hbm>>
      %dma_start3A_561 = arith.constant 8 : i32
      %dma_start3A_562 = arith.constant 896 : i32
      %dma_start3A_563 = tpu.memref_slice %arg10[%dma_start3A_561, %dma_start3A_562] : memref<16x1024xf32, #tpu.memory_space<vmem>> -> memref<8x128xf32, #tpu.memory_space<vmem>>
      tpu.enqueue_dma source(%dma_start3A_563 : memref<8x128xf32, #tpu.memory_space<vmem>>) target(%dma_start3A_560 : memref<8x128xf32, #tpu.memory_space<hbm>>) target_semaphore(%arg16 : memref<!tpu.dma_semaphore, #tpu.memory_space<semaphore_mem>>)
      %scan3A_564 = arith.constant 0 : i32
      scf.yield %scan3A_564 : i32
    }
    %scan3A_96 = arith.constant 16 : i32
    %add3A_97 = arith.constant 0 : i32
    %add3A_98 = arith.addi %mul3A_2, %add3A_97 : i32
    %dma_wait3A = arith.constant 0 : i32
    %dma_wait3A_99 = arith.constant 0 : i32
    %dma_wait3A_100 = tpu.memref_slice %arg7[%dma_wait3A, %dma_wait3A_99] : memref<16x1024xf32, #tpu.memory_space<vmem>> -> memref<8x896xf32, #tpu.memory_space<vmem>>
    %dma_wait3A_101 = arith.constant 0 : i32
    %dma_wait3A_102 = tpu.memref_slice %arg4[%add3A_98, %dma_wait3A_101] : memref<16384x1000xf32, #tpu.memory_space<hbm>> -> memref<8x896xf32, #tpu.memory_space<hbm>>
    %dma_wait3A_103 = arith.constant 0 : i32
    %dma_wait3A_104 = tpu.memref_slice %arg4[%add3A_98, %dma_wait3A_103] : memref<16384x1000xf32, #tpu.memory_space<hbm>> -> memref<8x896xf32, #tpu.memory_space<hbm>>
    %dma_wait3A_105 = arith.constant 0 : i32
    %dma_wait3A_106 = arith.constant 0 : i32
    %dma_wait3A_107 = tpu.memref_slice %arg7[%dma_wait3A_105, %dma_wait3A_106] : memref<16x1024xf32, #tpu.memory_space<vmem>> -> memref<8x896xf32, #tpu.memory_space<vmem>>
    tpu.wait_dma2 semaphore(%arg13 : memref<!tpu.dma_semaphore, #tpu.memory_space<semaphore_mem>>) src(%dma_wait3A_107 : memref<8x896xf32, #tpu.memory_space<vmem>>) dst(%dma_wait3A_104 : memref<8x896xf32, #tpu.memory_space<hbm>>)
    %dma_wait3A_108 = arith.constant 0 : i32
    %dma_wait3A_109 = arith.constant 896 : i32
    %dma_wait3A_110 = tpu.memref_slice %arg7[%dma_wait3A_108, %dma_wait3A_109] : memref<16x1024xf32, #tpu.memory_space<vmem>> -> memref<8x128xf32, #tpu.memory_space<vmem>>
    %dma_wait3A_111 = tpu.memref_slice %arg4[%add3A_98, %multiple_of3A] : memref<16384x1000xf32, #tpu.memory_space<hbm>> -> memref<8x128xf32, #tpu.memory_space<hbm>>
    %dma_wait3A_112 = tpu.memref_slice %arg4[%add3A_98, %multiple_of3A] : memref<16384x1000xf32, #tpu.memory_space<hbm>> -> memref<8x128xf32, #tpu.memory_space<hbm>>
    %dma_wait3A_113 = arith.constant 0 : i32
    %dma_wait3A_114 = arith.constant 896 : i32
    %dma_wait3A_115 = tpu.memref_slice %arg7[%dma_wait3A_113, %dma_wait3A_114] : memref<16x1024xf32, #tpu.memory_space<vmem>> -> memref<8x128xf32, #tpu.memory_space<vmem>>
    tpu.wait_dma2 semaphore(%arg13 : memref<!tpu.dma_semaphore, #tpu.memory_space<semaphore_mem>>) src(%dma_wait3A_115 : memref<8x128xf32, #tpu.memory_space<vmem>>) dst(%dma_wait3A_112 : memref<8x128xf32, #tpu.memory_space<hbm>>)
    %add3A_116 = arith.constant 8 : i32
    %add3A_117 = arith.addi %mul3A_2, %add3A_116 : i32
    %dma_wait3A_118 = arith.constant 8 : i32
    %dma_wait3A_119 = arith.constant 0 : i32
    %dma_wait3A_120 = tpu.memref_slice %arg7[%dma_wait3A_118, %dma_wait3A_119] : memref<16x1024xf32, #tpu.memory_space<vmem>> -> memref<8x896xf32, #tpu.memory_space<vmem>>
    %dma_wait3A_121 = arith.constant 0 : i32
    %dma_wait3A_122 = tpu.memref_slice %arg4[%add3A_117, %dma_wait3A_121] : memref<16384x1000xf32, #tpu.memory_space<hbm>> -> memref<8x896xf32, #tpu.memory_space<hbm>>
    %dma_wait3A_123 = arith.constant 0 : i32
    %dma_wait3A_124 = tpu.memref_slice %arg4[%add3A_117, %dma_wait3A_123] : memref<16384x1000xf32, #tpu.memory_space<hbm>> -> memref<8x896xf32, #tpu.memory_space<hbm>>
    %dma_wait3A_125 = arith.constant 8 : i32
    %dma_wait3A_126 = arith.constant 0 : i32
    %dma_wait3A_127 = tpu.memref_slice %arg7[%dma_wait3A_125, %dma_wait3A_126] : memref<16x1024xf32, #tpu.memory_space<vmem>> -> memref<8x896xf32, #tpu.memory_space<vmem>>
    tpu.wait_dma2 semaphore(%arg13 : memref<!tpu.dma_semaphore, #tpu.memory_space<semaphore_mem>>) src(%dma_wait3A_127 : memref<8x896xf32, #tpu.memory_space<vmem>>) dst(%dma_wait3A_124 : memref<8x896xf32, #tpu.memory_space<hbm>>)
    %dma_wait3A_128 = arith.constant 8 : i32
    %dma_wait3A_129 = arith.constant 896 : i32
    %dma_wait3A_130 = tpu.memref_slice %arg7[%dma_wait3A_128, %dma_wait3A_129] : memref<16x1024xf32, #tpu.memory_space<vmem>> -> memref<8x128xf32, #tpu.memory_space<vmem>>
    %dma_wait3A_131 = tpu.memref_slice %arg4[%add3A_117, %multiple_of3A] : memref<16384x1000xf32, #tpu.memory_space<hbm>> -> memref<8x128xf32, #tpu.memory_space<hbm>>
    %dma_wait3A_132 = tpu.memref_slice %arg4[%add3A_117, %multiple_of3A] : memref<16384x1000xf32, #tpu.memory_space<hbm>> -> memref<8x128xf32, #tpu.memory_space<hbm>>
    %dma_wait3A_133 = arith.constant 8 : i32
    %dma_wait3A_134 = arith.constant 896 : i32
    %dma_wait3A_135 = tpu.memref_slice %arg7[%dma_wait3A_133, %dma_wait3A_134] : memref<16x1024xf32, #tpu.memory_space<vmem>> -> memref<8x128xf32, #tpu.memory_space<vmem>>
    tpu.wait_dma2 semaphore(%arg13 : memref<!tpu.dma_semaphore, #tpu.memory_space<semaphore_mem>>) src(%dma_wait3A_135 : memref<8x128xf32, #tpu.memory_space<vmem>>) dst(%dma_wait3A_132 : memref<8x128xf32, #tpu.memory_space<hbm>>)
    %add3A_136 = arith.constant 0 : i32
    %add3A_137 = arith.addi %mul3A_2, %add3A_136 : i32
    %dma_wait3A_138 = arith.constant 0 : i32
    %dma_wait3A_139 = arith.constant 0 : i32
    %dma_wait3A_140 = tpu.memref_slice %arg10[%dma_wait3A_138, %dma_wait3A_139] : memref<16x1024xf32, #tpu.memory_space<vmem>> -> memref<8x896xf32, #tpu.memory_space<vmem>>
    %dma_wait3A_141 = arith.constant 0 : i32
    %dma_wait3A_142 = tpu.memref_slice %arg4[%add3A_137, %dma_wait3A_141] : memref<16384x1000xf32, #tpu.memory_space<hbm>> -> memref<8x896xf32, #tpu.memory_space<hbm>>
    %dma_wait3A_143 = arith.constant 0 : i32
    %dma_wait3A_144 = tpu.memref_slice %arg4[%add3A_137, %dma_wait3A_143] : memref<16384x1000xf32, #tpu.memory_space<hbm>> -> memref<8x896xf32, #tpu.memory_space<hbm>>
    %dma_wait3A_145 = arith.constant 0 : i32
    %dma_wait3A_146 = arith.constant 0 : i32
    %dma_wait3A_147 = tpu.memref_slice %arg10[%dma_wait3A_145, %dma_wait3A_146] : memref<16x1024xf32, #tpu.memory_space<vmem>> -> memref<8x896xf32, #tpu.memory_space<vmem>>
    tpu.wait_dma2 semaphore(%arg16 : memref<!tpu.dma_semaphore, #tpu.memory_space<semaphore_mem>>) src(%dma_wait3A_147 : memref<8x896xf32, #tpu.memory_space<vmem>>) dst(%dma_wait3A_144 : memref<8x896xf32, #tpu.memory_space<hbm>>)
    %dma_wait3A_148 = arith.constant 0 : i32
    %dma_wait3A_149 = arith.constant 896 : i32
    %dma_wait3A_150 = tpu.memref_slice %arg10[%dma_wait3A_148, %dma_wait3A_149] : memref<16x1024xf32, #tpu.memory_space<vmem>> -> memref<8x128xf32, #tpu.memory_space<vmem>>
    %dma_wait3A_151 = tpu.memref_slice %arg4[%add3A_137, %multiple_of3A] : memref<16384x1000xf32, #tpu.memory_space<hbm>> -> memref<8x128xf32, #tpu.memory_space<hbm>>
    %dma_wait3A_152 = tpu.memref_slice %arg4[%add3A_137, %multiple_of3A] : memref<16384x1000xf32, #tpu.memory_space<hbm>> -> memref<8x128xf32, #tpu.memory_space<hbm>>
    %dma_wait3A_153 = arith.constant 0 : i32
    %dma_wait3A_154 = arith.constant 896 : i32
    %dma_wait3A_155 = tpu.memref_slice %arg10[%dma_wait3A_153, %dma_wait3A_154] : memref<16x1024xf32, #tpu.memory_space<vmem>> -> memref<8x128xf32, #tpu.memory_space<vmem>>
    tpu.wait_dma2 semaphore(%arg16 : memref<!tpu.dma_semaphore, #tpu.memory_space<semaphore_mem>>) src(%dma_wait3A_155 : memref<8x128xf32, #tpu.memory_space<vmem>>) dst(%dma_wait3A_152 : memref<8x128xf32, #tpu.memory_space<hbm>>)
    %add3A_156 = arith.constant 8 : i32
    %add3A_157 = arith.addi %mul3A_2, %add3A_156 : i32
    %dma_wait3A_158 = arith.constant 8 : i32
    %dma_wait3A_159 = arith.constant 0 : i32
    %dma_wait3A_160 = tpu.memref_slice %arg10[%dma_wait3A_158, %dma_wait3A_159] : memref<16x1024xf32, #tpu.memory_space<vmem>> -> memref<8x896xf32, #tpu.memory_space<vmem>>
    %dma_wait3A_161 = arith.constant 0 : i32
    %dma_wait3A_162 = tpu.memref_slice %arg4[%add3A_157, %dma_wait3A_161] : memref<16384x1000xf32, #tpu.memory_space<hbm>> -> memref<8x896xf32, #tpu.memory_space<hbm>>
    %dma_wait3A_163 = arith.constant 0 : i32
    %dma_wait3A_164 = tpu.memref_slice %arg4[%add3A_157, %dma_wait3A_163] : memref<16384x1000xf32, #tpu.memory_space<hbm>> -> memref<8x896xf32, #tpu.memory_space<hbm>>
    %dma_wait3A_165 = arith.constant 8 : i32
    %dma_wait3A_166 = arith.constant 0 : i32
    %dma_wait3A_167 = tpu.memref_slice %arg10[%dma_wait3A_165, %dma_wait3A_166] : memref<16x1024xf32, #tpu.memory_space<vmem>> -> memref<8x896xf32, #tpu.memory_space<vmem>>
    tpu.wait_dma2 semaphore(%arg16 : memref<!tpu.dma_semaphore, #tpu.memory_space<semaphore_mem>>) src(%dma_wait3A_167 : memref<8x896xf32, #tpu.memory_space<vmem>>) dst(%dma_wait3A_164 : memref<8x896xf32, #tpu.memory_space<hbm>>)
    %dma_wait3A_168 = arith.constant 8 : i32
    %dma_wait3A_169 = arith.constant 896 : i32
    %dma_wait3A_170 = tpu.memref_slice %arg10[%dma_wait3A_168, %dma_wait3A_169] : memref<16x1024xf32, #tpu.memory_space<vmem>> -> memref<8x128xf32, #tpu.memory_space<vmem>>
    %dma_wait3A_171 = tpu.memref_slice %arg4[%add3A_157, %multiple_of3A] : memref<16384x1000xf32, #tpu.memory_space<hbm>> -> memref<8x128xf32, #tpu.memory_space<hbm>>
    %dma_wait3A_172 = tpu.memref_slice %arg4[%add3A_157, %multiple_of3A] : memref<16384x1000xf32, #tpu.memory_space<hbm>> -> memref<8x128xf32, #tpu.memory_space<hbm>>
    %dma_wait3A_173 = arith.constant 8 : i32
    %dma_wait3A_174 = arith.constant 896 : i32
    %dma_wait3A_175 = tpu.memref_slice %arg10[%dma_wait3A_173, %dma_wait3A_174] : memref<16x1024xf32, #tpu.memory_space<vmem>> -> memref<8x128xf32, #tpu.memory_space<vmem>>
    tpu.wait_dma2 semaphore(%arg16 : memref<!tpu.dma_semaphore, #tpu.memory_space<semaphore_mem>>) src(%dma_wait3A_175 : memref<8x128xf32, #tpu.memory_space<vmem>>) dst(%dma_wait3A_172 : memref<8x128xf32, #tpu.memory_space<hbm>>)
    return
  }
}

</mosaic_0001>

<sc_bundles>
// kernel: kernel.3.cloned.1.call-start
scs
__scs_entry_jumppad:
0x0: {  	(pc) =	sbr.rel $0x88, $3  }
0x1: {  	(tag) =	ssettag $0x0;
	lr =	simm.s32 $0x1  }
0x2: {  	[smem:$0x3F9F] =	sst lr;
	_ =	strace $0xD0000000  }
0x3: {  	_ = 	snop  }
0x4: {  	_ = 	snop  }
0x5: {  	_ = 	snop  }
0x6: {  	_ = 	snop  }
0x7: {  	_ = 	snop  }
__scs_overlays_trampoline_lowered:
0x8: {  	[smem:$0x3FAE] =	sst s0  }
0x9: {  	[smem:$0x3FAF] =	sst s1  }
0xa: {  	[smem:$0x3FB0] =	sst s2  }
0xb: {  	[smem:$0x3FB1] =	sst s3  }
0xc: {  	[smem:$0x3FB2] =	sst s4  }
0xd: {  	[smem:$0x3FB3] =	sst s5  }
0xe: {  	[smem:$0x3FB4] =	sst s6  }
0xf: {  	[smem:$0x3FB5] =	sst s7  }
0x10: {  	[smem:$0x3FB6] =	sst s8  }
0x11: {  	[smem:$0x3FB7] =	sst s9;
	s0 =	simm.s32 @!p0 $0x0  }
0x12: {  	s1 =	sld [smem:$0x3F9D];
	s0 =	simm.s32 @p0 $0x1  }
0x13: {  	[smem:$0x3FB8] =	sst s0;
	s0 =	simm.s32 @!p1 $0x0  }
0x14: {  	s2 =	sld [smem:$0x3F9C];
	s0 =	simm.s32 @p1 $0x1  }
0x15: {  	[smem:$0x3FB9] =	sst s0;
	s0 =	simm.s32 @!p2 $0x0  }
0x16: {  	s3 =	sld [smem:$0x3FDB];
	s0 =	simm.s32 @p2 $0x1  }
0x17: {  	s4 =	simm.s32 $0x1BF5;
	[smem:$0x3FBB] =	sst s0  }
0x18: {  	s0 =	sld [smem:$0x3F9E];
	_ =	swait.ge [sflag:s4], $0x0  }
0x19: {  	s7 =	sld [smem:$0x3F9F]  }
0x1a: {  	s8 =	sadd.s32 $0xFFFFE003, lr  }
0x1b: {  	s9 =	sadd.s32 $0xFFFFFEF7, lr;
	s5 =	simm.s32 $0xFFFFFFFF;
	p2 =	slt.u32 s8, $0xFFFFF086  }
0x1c: {  	p1 =	slt.u32 s9, $0xF7A;
	s5 =	simm.s32 @!p2 $0x0  }
0x1d: {  	s5 =	simm.s32 @p1 $0x1;
	p0 =	seq.s32 s7, s2  }
0x1e: {  	s7 =	smul.u32 @!p0 $0xF7A, s2;
	p2 =	seq.s32 @!p0 s5, $0x0  }
0x1f: {  	s9 =	smul.u32 $0xF7A, s1;
	s8 =	simm.s32 @!p0 $0x1BF5;
	p2 =	por !p2, p0  }
0x20: {  	[sflag:s8] =	ssyncset.s32 @!p0 $0xFFFFF086;
	s6 =	sadd.s32 @!p0 s3, s7;
	s7 =	simm.s32 @!p0 $0x108  }
0x21: {  	s3 =	sadd.s32 s3, s9;
	s6 =	sadd.s32 @!p0 $0x88, s6;
	s7 =	simm.s32 @p2 $0x1082  }
0x22: {  	[simem:s7], [sflag:s8] =	dma.local @!p0 [hbm:s6], $0xF7A  }
0x23: {  	s9 =	sor.u32 $0xD0000000, s2;
	s6 =	simm.s32 $0x108;
	_ =	swait.ge @!p0 [sflag:s8], $0x0  }
0x24: {  	s3 =	sadd.s32 $0x88, s3;
	s6 =	simm.s32 @!p1 $0x1082;
	[sflag:s4] =	ssyncset.s32 $0xFFFFF086  }
0x25: {  	[simem:s6], [sflag:s4] =	dma.local [hbm:s3], $0xF7A  }
0x26: {  	[smem:$0x3F9F] =	sst s1;
	(tag) =	ssettag s2;
	_ =	strace s9  }
0x27: {  	s1 =	sld [smem:$0x3FAF]  }
0x28: {  	s2 =	sld [smem:$0x3FB0]  }
0x29: {  	s4 =	sld [smem:$0x3FB2]  }
0x2a: {  	p0 =	seq.s32 s5, $0x0;
	s5 =	sld [smem:$0x3FB3]  }
0x2b: {  	s6 =	sld [smem:$0x3FB4]  }
0x2c: {  	s7 =	sld [smem:$0x3FB5]  }
0x2d: {  	s3 =	simm.s32 $0x108;
	s8 =	sld [smem:$0x3FB6]  }
0x2e: {  	s3 =	simm.s32 @!p0 $0x1082;
	s9 =	sld [smem:$0x3FB7]  }
0x2f: {  	lr =	sadd.s32 s0, s3;
	s0 =	sld [smem:$0x3FAE]  }
0x30: {  	s3 =	sld [smem:$0x3FB1]  }
0x31: {  	[smem:$0x3FBA] =	sst s10  }
0x32: {  	s10 =	sld [smem:$0x3FB8];
	_ =	sdelay $0x3  }
0x33: {  	p0 =	seq.s32 s10, $0x1;
	s10 =	sld [smem:$0x3FBA];
	_ =	sdelay $0x3  }
0x34: {  	[smem:$0x3FBA] =	sst s10  }
0x35: {  	s10 =	sld [smem:$0x3FB9];
	_ =	sdelay $0x3  }
0x36: {  	p1 =	seq.s32 s10, $0x1;
	s10 =	sld [smem:$0x3FBA];
	_ =	sdelay $0x3  }
0x37: {  	[smem:$0x3FBA] =	sst s10  }
0x38: {  	s10 =	sld [smem:$0x3FBB]  }
0x39: {  	_ = 	snop;
	(pc) =	sbr.ind lr, $3  }
0x3a: {  	_ = 	snop  }
0x3b: {  	_ = 	snop  }
0x3c: {  	p2 =	seq.s32 s10, $0x1;
	s10 =	sld [smem:$0x3FBA]  }
0x3d: {  	_ =	shalt  }
0x3e: {  	_ =	shalt  }
0x3f: {  	_ =	shalt  }
0x40: {  	_ =	shalt  }
0x41: {  	_ =	shalt  }
0x42: {  	_ =	shalt  }
0x43: {  	_ =	shalt  }
0x44: {  	_ =	shalt  }
0x45: {  	_ =	shalt  }
0x46: {  	_ =	shalt  }
0x47: {  	_ =	shalt  }
0x48: {  	_ =	shalt  }
0x49: {  	_ =	shalt  }
0x4a: {  	_ =	shalt  }
0x4b: {  	_ =	shalt  }
0x4c: {  	_ =	shalt  }
0x4d: {  	_ =	shalt  }
0x4e: {  	_ =	shalt  }
0x4f: {  	_ =	shalt  }
0x50: {  	_ =	shalt  }
0x51: {  	_ =	shalt  }
0x52: {  	_ =	shalt  }
0x53: {  	_ =	shalt  }
0x54: {  	_ =	shalt  }
0x55: {  	_ =	shalt  }
0x56: {  	_ =	shalt  }
0x57: {  	_ =	shalt  }
0x58: {  	_ =	shalt  }
0x59: {  	_ =	shalt  }
0x5a: {  	_ =	shalt  }
0x5b: {  	_ =	shalt  }
0x5c: {  	_ =	shalt  }
0x5d: {  	_ =	shalt  }
0x5e: {  	_ =	shalt  }
0x5f: {  	_ =	shalt  }
0x60: {  	_ =	shalt  }
0x61: {  	_ =	shalt  }
0x62: {  	_ =	shalt  }
0x63: {  	_ =	shalt  }
0x64: {  	_ =	shalt  }
0x65: {  	_ =	shalt  }
0x66: {  	_ =	shalt  }
0x67: {  	_ =	shalt  }
0x68: {  	_ =	shalt  }
0x69: {  	_ =	shalt  }
0x6a: {  	_ =	shalt  }
0x6b: {  	_ =	shalt  }
0x6c: {  	_ =	shalt  }
0x6d: {  	_ =	shalt  }
0x6e: {  	_ =	shalt  }
0x6f: {  	_ =	shalt  }
0x70: {  	_ =	shalt  }
0x71: {  	_ =	shalt  }
0x72: {  	_ =	shalt  }
0x73: {  	_ =	shalt  }
0x74: {  	_ =	shalt  }
0x75: {  	_ =	shalt  }
0x76: {  	_ =	shalt  }
0x77: {  	_ =	shalt  }
0x78: {  	_ =	shalt  }
0x79: {  	_ =	shalt  }
0x7a: {  	_ =	shalt  }
0x7b: {  	_ =	shalt  }
0x7c: {  	_ =	shalt  }
0x7d: {  	_ =	shalt  }
0x7e: {  	_ =	shalt  }
0x7f: {  	_ =	shalt  }
0x80: {  	_ =	shalt  }
0x81: {  	_ =	shalt  }
0x82: {  	_ =	shalt  }
0x83: {  	_ =	shalt  }
0x84: {  	_ =	shalt  }
0x85: {  	_ =	shalt  }
0x86: {  	_ =	shalt  }
0x87: {  	_ =	shalt  }
.Lfunc_end0:
.L_simem_size_0:
called_computation_lowered:
.L_overlay_start_0:
0x88: {  	s2 =	sld [smem:$0x3FD9]  }
0x89: {  	s3 =	sld [smem:$0x3FFE];
	_ =	sdelay $0x1  }
0x8a: {  	s1 =	srdreg.scid  }
0x8b: {  	s0 =	sand.u32 $0x1, s1  }
0x8c: {  	s16 =	sshll.u32 s0, $0xA;
	s2 =	sadd.s32 s3, s2  }
0x8d: {  	s2 =	sadd.s32 s2, s16  }
0x8e: {  	[smem:$0x3FC6] =	sst s2  }
0x8f: {  	_ = 	snop  }
0x90: {  	(tm) =	ssettm $0x1  }
0x91: {  	s17 =	sld [smem:$0x3FFB];
	_ =	sdelay $0x3  }
0x92: {  	_ =	strace s17  }
0x93: {  	s2 =	sld [smem:$0x3FFC];
	_ =	sdelay $0x3  }
0x94: {  	_ =	strace s2  }
0x95: {  	s2 =	sld [smem:$0x3FFD];
	_ =	sdelay $0x3  }
0x96: {  	_ =	strace s2  }
0x97: {  	_ =	strace $0x8FFFFFFF  }
0x98: {  	s18 =	sld [smem:$0x3FDB];
	_ =	sdelay $0x1  }
0x99: {  	s19 =	simm.s32 $_scs_section_size  }
0x9a: {  	s4 =	simm.s32 $_size__tile_overlayer_lowered;
	s5 =	simm.s32 $_tile_overlayer_lowered  }
0x9b: {  	s22 =	simm.s32 $0x1BFF;
	s21 =	sshll.u32 s5, $0x1;
	s2 =	sadd.s32 s19, s18  }
0x9c: {  	s6 =	simm.s32 $0x0;
	s20 =	sshll.u32 s4, $0x1;
	s4 =	sadd.s32 s21, s2  }
0x9d: {  	[timem:s6], [sflag:s22] =	dma.local [hbm:s4], s20  }
0x9e: {  	_ =	swait.ge [sflag:s22], s20  }
0x9f: {  	s3 =	ssub.s32 $0x0, s20;
	[sflag:s22] =	ssyncset.done $0x0  }
0xa0: {  	[sflag:s22] =	ssyncadd.s32 s3;
	_ =	sdelay $0x1  }
0xa1: {  	s23 =	simm.s32 $0x1B8B  }
0xa2: {  	_ =	swait.ge [sflag:s23], $0x1  }
0xa3: {  	[sflag:s23] =	ssyncset.done $0x0  }
0xa4: {  	s25 =	simm.s32 $0x1B8E;
	s24 =	sld [smem:$0x3FFE];
	[sflag:s23] =	ssyncadd.s32 $0xFFFFFFFF  }
0xa5: {  	s26 =	simm.s32 $execute0_lowered;
	[smem:$0x3FD2] =	sst s25  }
0xa6: {  	s4 =	sshll.u32 s26, $0x1;
	_ =	strace $0x80000046;
	[dreg:$0x1] =	wrdreg $0xFFFFFFFF  }
0xa7: {  	s28 =	simm.s32 $_size_execute0_lowered;
	s2 =	sadd.s32 s2, s4;
	[dreg:$0x0] =	wrdreg $0x0  }
0xa8: {  	s4 =	sshll.u32 s28, $0x1;
	[dreg:$0x2] =	wrdreg s2  }
0xa9: {  	[dreg:$0x3] =	wrdreg s4  }
0xaa: {  	[dreg:$0x4] =	wrdreg $0xC0  }
0xab: {  	_ =	task [dreg:s6], $0x5FFFF  }
0xac: {  	[dreg:$0x1] =	wrdreg $0xFFFFFFFF  }
0xad: {  	[dreg:$0x0] =	wrdreg $0x60  }
0xae: {  	[dreg:$0x2] =	wrdreg s24  }
0xaf: {  	[dreg:$0x3] =	wrdreg $0x9  }
0xb0: {  	_ =	task.clear_ibuf [dreg:s6], $0x4FFFF;
	_ =	strace $0x90000046  }
0xb1: {  	s29 =	simm.s32 $0x9;
	_ =	strace $0x80000048  }
0xb2: {  	_ =	swait.ge [sflag:s29], $0x1  }
0xb3: {  	[sflag:s29] =	ssyncadd.s32 $0xFFFFFFFF  }
0xb4: {  	_ =	strace $0x90000048  }
0xb5: {  	_ =	sfence  }
0xb6: {  	s30 =	sld [smem:$0x0];
	_ =	sdelay $0x2  }
0xb7: {  	s31 =	sshll.u32 s1, $0xD;
	s1 =	sshrl.u32 s1, $0x2  }
0xb8: {  	s3 =	sand.u32 $0x4000, s31;
	s1 =	sadd.s32 s1, s30  }
0xb9: {  	s0 =	sor.u32 s3, s0;
	s1 =	sshll.u32 s1, $0x11  }
0xba: {  	s0 =	sor.u32 s1, s0  }
0xbb: {  	s0 =	sadd.s32 $0x8F2B, s0  }
0xbc: {  	[sflag:s0] =	ssyncadd.remote.s32 $0x1  }
0xbd: {  	_ =	sfence.sel $0xFFFF  }
0xbe: {  	[dreg:$0x0] =	wrdreg $0xFFFFFFFF;
	(pc) =	sbr.abs _section_cstart, $3  }
0xbf: {  	[dreg:$0x1] =	wrdreg $0xFFFFFFFF  }
0xc0: {  	_ =	task.clear_ibuf [dreg:s6], $0x2FFFF;
	_ =	strace $0x9FFFFFFF  }
0xc1: {  	(tm) =	ssettm $0x7FFFFFFF  }
tec
execute0_lowered:
.L_overlay_start_1:
0x0: {  	(tag) =	ssettag $0x1  }
0x1: {  	s0 =	rddreg [dreg:$0x0];
	s1 =	simm.s32 $0x0;
	s2 =	srdreg.scid  }
0x2: {  	s6 =	stileid.u32;
	[smem:$0x7FF] =	sst s1  }
0x3: {  	s3 =	sadd.s32 $0x400, s0;
	s4 =	sadd.s32 $0x200400, s0;
	s30 =	sadd.s32 $0x400780, s0  }
0x4: {  	s2 =	sand.u32 $0x1, s2;
	s17 =	sadd.s32 $0x400800, s0;
	s18 =	sadd.s32 $0x400B80, s0  }
0x5: {  	_ =	strace $0x80000047;
	s5 =	sshll.u32 s2, $0x4;
	s2 =	ssub.s32 $0x2, s2  }
0x6: {  	[dreg:$0xa] =	wrdreg s30;
	s5 =	sor.u32 s6, s5;
	s7 =	sshrl.u32 s2, $0x1  }
0x7: {  	s6 =	sadd.s32 $0x400400, s0;
	s8 =	sshll.u32 s5, $0x10;
	s2 =	ssub.s32 s2, s7  }
0x8: {  	s9 =	sadd.s32 s3, s8;
	s23 =	sor.u32 $0x380, s8;
	s10 =	sor.u32 $0x400, s8  }
0x9: {  	s11 =	sor.u32 $0x780, s8;
	s8 =	sadd.s32 s4, s8;
	[dreg:$0x2] =	wrdreg s9  }
0xa: {  	s7 =	smov.u32 s5;
	s31 =	smax.u32 s2, $0x1;
	[dreg:$0x6] =	wrdreg s8  }
0xb: {  	s5 =	sshll.u32 s5, $0x9;
	s12 =	sadd.s32 s3, s23;
	[dreg:$0xb] =	wrdreg s31  }
0xc: {  	s16 =	smov.u32 s5;
	s24 =	sadd.s32 s3, s10;
	[dreg:$0x3] =	wrdreg s12  }
0xd: {  	s19 =	sor.u32 $0x20, s5;
	s25 =	sadd.s32 s3, s11;
	[dreg:$0x4] =	wrdreg s24  }
0xe: {  	v0 =	vlaneseq.u32;
	s5 =	simm.s32 $0x0;
	s26 =	sadd.s32 s4, s23;
	[dreg:$0x5] =	wrdreg s25  }
0xf: {  	v1 =	vimm.f32 $0.0e+00;
	vm0 =	vmmov $0xff;
	v2 =	vor.u32 $0x380, v0;
	s28 =	sadd.s32 s4, s10;
	s29 =	sadd.s32 s4, s11;
	[dreg:$0x7] =	wrdreg s26  }
0x10: {  	v3 =	vor.u32 $0x390, v0;
	v4 =	vor.u32 $0x3A0, v0;
	v5 =	vor.u32 $0x3B0, v0;
	s10 =	simm.s32 $0x4;
	s11 =	simm.s32 $0x5;
	[dreg:$0x8] =	wrdreg s28  }
0x11: {  	v6 =	vor.u32 $0x3C0, v0;
	v7 =	vor.u32 $0x3D0, v0;
	v8 =	vor.u32 $0x3E0, v0;
	[dreg:$0x9] =	wrdreg s29;
	s24 =	simm.s32 $0x1;
	s25 =	simm.s32 $0x2  }
.LBB2_1:
0x12: {  	[dreg:$0xc] =	wrdreg s5  }
0x13: {  	s0 =	rddreg [dreg:$0x2]  }
0x14: {  	[tilespmem:s1], [sflag:$0x1] =	stream.linear.gather [hbm4b:s0+s1], $0x1C00, $0x38;
	[tilespmem:$0x18000] =	vst v63  }
0x15: {  	s12 =	rddreg [dreg:$0x3];
	s2 =	simm.s32 $0x1C00  }
0x16: {  	[tilespmem:s2], [sflag:$0x1] =	stream.linear.gather [hbm4b:s12+s1], $0x400, $0x38;
	[tilespmem:$0x18000] =	vst v63  }
0x17: {  	s13 =	rddreg [dreg:$0x4];
	s14 =	simm.s32 $0x2000  }
0x18: {  	[tilespmem:s14], [sflag:$0x1] =	stream.linear.gather [hbm4b:s13+s1], $0x1C00, $0x38;
	[tilespmem:$0x18000] =	vst v63  }
0x19: {  	s15 =	rddreg [dreg:$0x5];
	s20 =	simm.s32 $0x3C00  }
0x1a: {  	[tilespmem:s20], [sflag:$0x1] =	stream.linear.gather [hbm4b:s15+s1], $0x400, $0x38;
	[tilespmem:$0x18000] =	vst v63  }
0x1b: {  	s21 =	rddreg [dreg:$0x6];
	s22 =	simm.s32 $0x4000  }
0x1c: {  	[tilespmem:s22], [sflag:$0x2] =	stream.linear.gather [hbm4b:s21+s1], $0x1C00, $0x38;
	[tilespmem:$0x18000] =	vst v63  }
0x1d: {  	s23 =	rddreg [dreg:$0x7];
	s26 =	simm.s32 $0x5C00  }
0x1e: {  	[tilespmem:s26], [sflag:$0x2] =	stream.linear.gather [hbm4b:s23+s1], $0x400, $0x38;
	[tilespmem:$0x18000] =	vst v63  }
0x1f: {  	s28 =	rddreg [dreg:$0x8];
	s29 =	simm.s32 $0x6000  }
0x20: {  	[tilespmem:s29], [sflag:$0x2] =	stream.linear.gather [hbm4b:s28+s1], $0x1C00, $0x38;
	[tilespmem:$0x18000] =	vst v63  }
0x21: {  	s30 =	rddreg [dreg:$0x9];
	s31 =	simm.s32 $0x7C00;
	s20 =	simm.s32 $0x0  }
0x22: {  	[tilespmem:s31], [sflag:$0x2] =	stream.linear.gather [hbm4b:s30+s1], $0x400, $0x38;
	[tilespmem:$0x18000] =	vst v63  }
.LBB2_2:
0x23: {  	s2 =	sshll.u32 s20, $0x5  }
0x24: {  	s0 =	sor.u32 s2, s16  }
0x25: {  	s21 =	sshll.u32 s0, $0x7  }
0x26: {  	s29 =	sor.u32 $0x800, s21  }
0x27: {  	s5 =	simm.s32 $0xC000;
	s30 =	sor.u32 $0xB80, s21;
	s23 =	sadd.s32 s3, s29  }
0x28: {  	[tilespmem:s5], [sflag:$0x4] =	stream.linear.gather [hbm4b:s23+s1], $0x1C00, $0x38;
	[tilespmem:$0x18000] =	vst v63  }
0x29: {  	s28 =	simm.s32 $0xDC00;
	s31 =	sor.u32 $0xC00, s21;
	s26 =	sadd.s32 s3, s30  }
0x2a: {  	[tilespmem:s28], [sflag:$0x4] =	stream.linear.gather [hbm4b:s26+s1], $0x400, $0x38;
	[tilespmem:$0x18000] =	vst v63  }
0x2b: {  	s8 =	simm.s32 $0xE000;
	s0 =	sor.u32 $0xF80, s21;
	s5 =	sadd.s32 s3, s31  }
0x2c: {  	[tilespmem:s8], [sflag:$0x4] =	stream.linear.gather [hbm4b:s5+s1], $0x1C00, $0x38;
	[tilespmem:$0x18000] =	vst v63  }
0x2d: {  	s9 =	simm.s32 $0xFC00;
	s8 =	sadd.s32 s3, s0  }
0x2e: {  	[tilespmem:s9], [sflag:$0x4] =	stream.linear.gather [hbm4b:s8+s1], $0x400, $0x38;
	[tilespmem:$0x18000] =	vst v63  }
0x2f: {  	s13 =	simm.s32 $0x10000;
	s12 =	sadd.s32 s4, s29  }
0x30: {  	[tilespmem:s13], [sflag:$0x5] =	stream.linear.gather [hbm4b:s12+s1], $0x1C00, $0x38;
	[tilespmem:$0x18000] =	vst v63  }
0x31: {  	s15 =	simm.s32 $0x11C00;
	s14 =	sadd.s32 s4, s30  }
0x32: {  	[tilespmem:s15], [sflag:$0x5] =	stream.linear.gather [hbm4b:s14+s1], $0x400, $0x38;
	[tilespmem:$0x18000] =	vst v63  }
0x33: {  	s22 =	sadd.s32 s4, s31;
	s23 =	simm.s32 $0x12000  }
0x34: {  	[tilespmem:s23], [sflag:$0x5] =	stream.linear.gather [hbm4b:s22+s1], $0x1C00, $0x38;
	[tilespmem:$0x18000] =	vst v63  }
0x35: {  	s26 =	sadd.s32 s4, s0;
	s28 =	simm.s32 $0x13C00  }
0x36: {  	[tilespmem:s28], [sflag:$0x5] =	stream.linear.gather [hbm4b:s26+s1], $0x400, $0x38;
	[tilespmem:$0x18000] =	vst v63  }
0x37: {  	_ =	swait.ge [sflag:s24], $0x1C00  }
0x38: {  	[sflag:s24] =	ssyncset.done $0x0  }
0x39: {  	[sflag:s24] =	ssyncadd.s32 $0xFFFFE400  }
0x3a: {  	_ =	swait.ge [sflag:s24], $0x400  }
0x3b: {  	[sflag:s24] =	ssyncset.done $0x0  }
0x3c: {  	[sflag:s24] =	ssyncadd.s32 $0xFFFFFC00  }
0x3d: {  	_ =	swait.ge [sflag:s24], $0x1C00  }
0x3e: {  	[sflag:s24] =	ssyncset.done $0x0  }
0x3f: {  	[sflag:s24] =	ssyncadd.s32 $0xFFFFE400  }
0x40: {  	_ =	swait.ge [sflag:s24], $0x400  }
0x41: {  	[sflag:s24] =	ssyncset.done $0x0  }
0x42: {  	[sflag:s24] =	ssyncadd.s32 $0xFFFFFC00  }
0x43: {  	_ =	swait.ge [sflag:s25], $0x1C00  }
0x44: {  	[sflag:s25] =	ssyncset.done $0x0  }
0x45: {  	[sflag:s25] =	ssyncadd.s32 $0xFFFFE400  }
0x46: {  	_ =	swait.ge [sflag:s25], $0x400  }
0x47: {  	[sflag:s25] =	ssyncset.done $0x0  }
0x48: {  	[sflag:s25] =	ssyncadd.s32 $0xFFFFFC00  }
0x49: {  	_ =	swait.ge [sflag:s25], $0x1C00  }
0x4a: {  	[sflag:s25] =	ssyncset.done $0x0  }
0x4b: {  	[sflag:s25] =	ssyncadd.s32 $0xFFFFE400  }
0x4c: {  	_ =	swait.ge [sflag:s25], $0x400  }
0x4d: {  	p0 =	seq.s32 s20, $0x0;
	[sflag:s25] =	ssyncset.done $0x0  }
0x4e: {  	s8 =	simm.s32 @!p0 $0x3;
	[sflag:s25] =	ssyncadd.s32 $0xFFFFFC00  }
0x4f: {  	_ =	swait.ge @!p0 [sflag:s8], $0x1C00  }
0x50: {  	[sflag:s8] =	ssyncset.done @!p0 $0x0  }
0x51: {  	[sflag:s8] =	ssyncadd.s32 @!p0 $0xFFFFE400  }
0x52: {  	_ =	swait.ge @!p0 [sflag:s8], $0x400  }
0x53: {  	[sflag:s8] =	ssyncset.done @!p0 $0x0  }
0x54: {  	[sflag:s8] =	ssyncadd.s32 @!p0 $0xFFFFFC00  }
0x55: {  	_ =	swait.ge @!p0 [sflag:s8], $0x1C00  }
0x56: {  	[sflag:s8] =	ssyncset.done @!p0 $0x0  }
0x57: {  	[sflag:s8] =	ssyncadd.s32 @!p0 $0xFFFFE400  }
0x58: {  	s9 =	simm.s32 $0x0;
	_ =	swait.ge @!p0 [sflag:s8], $0x400  }
0x59: {  	s12 =	simm.s32 $0x0;
	s13 =	simm.s32 $0x0;
	[sflag:s8] =	ssyncset.done @!p0 $0x0  }
0x5a: {  	s22 =	simm.s32 $0x0;
	[sflag:s8] =	ssyncadd.s32 @!p0 $0xFFFFFC00;
	s8 =	simm.s32 $0xFFFFC000  }
.LBB2_3:
0x5b: {  	s14 =	sadd.s32 $0x4000, s8  }
0x5c: {  	s15 =	sand.u32 $0x380, s13;
	s14 =	sand.u32 $0x2000, s14  }
0x5d: {  	s14 =	sor.u32 s15, s14  }
0x5e: {  	[tilespmem:s14+$0x8000] =	vst v1  }
0x5f: {  	[tilespmem:s14+$0x8010] =	vst v1  }
0x60: {  	[tilespmem:s14+$0x8020] =	vst v1  }
0x61: {  	[tilespmem:s14+$0x8030] =	vst v1  }
0x62: {  	[tilespmem:s14+$0x8040] =	vst v1  }
0x63: {  	[tilespmem:s14+$0x8050] =	vst v1  }
0x64: {  	[tilespmem:s14+$0x8060] =	vst v1  }
0x65: {  	[tilespmem:s14+$0x8070] =	vst v1  }
0x66: {  	[tilespmem:s14+$0x8400] =	vst v1  }
0x67: {  	[tilespmem:s14+$0x8410] =	vst v1  }
0x68: {  	[tilespmem:s14+$0x8420] =	vst v1  }
0x69: {  	[tilespmem:s14+$0x8430] =	vst v1  }
0x6a: {  	[tilespmem:s14+$0x8440] =	vst v1  }
0x6b: {  	[tilespmem:s14+$0x8450] =	vst v1  }
0x6c: {  	[tilespmem:s14+$0x8460] =	vst v1  }
0x6d: {  	[tilespmem:s14+$0x8470] =	vst v1  }
0x6e: {  	[tilespmem:s14+$0x8800] =	vst v1  }
0x6f: {  	[tilespmem:s14+$0x8810] =	vst v1  }
0x70: {  	[tilespmem:s14+$0x8820] =	vst v1  }
0x71: {  	[tilespmem:s14+$0x8830] =	vst v1  }
0x72: {  	[tilespmem:s14+$0x8840] =	vst v1  }
0x73: {  	[tilespmem:s14+$0x8850] =	vst v1  }
0x74: {  	[tilespmem:s14+$0x8860] =	vst v1  }
0x75: {  	[tilespmem:s14+$0x8870] =	vst v1  }
0x76: {  	[tilespmem:s14+$0x8C00] =	vst v1  }
0x77: {  	[tilespmem:s14+$0x8C10] =	vst v1  }
0x78: {  	[tilespmem:s14+$0x8C20] =	vst v1  }
0x79: {  	[tilespmem:s14+$0x8C30] =	vst v1  }
0x7a: {  	[tilespmem:s14+$0x8C40] =	vst v1  }
0x7b: {  	[tilespmem:s14+$0x8C50] =	vst v1  }
0x7c: {  	[tilespmem:s14+$0x8C60] =	vst v1  }
0x7d: {  	[tilespmem:s14+$0x8C70] =	vst v1  }
0x7e: {  	[tilespmem:s14+$0x9000] =	vst v1  }
0x7f: {  	[tilespmem:s14+$0x9010] =	vst v1  }
0x80: {  	[tilespmem:s14+$0x9020] =	vst v1  }
0x81: {  	[tilespmem:s14+$0x9030] =	vst v1  }
0x82: {  	[tilespmem:s14+$0x9040] =	vst v1  }
0x83: {  	[tilespmem:s14+$0x9050] =	vst v1  }
0x84: {  	[tilespmem:s14+$0x9060] =	vst v1  }
0x85: {  	[tilespmem:s14+$0x9070] =	vst v1  }
0x86: {  	[tilespmem:s14+$0x9400] =	vst v1  }
0x87: {  	[tilespmem:s14+$0x9410] =	vst v1  }
0x88: {  	[tilespmem:s14+$0x9420] =	vst v1  }
0x89: {  	[tilespmem:s14+$0x9430] =	vst v1  }
0x8a: {  	[tilespmem:s14+$0x9440] =	vst v1  }
0x8b: {  	[tilespmem:s14+$0x9450] =	vst v1  }
0x8c: {  	[tilespmem:s14+$0x9460] =	vst v1  }
0x8d: {  	[tilespmem:s14+$0x9470] =	vst v1  }
0x8e: {  	[tilespmem:s14+$0x9800] =	vst v1  }
0x8f: {  	[tilespmem:s14+$0x9810] =	vst v1  }
0x90: {  	[tilespmem:s14+$0x9820] =	vst v1  }
0x91: {  	[tilespmem:s14+$0x9830] =	vst v1  }
0x92: {  	s5 =	sand.u32 $0x7, s9;
	[tilespmem:s14+$0x9840] =	vst v1  }
0x93: {  	s15 =	sshll.u32 s5, $0x7;
	[tilespmem:s14+$0x9850] =	vst v1  }
0x94: {  	s15 =	sadd.s32 s15, s12;
	[tilespmem:s14+$0x9860] =	vst v1  }
0x95: {  	[tilespmem:s14+$0x9870] =	vst v1;
	s23 =	sor.u32 $0x1C00, s15  }
0x96: {  	s26 =	sor.u32 $0x1C10, s15;
	[tilespmem:s23+$0x8000] =	vst v1  }
0x97: {  	p1 =	sne.s32 s13, $0x780;
	s28 =	sor.u32 $0x1C20, s15;
	[tilespmem:s26+$0x8000] =	vst v1  }
.Ltmp0:
0x98: {  	s5 =	sor.u32 $0x1C30, s15;
	[tilespmem:s28+$0x8000] =	vst v1;
	(pc) =	sbr.rel @p1 .LBB2_3-.Ltmp0, $4  }
0x99: {  	s23 =	sor.u32 $0x1C40, s15;
	[tilespmem:s5+$0x8000] =	vst v1  }
0x9a: {  	s26 =	sor.u32 $0x1C50, s15;
	[tilespmem:s23+$0x8000] =	vst v1  }
0x9b: {  	s9 =	sadd.s32 $0x1, s9;
	s28 =	sor.u32 $0x1C60, s15;
	[tilespmem:s26+$0x8000] =	vst v1  }
0x9c: {  	s8 =	sadd.s32 $0x400, s8;
	s13 =	sadd.s32 $0x80, s13;
	s12 =	sadd.s32 $0x400, s12;
	[tilespmem:s28+$0x8000] =	vst v1  }
0x9d: {  	s23 =	simm.s32 $0x0;
	s26 =	simm.s32 $0x0  }
.LBB2_5:
0x9e: {  	s8 =	sshll.u32 s23, $0x2;
	s9 =	sand.u32 $0x7, s22  }
0x9f: {  	s8 =	sand.u32 $0xFFFF8000, s8;
	s9 =	sshll.u32 s9, $0x9  }
0xa0: {  	s8 =	sor.u32 s9, s8  }
0xa1: {  	s8 =	sshrl.u32 s8, $0x2  }
0xa2: {  	s15 =	sor.u32 $0x40, s8  }
0xa3: {  	s12 =	sadd.s32 $0x4040, s8;
	v9 =	vld [tilespmem:s15+$0xFFFFFFC0]  }
0xa4: {  	v10 =	vld [tilespmem:s12+$0xFFFFFFC0]  }
0xa5: {  	v11 =	vld [tilespmem:s15+$0xFFFFFFD0]  }
0xa6: {  	v12 =	vld [tilespmem:s12+$0xFFFFFFD0]  }
0xa7: {  	v13 =	vld [tilespmem:s15+$0xFFFFFFE0]  }
0xa8: {  	v14 =	vld [tilespmem:s12+$0xFFFFFFE0]  }
0xa9: {  	v16 =	vld [tilespmem:s12+$0xFFFFFFF0];
	v9 =	vadd.f32 v10, v9  }
0xaa: {  	v15 =	vimm.f32 $-Inf;
	v10 =	vld [tilespmem:s15+$0xFFFFFFF0]  }
0xab: {  	v17 =	vld [tilespmem:s15+$0x0];
	v11 =	vadd.f32 v12, v11;
	vm1 =	vgt.f32 v9, v15  }
0xac: {  	v12 =	vsel vm1, v9, v15;
	v15 =	vld [tilespmem:s12+$0x0]  }
0xad: {  	v14 =	vadd.f32 v14, v13;
	v13 =	vld [tilespmem:s12+$0x10];
	vm2 =	vgt.f32 v11, v12  }
0xae: {  	v18 =	vimm.s32 $0x0;
	s13 =	simm.s32 $0x0;
	v9 =	vld [tilespmem:s15+$0x10];
	v11 =	vsel vm2, v11, v12  }
0xaf: {  	s14 =	simm.s32 $0x10;
	s5 =	sshll.u32 s26, $0x7;
	v12 =	vsel vm1, s13, v18;
	v18 =	vadd.f32 v16, v10;
	v10 =	vld [tilespmem:s15+$0x20];
	vm1 =	vgt.f32 v14, v11  }
0xb0: {  	s28 =	sand.u32 $0x380, s5;
	v12 =	vsel vm2, s14, v12;
	s14 =	simm.s32 $0x20;
	v11 =	vsel vm1, v14, v11;
	v14 =	vld [tilespmem:s12+$0x20]  }
0xb1: {  	s5 =	simm.s32 $0x30;
	s9 =	simm.s32 $0x70;
	s13 =	sshll.u32 s26, $0xA;
	v19 =	vsel vm1, s14, v12;
	v12 =	vld [tilespmem:s15+$0x30];
	vm1 =	vgt.f32 v18, v11;
	v16 =	vadd.f32 v15, v17  }
0xb2: {  	s8 =	sand.u32 $0x2000, s13;
	s14 =	simm.s32 $0x0;
	s15 =	sadd.s32 $0x400, s15;
	v15 =	vld [tilespmem:s12+$0x30];
	v17 =	vsel vm1, v18, v11;
	v11 =	vsel vm1, s5, v19  }
.LBB2_6:
0xb3: {  	v18 =	vld [tilespmem:s15+$0xFFFFFFC0];
	s5 =	sadd.s32 $0xFFFFFFD0, s9;
	vm1 =	vgt.f32 v16, v17;
	v9 =	vadd.f32 v13, v9;
	s12 =	sadd.s32 $0x400, s12  }
0xb4: {  	s14 =	sadd.s32 $0x8, s14;
	v13 =	vld [tilespmem:s12+$0xFFFFFFC0];
	v16 =	vsel vm1, v16, v17;
	v11 =	vsel vm1, s5, v11  }
0xb5: {  	p1 =	slt.u32 s14, $0x30;
	s5 =	sadd.s32 $0xFFFFFFE0, s9;
	v17 =	vld [tilespmem:s15+$0xFFFFFFD0];
	vm1 =	vgt.f32 v9, v16;
	v10 =	vadd.f32 v14, v10  }
0xb6: {  	v14 =	vld [tilespmem:s12+$0xFFFFFFD0];
	v9 =	vsel vm1, v9, v16;
	v11 =	vsel vm1, s5, v11  }
0xb7: {  	s5 =	sadd.s32 $0xFFFFFFF0, s9;
	v16 =	vld [tilespmem:s15+$0xFFFFFFE0];
	vm1 =	vgt.f32 v10, v9;
	v12 =	vadd.f32 v15, v12  }
0xb8: {  	v15 =	vld [tilespmem:s12+$0xFFFFFFE0];
	v9 =	vsel vm1, v10, v9;
	v10 =	vsel vm1, s5, v11  }
0xb9: {  	v11 =	vadd.f32 v13, v18;
	v18 =	vld [tilespmem:s15+$0xFFFFFFF0];
	vm1 =	vgt.f32 v12, v9  }
0xba: {  	v19 =	vld [tilespmem:s12+$0xFFFFFFF0];
	v9 =	vsel vm1, v12, v9;
	v10 =	vsel vm1, s9, v10;
	s9 =	sadd.s32 $0x80, s9  }
0xbb: {  	s5 =	sadd.s32 $0xFFFFFF90, s9;
	vm1 =	vgt.f32 v11, v9;
	v12 =	vadd.f32 v14, v17;
	v17 =	vld [tilespmem:s15+$0x0]  }
0xbc: {  	v11 =	vsel vm1, v11, v9;
	v10 =	vsel vm1, s5, v10;
	v20 =	vld [tilespmem:s12+$0x0]  }
0xbd: {  	s5 =	sadd.s32 $0xFFFFFFA0, s9;
	vm1 =	vgt.f32 v12, v11;
	v14 =	vadd.f32 v15, v16;
	v9 =	vld [tilespmem:s15+$0x10]  }
.Ltmp1:
0xbe: {  	v11 =	vsel vm1, v12, v11;
	v12 =	vsel vm1, s5, v10;
	v13 =	vld [tilespmem:s12+$0x10];
	(pc) =	sbr.rel @p1 .LBB2_6-.Ltmp1, $4  }
0xbf: {  	s5 =	sadd.s32 $0xFFFFFFB0, s9;
	vm1 =	vgt.f32 v14, v11;
	v15 =	vadd.f32 v19, v18;
	v10 =	vld [tilespmem:s15+$0x20]  }
0xc0: {  	v11 =	vsel vm1, v14, v11;
	v18 =	vsel vm1, s5, v12;
	v14 =	vld [tilespmem:s12+$0x20]  }
0xc1: {  	s5 =	sadd.s32 $0xFFFFFFC0, s9;
	vm1 =	vgt.f32 v15, v11;
	v16 =	vadd.f32 v20, v17;
	v12 =	vld [tilespmem:s15+$0x30]  }
0xc2: {  	s15 =	sadd.s32 $0x400, s15;
	v17 =	vsel vm1, v15, v11;
	v11 =	vsel vm1, s5, v18;
	v15 =	vld [tilespmem:s12+$0x30]  }
0xc3: {  	s5 =	sor.u32 s13, s28  }
0xc4: {  	s12 =	sor.u32 $0x1C00, s5  }
0xc5: {  	v18 =	vld [tilespmem:s12+$0x0]  }
0xc6: {  	vm1 =	vgt.f32 v16, v17;
	v9 =	vadd.f32 v13, v9;
	s13 =	sor.u32 $0x1C10, s5;
	v50 =	vld [tilespmem:s12+$0x4000]  }
0xc7: {  	v16 =	vsel vm1, v16, v17;
	v51 =	vld [tilespmem:s13+$0x0]  }
0xc8: {  	s14 =	sor.u32 $0x1C20, s5;
	vm2 =	vgt.f32 v9, v16;
	v10 =	vadd.f32 v14, v10;
	v52 =	vld [tilespmem:s13+$0x4000]  }
0xc9: {  	v53 =	vld [tilespmem:s14+$0x0];
	v9 =	vsel vm2, v9, v16  }
0xca: {  	s15 =	sor.u32 $0x1C30, s5;
	v54 =	vld [tilespmem:s14+$0x4000];
	vm3 =	vgt.f32 v10, v9;
	v12 =	vadd.f32 v15, v12  }
0xcb: {  	v55 =	vld [tilespmem:s15+$0x4000];
	s13 =	sor.u32 $0x1C40, s5;
	v9 =	vsel vm3, v10, v9  }
0xcc: {  	v56 =	vld [tilespmem:s13+$0x0];
	vm4 =	vgt.f32 v12, v9;
	v13 =	vadd.f32 v50, v18  }
0xcd: {  	v10 =	vld [tilespmem:s15+$0x0];
	v9 =	vsel vm4, v12, v9  }
0xce: {  	s14 =	sor.u32 $0x1C50, s5;
	v57 =	vld [tilespmem:s13+$0x4000];
	v14 =	vadd.f32 v52, v51;
	vm5 =	vgt.f32 v13, v9  }
0xcf: {  	v58 =	vld [tilespmem:s14+$0x0];
	v9 =	vsel vm5, v13, v9  }
0xd0: {  	s5 =	sor.u32 $0x1C60, s5;
	v59 =	vld [tilespmem:s14+$0x4000];
	v15 =	vadd.f32 v54, v53;
	vm6 =	vgt.f32 v14, v9  }
0xd1: {  	v60 =	vld [tilespmem:s5+$0x0];
	v9 =	vsel vm6, v14, v9  }
0xd2: {  	v61 =	vld [tilespmem:s5+$0x4000];
	s15 =	sadd.s32 $0xFFFFFFD0, s9;
	v10 =	vadd.f32 v55, v10;
	vm7 =	vgt.f32 v15, v9  }
0xd3: {  	s13 =	sadd.s32 $0xFFFFFFE0, s9;
	v11 =	vsel vm1, s15, v11;
	v9 =	vsel vm7, v15, v9  }
0xd4: {  	s14 =	sadd.s32 $0xFFFFFFF0, s9;
	v11 =	vsel vm2, s13, v11;
	v12 =	vadd.f32 v57, v56;
	vm1 =	vgt.f32 v10, v9  }
0xd5: {  	v11 =	vsel vm3, s14, v11;
	v9 =	vsel vm1, v10, v9  }
0xd6: {  	v10 =	vsel vm4, s9, v11;
	v11 =	vadd.f32 v59, v58;
	vm2 =	vgt.f32 v12, v9  }
0xd7: {  	v62 =	vadd.f32 v61, v60;
	v10 =	vadd.s32 v0, v10;
	v9 =	vsel vm2, v12, v9  }
0xd8: {  	v10 =	vsel vm5, v2, v10;
	vm3 =	vgt.f32 v11, v9  }
0xd9: {  	v10 =	vsel vm6, v3, v10;
	v9 =	vsel vm3, v11, v9;
	v11 =	vnsel vm0, $0xFF800000, v62  }
0xda: {  	v10 =	vsel vm7, v4, v10;
	vm15 =	vgt.f32 v11, v9  }
0xdb: {  	v10 =	vsel vm1, v5, v10;
	v9 =	vsel vm15, v11, v9  }
0xdc: {  	v63 =	vsel vm2, v6, v10;
	vm1 =	vlt.s32 v9, $0x0;
	v11 =	vxor.u32 $0x7FFFFFFF, v9  }
0xdd: {  	v10 =	vsel vm1, v11, v9;
	v9 =	vsel vm3, v7, v63  }
0xde: {  	v9 =	vsel vm15, v8, v9;
	(v2sf) =	vpush v10, $0x0  }
0xdf: {  	(v2sf) =	vpush v9, $0x0  }
0xe0: {  	(v2sf) =	vpush v10, $0x1  }
0xe1: {  	(v2sf) =	vpush v9, $0x1;
	_ =	sdelay $0x4  }
0xe2: {  	(v2sf) =	vpush v10, $0x2  }
0xe3: {  	(v2sf) =	vpush v9, $0x2;
	_ =	sdelay $0x4  }
0xe4: {  	(v2sf) =	vpush v10, $0x3  }
0xe5: {  	s12 =	spop (v2sf);
	(v2sf) =	vpush v9, $0x3  }
0xe6: {  	s9 =	spop (v2sf)  }
0xe7: {  	s5 =	spop (v2sf)  }
0xe8: {  	s13 =	spop (v2sf)  }
0xe9: {  	p1 =	seq.s32 s5, s12;
	p2 =	slt.s32 s13, s9  }
0xea: {  	(v2sf) =	vpush v10, $0x4;
	p1 =	por !p2, !p1  }
0xeb: {  	(v2sf) =	vpush v9, $0x4;
	p4 =	sgt.s32 s5, s12;
	p1 =	por !p1, !p1  }
0xec: {  	p1 =	por p4, p1  }
0xed: {  	s12 =	smov.u32 @p1 s5;
	s5 =	spop (v2sf)  }
0xee: {  	s9 =	smov.u32 @p1 s13;
	s13 =	spop (v2sf)  }
0xef: {  	p5 =	seq.s32 s5, s12;
	p6 =	slt.s32 s13, s9  }
0xf0: {  	(v2sf) =	vpush v10, $0x5;
	p1 =	por !p5, !p6  }
0xf1: {  	(v2sf) =	vpush v9, $0x5;
	p3 =	sgt.s32 s5, s12;
	p1 =	por !p1, !p1  }
0xf2: {  	p1 =	por p3, p1  }
0xf3: {  	s12 =	smov.u32 @p1 s5;
	s5 =	spop (v2sf)  }
0xf4: {  	s9 =	smov.u32 @p1 s13;
	s13 =	spop (v2sf)  }
0xf5: {  	p4 =	seq.s32 s5, s12;
	p5 =	slt.s32 s13, s9  }
0xf6: {  	(v2sf) =	vpush v10, $0x6;
	p1 =	por !p4, !p5  }
0xf7: {  	p6 =	sgt.s32 s5, s12;
	(v2sf) =	vpush v9, $0x6;
	p1 =	por !p1, !p1  }
0xf8: {  	p1 =	por p6, p1  }
0xf9: {  	s12 =	smov.u32 @p1 s5;
	s5 =	spop (v2sf)  }
0xfa: {  	s9 =	smov.u32 @p1 s13;
	s13 =	spop (v2sf)  }
0xfb: {  	p2 =	seq.s32 s5, s12;
	p3 =	slt.s32 s13, s9  }
0xfc: {  	(v2sf) =	vpush v10, $0x7;
	p1 =	por !p2, !p3  }
0xfd: {  	p4 =	sgt.s32 s5, s12;
	(v2sf) =	vpush v9, $0x7;
	p1 =	por !p1, !p1  }
0xfe: {  	p1 =	por p4, p1  }
0xff: {  	s12 =	smov.u32 @p1 s5;
	s5 =	spop (v2sf)  }
0x100: {  	s9 =	smov.u32 @p1 s13;
	s13 =	spop (v2sf)  }
0x101: {  	p5 =	seq.s32 s5, s12;
	p6 =	slt.s32 s13, s9  }
0x102: {  	(v2sf) =	vpush v10, $0x8;
	p1 =	por !p5, !p6  }
0x103: {  	p3 =	sgt.s32 s5, s12;
	(v2sf) =	vpush v9, $0x8;
	p1 =	por !p1, !p1  }
0x104: {  	p1 =	por p3, p1  }
0x105: {  	s12 =	smov.u32 @p1 s5;
	s5 =	spop (v2sf)  }
0x106: {  	s9 =	smov.u32 @p1 s13;
	s13 =	spop (v2sf)  }
0x107: {  	p4 =	seq.s32 s5, s12;
	p5 =	slt.s32 s13, s9  }
0x108: {  	(v2sf) =	vpush v10, $0x9;
	p1 =	por !p4, !p5  }
0x109: {  	p6 =	sgt.s32 s5, s12;
	(v2sf) =	vpush v9, $0x9;
	p1 =	por !p1, !p1  }
0x10a: {  	p1 =	por p6, p1  }
0x10b: {  	s12 =	smov.u32 @p1 s5;
	s5 =	spop (v2sf)  }
0x10c: {  	s9 =	smov.u32 @p1 s13;
	s13 =	spop (v2sf)  }
0x10d: {  	p2 =	seq.s32 s5, s12;
	p3 =	slt.s32 s13, s9  }
0x10e: {  	(v2sf) =	vpush v10, $0xA;
	p1 =	por !p2, !p3  }
0x10f: {  	p4 =	sgt.s32 s5, s12;
	(v2sf) =	vpush v9, $0xA;
	p1 =	por !p1, !p1  }
0x110: {  	p1 =	por p4, p1  }
0x111: {  	s12 =	smov.u32 @p1 s5;
	s5 =	spop (v2sf)  }
0x112: {  	s9 =	smov.u32 @p1 s13;
	s13 =	spop (v2sf)  }
0x113: {  	p5 =	seq.s32 s5, s12;
	p6 =	slt.s32 s13, s9  }
0x114: {  	(v2sf) =	vpush v10, $0xB;
	p1 =	por !p5, !p6  }
0x115: {  	p3 =	sgt.s32 s5, s12;
	(v2sf) =	vpush v9, $0xB;
	p1 =	por !p1, !p1  }
0x116: {  	p1 =	por p3, p1  }
0x117: {  	s12 =	smov.u32 @p1 s5;
	s5 =	spop (v2sf)  }
0x118: {  	s9 =	smov.u32 @p1 s13;
	s13 =	spop (v2sf)  }
0x119: {  	p4 =	seq.s32 s5, s12;
	p5 =	slt.s32 s13, s9  }
0x11a: {  	(v2sf) =	vpush v10, $0xC;
	p1 =	por !p4, !p5  }
0x11b: {  	p6 =	sgt.s32 s5, s12;
	(v2sf) =	vpush v9, $0xC;
	p1 =	por !p1, !p1  }
0x11c: {  	p1 =	por p6, p1  }
0x11d: {  	s12 =	smov.u32 @p1 s5;
	s5 =	spop (v2sf)  }
0x11e: {  	s9 =	smov.u32 @p1 s13;
	s13 =	spop (v2sf)  }
0x11f: {  	p2 =	seq.s32 s5, s12;
	p3 =	slt.s32 s13, s9  }
0x120: {  	(v2sf) =	vpush v10, $0xD;
	p1 =	por !p2, !p3  }
0x121: {  	p4 =	sgt.s32 s5, s12;
	(v2sf) =	vpush v9, $0xD;
	p1 =	por !p1, !p1  }
0x122: {  	p1 =	por p4, p1  }
0x123: {  	s12 =	smov.u32 @p1 s5;
	s5 =	spop (v2sf)  }
0x124: {  	s9 =	smov.u32 @p1 s13;
	s13 =	spop (v2sf)  }
0x125: {  	p5 =	seq.s32 s5, s12;
	p6 =	slt.s32 s13, s9  }
0x126: {  	(v2sf) =	vpush v10, $0xE;
	p1 =	por !p5, !p6  }
0x127: {  	p3 =	sgt.s32 s5, s12;
	(v2sf) =	vpush v9, $0xE;
	p1 =	por !p1, !p1  }
0x128: {  	p1 =	por p3, p1  }
0x129: {  	s12 =	smov.u32 @p1 s5;
	s5 =	spop (v2sf)  }
0x12a: {  	s9 =	smov.u32 @p1 s13;
	s13 =	spop (v2sf)  }
0x12b: {  	p4 =	seq.s32 s5, s12;
	p5 =	slt.s32 s13, s9  }
0x12c: {  	(v2sf) =	vpush v10, $0xF;
	p1 =	por !p4, !p5  }
0x12d: {  	p6 =	sgt.s32 s5, s12;
	(v2sf) =	vpush v9, $0xF;
	p1 =	por !p1, !p1  }
0x12e: {  	p1 =	por p6, p1  }
0x12f: {  	s12 =	smov.u32 @p1 s5;
	s5 =	spop (v2sf)  }
0x130: {  	s9 =	smov.u32 @p1 s13;
	s13 =	spop (v2sf)  }
0x131: {  	p2 =	seq.s32 s5, s12;
	p3 =	slt.s32 s13, s9  }
0x132: {  	p1 =	por !p2, !p3  }
0x133: {  	p4 =	sgt.s32 s5, s12;
	p1 =	por !p1, !p1  }
0x134: {  	p1 =	por p4, p1  }
0x135: {  	s12 =	smov.u32 @p1 s5;
	s5 =	spop (v2sf)  }
0x136: {  	s9 =	smov.u32 @p1 s13;
	s13 =	spop (v2sf)  }
0x137: {  	p5 =	seq.s32 s5, s12;
	p6 =	slt.s32 s13, s9  }
0x138: {  	p1 =	por !p5, !p6  }
0x139: {  	p3 =	sgt.s32 s5, s12;
	p1 =	por !p1, !p1  }
0x13a: {  	p1 =	por p3, p1  }
0x13b: {  	s12 =	smov.u32 @p1 s5;
	s5 =	spop (v2sf)  }
0x13c: {  	s9 =	smov.u32 @p1 s13;
	s13 =	spop (v2sf)  }
0x13d: {  	p4 =	seq.s32 s5, s12;
	p5 =	slt.s32 s13, s9  }
0x13e: {  	p1 =	por !p4, !p5  }
0x13f: {  	p6 =	sgt.s32 s5, s12;
	p1 =	por !p1, !p1  }
0x140: {  	p1 =	por p6, p1  }
0x141: {  	s26 =	sadd.s32 $0x1, s26;
	s12 =	smov.u32 @p1 s5  }
0x142: {  	s9 =	smov.u32 @p1 s13;
	p1 =	seq.s32 s12, $0x7F800000;
	s12 =	simm.f32 $0.0e+00  }
0x143: {  	s15 =	sshll.u32 s9, $0x3;
	s12 =	simm.s32 @!p1 $0x3F800000;
	p1 =	sne.s32 s26, $0x10  }
.Ltmp2:
0x144: {  	s13 =	sand.u32 $0xF, s9;
	s5 =	sand.u32 $0xFFFFFC00, s15;
	(pc) =	sbr.rel @p1 .LBB2_5-.Ltmp2, $4  }
0x145: {  	s9 =	sand.u32 $0x70, s9;
	v9 =	vmov s13;
	s5 =	sadd.s32 s5, s8  }
0x146: {  	vm1 =	veq.s32 v9, v0;
	v9 =	vmov s12;
	s5 =	sadd.s32 s9, s5  }
0x147: {  	v9 =	vnsel vm1, $0x0, v9;
	s5 =	sadd.s32 s28, s5  }
0x148: {  	s23 =	sadd.s32 $0x400, s23;
	s22 =	sadd.s32 $0x1, s22;
	[tilespmem:s5+$0x8000] =	vst v9  }
0x149: {  	s5 =	sor.u32 s7, s20  }
0x14a: {  	p1 =	sne.s32 s5, $0x0  }
0x14b: {  	v9 =	vld @!p1 [tilespmem:$0x8000];
	_ =	sdelay $0x2  }
0x14c: {  	v10 =	vlaneseq.u32 @!p1  }
0x14d: {  	vm1 =	veq.s32 @!p1 v10, $0x1  }
0x14e: {  	v9 =	vsel @!p1 vm1, $0x3F800000, v9  }
0x14f: {  	s13 =	sadd.s32 s6, s21;
	s8 =	simm.s32 $0x8000;
	s14 =	rddreg [dreg:$0xa];
	[tilespmem:$0x8000] =	vst @!p1 v9  }
0x150: {  	[hbm4b:s13+s1] =	stream.linear.scatter [tilespmem:s8], [sflag:$0x3], $0x1C00, $0x38;
	[tilespmem:$0x18000] =	vst v63  }
0x151: {  	s15 =	simm.s32 $0x9C00;
	s5 =	sadd.s32 s21, s14;
	p1 =	seq.s32 s20, $0xF  }
0x152: {  	[hbm4b:s5+s1] =	stream.linear.scatter [tilespmem:s15], [sflag:$0x3], $0x400, $0x38;
	[tilespmem:$0x18000] =	vst v63  }
0x153: {  	s22 =	sadd.s32 s21, s17;
	s23 =	simm.s32 $0xA000;
	s2 =	sadd.s32 @!p1 s2, s19  }
0x154: {  	[hbm4b:s22+s1] =	stream.linear.scatter [tilespmem:s23], [sflag:$0x3], $0x1C00, $0x38;
	[tilespmem:$0x18000] =	vst v63  }
0x155: {  	s26 =	sadd.s32 s21, s18;
	s28 =	simm.s32 $0xBC00;
	s2 =	sshll.u32 @!p1 s2, $0x7  }
0x156: {  	[hbm4b:s26+s1] =	stream.linear.scatter [tilespmem:s28], [sflag:$0x3], $0x400, $0x38;
	[tilespmem:$0x18000] =	vst v63  }
0x157: {  	s8 =	simm.s32 @!p1 $0x0;
	s5 =	sadd.s32 @!p1 s3, s2  }
0x158: {  	[tilespmem:s8], [sflag:$0x1] =	stream.linear.gather @!p1 [hbm4b:s5+s8], $0x1C00, $0x38;
	[tilespmem:$0x18000] =	vst v63  }
0x159: {  	s5 =	sor.u32 @!p1 $0x380, s2  }
0x15a: {  	s12 =	simm.s32 @!p1 $0x1C00;
	s9 =	sadd.s32 @!p1 s3, s5  }
0x15b: {  	[tilespmem:s12], [sflag:$0x1] =	stream.linear.gather @!p1 [hbm4b:s9+s8], $0x400, $0x38;
	[tilespmem:$0x18000] =	vst v63  }
0x15c: {  	s9 =	sor.u32 @!p1 $0x400, s2  }
0x15d: {  	s13 =	simm.s32 @!p1 $0x2000;
	s12 =	sadd.s32 @!p1 s3, s9  }
0x15e: {  	[tilespmem:s13], [sflag:$0x1] =	stream.linear.gather @!p1 [hbm4b:s12+s8], $0x1C00, $0x38;
	[tilespmem:$0x18000] =	vst v63  }
0x15f: {  	s12 =	sor.u32 @!p1 $0x780, s2  }
0x160: {  	s14 =	simm.s32 @!p1 $0x3C00;
	s13 =	sadd.s32 @!p1 s3, s12  }
0x161: {  	[tilespmem:s14], [sflag:$0x1] =	stream.linear.gather @!p1 [hbm4b:s13+s8], $0x400, $0x38;
	[tilespmem:$0x18000] =	vst v63  }
0x162: {  	s2 =	sadd.s32 @!p1 s4, s2;
	s13 =	simm.s32 @!p1 $0x4000  }
0x163: {  	[tilespmem:s13], [sflag:$0x2] =	stream.linear.gather @!p1 [hbm4b:s2+s8], $0x1C00, $0x38;
	[tilespmem:$0x18000] =	vst v63  }
0x164: {  	s2 =	sadd.s32 @!p1 s4, s5;
	s5 =	simm.s32 @!p1 $0x5C00  }
0x165: {  	[tilespmem:s5], [sflag:$0x2] =	stream.linear.gather @!p1 [hbm4b:s2+s8], $0x400, $0x38;
	[tilespmem:$0x18000] =	vst v63  }
0x166: {  	s2 =	sadd.s32 @!p1 s4, s9;
	s5 =	simm.s32 @!p1 $0x6000  }
0x167: {  	[tilespmem:s5], [sflag:$0x2] =	stream.linear.gather @!p1 [hbm4b:s2+s8], $0x1C00, $0x38;
	[tilespmem:$0x18000] =	vst v63  }
0x168: {  	s2 =	sadd.s32 @!p1 s4, s12;
	s5 =	simm.s32 @!p1 $0x7C00  }
0x169: {  	[tilespmem:s5], [sflag:$0x2] =	stream.linear.gather @!p1 [hbm4b:s2+s8], $0x400, $0x38;
	[tilespmem:$0x18000] =	vst v63  }
0x16a: {  	_ =	swait.ge [sflag:s10], $0x1C00  }
0x16b: {  	[sflag:s10] =	ssyncset.done $0x0  }
0x16c: {  	[sflag:s10] =	ssyncadd.s32 $0xFFFFE400  }
0x16d: {  	_ =	swait.ge [sflag:s10], $0x400  }
0x16e: {  	[sflag:s10] =	ssyncset.done $0x0  }
0x16f: {  	[sflag:s10] =	ssyncadd.s32 $0xFFFFFC00  }
0x170: {  	_ =	swait.ge [sflag:s10], $0x1C00  }
0x171: {  	[sflag:s10] =	ssyncset.done $0x0  }
0x172: {  	[sflag:s10] =	ssyncadd.s32 $0xFFFFE400  }
0x173: {  	_ =	swait.ge [sflag:s10], $0x400  }
0x174: {  	[sflag:s10] =	ssyncset.done $0x0  }
0x175: {  	[sflag:s10] =	ssyncadd.s32 $0xFFFFFC00  }
0x176: {  	_ =	swait.ge [sflag:s11], $0x1C00  }
0x177: {  	[sflag:s11] =	ssyncset.done $0x0  }
0x178: {  	[sflag:s11] =	ssyncadd.s32 $0xFFFFE400  }
0x179: {  	_ =	swait.ge [sflag:s11], $0x400  }
0x17a: {  	[sflag:s11] =	ssyncset.done $0x0  }
0x17b: {  	[sflag:s11] =	ssyncadd.s32 $0xFFFFFC00  }
0x17c: {  	_ =	swait.ge [sflag:s11], $0x1C00  }
0x17d: {  	[sflag:s11] =	ssyncset.done $0x0  }
0x17e: {  	[sflag:s11] =	ssyncadd.s32 $0xFFFFE400  }
0x17f: {  	_ =	swait.ge [sflag:s11], $0x400  }
0x180: {  	[sflag:s11] =	ssyncset.done $0x0  }
0x181: {  	s2 =	simm.s32 @!p0 $0x6;
	[sflag:s11] =	ssyncadd.s32 $0xFFFFFC00  }
0x182: {  	_ =	swait.ge @!p0 [sflag:s2], $0x1C00  }
0x183: {  	[sflag:s2] =	ssyncset.done @!p0 $0x0  }
0x184: {  	[sflag:s2] =	ssyncadd.s32 @!p0 $0xFFFFE400  }
0x185: {  	_ =	swait.ge @!p0 [sflag:s2], $0x400  }
0x186: {  	[sflag:s2] =	ssyncset.done @!p0 $0x0  }
0x187: {  	[sflag:s2] =	ssyncadd.s32 @!p0 $0xFFFFFC00  }
0x188: {  	_ =	swait.ge @!p0 [sflag:s2], $0x1C00  }
0x189: {  	[sflag:s2] =	ssyncset.done @!p0 $0x0  }
0x18a: {  	[sflag:s2] =	ssyncadd.s32 @!p0 $0xFFFFE400  }
0x18b: {  	s13 =	simm.s32 $0x0;
	_ =	swait.ge @!p0 [sflag:s2], $0x400  }
0x18c: {  	s9 =	simm.s32 $0x0;
	s12 =	simm.s32 $0x0;
	[sflag:s2] =	ssyncset.done @!p0 $0x0  }
0x18d: {  	s8 =	simm.s32 $0xFFFFC000;
	[sflag:s2] =	ssyncadd.s32 @!p0 $0xFFFFFC00;
	s2 =	simm.s32 $0x0  }
.LBB2_9:
0x18e: {  	s5 =	sadd.s32 $0x4000, s8  }
0x18f: {  	s14 =	sand.u32 $0x380, s13;
	s5 =	sand.u32 $0x2000, s5  }
0x190: {  	s5 =	sor.u32 s14, s5  }
0x191: {  	[tilespmem:s5+$0x14000] =	vst v1  }
0x192: {  	[tilespmem:s5+$0x14010] =	vst v1  }
0x193: {  	[tilespmem:s5+$0x14020] =	vst v1  }
0x194: {  	[tilespmem:s5+$0x14030] =	vst v1  }
0x195: {  	[tilespmem:s5+$0x14040] =	vst v1  }
0x196: {  	[tilespmem:s5+$0x14050] =	vst v1  }
0x197: {  	[tilespmem:s5+$0x14060] =	vst v1  }
0x198: {  	[tilespmem:s5+$0x14070] =	vst v1  }
0x199: {  	[tilespmem:s5+$0x14400] =	vst v1  }
0x19a: {  	[tilespmem:s5+$0x14410] =	vst v1  }
0x19b: {  	[tilespmem:s5+$0x14420] =	vst v1  }
0x19c: {  	[tilespmem:s5+$0x14430] =	vst v1  }
0x19d: {  	[tilespmem:s5+$0x14440] =	vst v1  }
0x19e: {  	[tilespmem:s5+$0x14450] =	vst v1  }
0x19f: {  	[tilespmem:s5+$0x14460] =	vst v1  }
0x1a0: {  	[tilespmem:s5+$0x14470] =	vst v1  }
0x1a1: {  	[tilespmem:s5+$0x14800] =	vst v1  }
0x1a2: {  	[tilespmem:s5+$0x14810] =	vst v1  }
0x1a3: {  	[tilespmem:s5+$0x14820] =	vst v1  }
0x1a4: {  	[tilespmem:s5+$0x14830] =	vst v1  }
0x1a5: {  	[tilespmem:s5+$0x14840] =	vst v1  }
0x1a6: {  	[tilespmem:s5+$0x14850] =	vst v1  }
0x1a7: {  	[tilespmem:s5+$0x14860] =	vst v1  }
0x1a8: {  	[tilespmem:s5+$0x14870] =	vst v1  }
0x1a9: {  	[tilespmem:s5+$0x14C00] =	vst v1  }
0x1aa: {  	[tilespmem:s5+$0x14C10] =	vst v1  }
0x1ab: {  	[tilespmem:s5+$0x14C20] =	vst v1  }
0x1ac: {  	[tilespmem:s5+$0x14C30] =	vst v1  }
0x1ad: {  	[tilespmem:s5+$0x14C40] =	vst v1  }
0x1ae: {  	[tilespmem:s5+$0x14C50] =	vst v1  }
0x1af: {  	[tilespmem:s5+$0x14C60] =	vst v1  }
0x1b0: {  	[tilespmem:s5+$0x14C70] =	vst v1  }
0x1b1: {  	[tilespmem:s5+$0x15000] =	vst v1  }
0x1b2: {  	[tilespmem:s5+$0x15010] =	vst v1  }
0x1b3: {  	[tilespmem:s5+$0x15020] =	vst v1  }
0x1b4: {  	[tilespmem:s5+$0x15030] =	vst v1  }
0x1b5: {  	[tilespmem:s5+$0x15040] =	vst v1  }
0x1b6: {  	[tilespmem:s5+$0x15050] =	vst v1  }
0x1b7: {  	[tilespmem:s5+$0x15060] =	vst v1  }
0x1b8: {  	[tilespmem:s5+$0x15070] =	vst v1  }
0x1b9: {  	[tilespmem:s5+$0x15400] =	vst v1  }
0x1ba: {  	[tilespmem:s5+$0x15410] =	vst v1  }
0x1bb: {  	[tilespmem:s5+$0x15420] =	vst v1  }
0x1bc: {  	[tilespmem:s5+$0x15430] =	vst v1  }
0x1bd: {  	[tilespmem:s5+$0x15440] =	vst v1  }
0x1be: {  	[tilespmem:s5+$0x15450] =	vst v1  }
0x1bf: {  	[tilespmem:s5+$0x15460] =	vst v1  }
0x1c0: {  	[tilespmem:s5+$0x15470] =	vst v1  }
0x1c1: {  	[tilespmem:s5+$0x15800] =	vst v1  }
0x1c2: {  	[tilespmem:s5+$0x15810] =	vst v1  }
0x1c3: {  	[tilespmem:s5+$0x15820] =	vst v1  }
0x1c4: {  	[tilespmem:s5+$0x15830] =	vst v1  }
0x1c5: {  	s26 =	sand.u32 $0x7, s9;
	[tilespmem:s5+$0x15840] =	vst v1  }
0x1c6: {  	s14 =	sshll.u32 s26, $0x7;
	[tilespmem:s5+$0x15850] =	vst v1  }
0x1c7: {  	s14 =	sadd.s32 s14, s12;
	[tilespmem:s5+$0x15860] =	vst v1  }
0x1c8: {  	[tilespmem:s5+$0x15870] =	vst v1;
	s28 =	sor.u32 $0x1C00, s14  }
0x1c9: {  	s15 =	sor.u32 $0x1C10, s14;
	[tilespmem:s28+$0x14000] =	vst v1  }
0x1ca: {  	p0 =	sne.s32 s13, $0x780;
	s21 =	sor.u32 $0x1C20, s14;
	[tilespmem:s15+$0x14000] =	vst v1  }
.Ltmp3:
0x1cb: {  	s22 =	sor.u32 $0x1C30, s14;
	[tilespmem:s21+$0x14000] =	vst v1;
	(pc) =	sbr.rel @p0 .LBB2_9-.Ltmp3, $4  }
0x1cc: {  	s23 =	sor.u32 $0x1C40, s14;
	[tilespmem:s22+$0x14000] =	vst v1  }
0x1cd: {  	s26 =	sor.u32 $0x1C50, s14;
	[tilespmem:s23+$0x14000] =	vst v1  }
0x1ce: {  	s9 =	sadd.s32 $0x1, s9;
	s28 =	sor.u32 $0x1C60, s14;
	[tilespmem:s26+$0x14000] =	vst v1  }
0x1cf: {  	s8 =	sadd.s32 $0x400, s8;
	s13 =	sadd.s32 $0x80, s13;
	s12 =	sadd.s32 $0x400, s12;
	[tilespmem:s28+$0x14000] =	vst v1  }
0x1d0: {  	s21 =	simm.s32 $0x0;
	s22 =	simm.s32 $0x0  }
.LBB2_11:
0x1d1: {  	s5 =	sshll.u32 s21, $0x2;
	s8 =	sand.u32 $0x7, s2  }
0x1d2: {  	s5 =	sand.u32 $0xFFFF8000, s5;
	s8 =	sshll.u32 s8, $0x9  }
0x1d3: {  	s5 =	sor.u32 s8, s5  }
0x1d4: {  	s5 =	sshrl.u32 s5, $0x2  }
0x1d5: {  	s15 =	sadd.s32 $0xC040, s5  }
0x1d6: {  	s12 =	sadd.s32 $0x10040, s5;
	v9 =	vld [tilespmem:s15+$0xFFFFFFC0]  }
0x1d7: {  	v10 =	vld [tilespmem:s12+$0xFFFFFFC0]  }
0x1d8: {  	v11 =	vld [tilespmem:s15+$0xFFFFFFD0]  }
0x1d9: {  	v12 =	vld [tilespmem:s12+$0xFFFFFFD0]  }
0x1da: {  	v13 =	vld [tilespmem:s15+$0xFFFFFFE0]  }
0x1db: {  	v14 =	vld [tilespmem:s12+$0xFFFFFFE0]  }
0x1dc: {  	v16 =	vld [tilespmem:s12+$0xFFFFFFF0];
	v9 =	vadd.f32 v10, v9  }
0x1dd: {  	v15 =	vimm.f32 $-Inf;
	v10 =	vld [tilespmem:s15+$0xFFFFFFF0]  }
0x1de: {  	v17 =	vld [tilespmem:s15+$0x0];
	v11 =	vadd.f32 v12, v11;
	vm1 =	vgt.f32 v9, v15  }
0x1df: {  	v12 =	vsel vm1, v9, v15;
	v15 =	vld [tilespmem:s12+$0x0]  }
0x1e0: {  	v14 =	vadd.f32 v14, v13;
	v13 =	vld [tilespmem:s12+$0x10];
	vm2 =	vgt.f32 v11, v12  }
0x1e1: {  	v18 =	vimm.s32 $0x0;
	s14 =	simm.s32 $0x0;
	v9 =	vld [tilespmem:s15+$0x10];
	v11 =	vsel vm2, v11, v12  }
0x1e2: {  	s23 =	simm.s32 $0x10;
	v12 =	vsel vm1, s14, v18;
	v18 =	vadd.f32 v16, v10;
	v10 =	vld [tilespmem:s15+$0x20];
	vm1 =	vgt.f32 v14, v11  }
0x1e3: {  	s13 =	sshll.u32 s22, $0xA;
	s26 =	sshll.u32 s22, $0x7;
	s9 =	simm.s32 $0x20;
	v12 =	vsel vm2, s23, v12;
	v11 =	vsel vm1, v14, v11;
	v14 =	vld [tilespmem:s12+$0x20]  }
0x1e4: {  	s28 =	simm.s32 $0x30;
	s8 =	sand.u32 $0x2000, s13;
	s14 =	simm.s32 $0x0;
	v19 =	vsel vm1, s9, v12;
	v12 =	vld [tilespmem:s15+$0x30];
	vm1 =	vgt.f32 v18, v11;
	v16 =	vadd.f32 v15, v17  }
0x1e5: {  	s23 =	sand.u32 $0x380, s26;
	s9 =	simm.s32 $0x70;
	s15 =	sadd.s32 $0x400, s15;
	v15 =	vld [tilespmem:s12+$0x30];
	v17 =	vsel vm1, v18, v11;
	v11 =	vsel vm1, s28, v19  }
.LBB2_12:
0x1e6: {  	v18 =	vld [tilespmem:s15+$0xFFFFFFC0];
	s5 =	sadd.s32 $0xFFFFFFD0, s9;
	vm1 =	vgt.f32 v16, v17;
	v9 =	vadd.f32 v13, v9;
	s12 =	sadd.s32 $0x400, s12  }
0x1e7: {  	s14 =	sadd.s32 $0x8, s14;
	v13 =	vld [tilespmem:s12+$0xFFFFFFC0];
	v16 =	vsel vm1, v16, v17;
	v11 =	vsel vm1, s5, v11  }
0x1e8: {  	p0 =	slt.u32 s14, $0x30;
	s5 =	sadd.s32 $0xFFFFFFE0, s9;
	v17 =	vld [tilespmem:s15+$0xFFFFFFD0];
	vm1 =	vgt.f32 v9, v16;
	v10 =	vadd.f32 v14, v10  }
0x1e9: {  	v14 =	vld [tilespmem:s12+$0xFFFFFFD0];
	v9 =	vsel vm1, v9, v16;
	v11 =	vsel vm1, s5, v11  }
0x1ea: {  	s5 =	sadd.s32 $0xFFFFFFF0, s9;
	v16 =	vld [tilespmem:s15+$0xFFFFFFE0];
	vm1 =	vgt.f32 v10, v9;
	v12 =	vadd.f32 v15, v12  }
0x1eb: {  	v15 =	vld [tilespmem:s12+$0xFFFFFFE0];
	v9 =	vsel vm1, v10, v9;
	v10 =	vsel vm1, s5, v11  }
0x1ec: {  	v11 =	vadd.f32 v13, v18;
	v18 =	vld [tilespmem:s15+$0xFFFFFFF0];
	vm1 =	vgt.f32 v12, v9  }
0x1ed: {  	v19 =	vld [tilespmem:s12+$0xFFFFFFF0];
	v9 =	vsel vm1, v12, v9;
	v10 =	vsel vm1, s9, v10;
	s9 =	sadd.s32 $0x80, s9  }
0x1ee: {  	s5 =	sadd.s32 $0xFFFFFF90, s9;
	vm1 =	vgt.f32 v11, v9;
	v12 =	vadd.f32 v14, v17;
	v17 =	vld [tilespmem:s15+$0x0]  }
0x1ef: {  	v11 =	vsel vm1, v11, v9;
	v10 =	vsel vm1, s5, v10;
	v20 =	vld [tilespmem:s12+$0x0]  }
0x1f0: {  	s5 =	sadd.s32 $0xFFFFFFA0, s9;
	vm1 =	vgt.f32 v12, v11;
	v14 =	vadd.f32 v15, v16;
	v9 =	vld [tilespmem:s15+$0x10]  }
.Ltmp4:
0x1f1: {  	v11 =	vsel vm1, v12, v11;
	v12 =	vsel vm1, s5, v10;
	v13 =	vld [tilespmem:s12+$0x10];
	(pc) =	sbr.rel @p0 .LBB2_12-.Ltmp4, $4  }
0x1f2: {  	s5 =	sadd.s32 $0xFFFFFFB0, s9;
	vm1 =	vgt.f32 v14, v11;
	v15 =	vadd.f32 v19, v18;
	v10 =	vld [tilespmem:s15+$0x20]  }
0x1f3: {  	v11 =	vsel vm1, v14, v11;
	v18 =	vsel vm1, s5, v12;
	v14 =	vld [tilespmem:s12+$0x20]  }
0x1f4: {  	s5 =	sadd.s32 $0xFFFFFFC0, s9;
	vm1 =	vgt.f32 v15, v11;
	v16 =	vadd.f32 v20, v17;
	v12 =	vld [tilespmem:s15+$0x30]  }
0x1f5: {  	s15 =	sadd.s32 $0x400, s15;
	v17 =	vsel vm1, v15, v11;
	v11 =	vsel vm1, s5, v18;
	v15 =	vld [tilespmem:s12+$0x30]  }
0x1f6: {  	s5 =	sor.u32 s13, s23  }
0x1f7: {  	s12 =	sor.u32 $0x1C00, s5  }
0x1f8: {  	v18 =	vld [tilespmem:s12+$0xC000]  }
0x1f9: {  	vm1 =	vgt.f32 v16, v17;
	v9 =	vadd.f32 v13, v9;
	s14 =	sor.u32 $0x1C10, s5;
	v50 =	vld [tilespmem:s12+$0x10000]  }
0x1fa: {  	v16 =	vsel vm1, v16, v17;
	v51 =	vld [tilespmem:s14+$0xC000]  }
0x1fb: {  	s15 =	sor.u32 $0x1C20, s5;
	vm2 =	vgt.f32 v9, v16;
	v10 =	vadd.f32 v14, v10;
	v52 =	vld [tilespmem:s14+$0x10000]  }
0x1fc: {  	v53 =	vld [tilespmem:s15+$0xC000];
	v9 =	vsel vm2, v9, v16  }
0x1fd: {  	s26 =	sor.u32 $0x1C30, s5;
	v54 =	vld [tilespmem:s15+$0x10000];
	vm3 =	vgt.f32 v10, v9;
	v12 =	vadd.f32 v15, v12  }
0x1fe: {  	s28 =	sor.u32 $0x1C40, s5;
	v55 =	vld [tilespmem:s26+$0x10000];
	v9 =	vsel vm3, v10, v9  }
0x1ff: {  	v56 =	vld [tilespmem:s28+$0xC000];
	vm4 =	vgt.f32 v12, v9;
	v13 =	vadd.f32 v50, v18  }
0x200: {  	v10 =	vld [tilespmem:s26+$0xC000];
	v9 =	vsel vm4, v12, v9  }
0x201: {  	s13 =	sor.u32 $0x1C50, s5;
	v57 =	vld [tilespmem:s28+$0x10000];
	v14 =	vadd.f32 v52, v51;
	vm5 =	vgt.f32 v13, v9  }
0x202: {  	v58 =	vld [tilespmem:s13+$0xC000];
	v9 =	vsel vm5, v13, v9  }
0x203: {  	s5 =	sor.u32 $0x1C60, s5;
	v59 =	vld [tilespmem:s13+$0x10000];
	v15 =	vadd.f32 v54, v53;
	vm6 =	vgt.f32 v14, v9  }
0x204: {  	v60 =	vld [tilespmem:s5+$0xC000];
	v9 =	vsel vm6, v14, v9  }
0x205: {  	s14 =	sadd.s32 $0xFFFFFFD0, s9;
	v61 =	vld [tilespmem:s5+$0x10000];
	v10 =	vadd.f32 v55, v10;
	vm7 =	vgt.f32 v15, v9  }
0x206: {  	s15 =	sadd.s32 $0xFFFFFFE0, s9;
	v11 =	vsel vm1, s14, v11;
	v9 =	vsel vm7, v15, v9  }
0x207: {  	v11 =	vsel vm2, s15, v11;
	s26 =	sadd.s32 $0xFFFFFFF0, s9;
	v12 =	vadd.f32 v57, v56;
	vm1 =	vgt.f32 v10, v9  }
0x208: {  	v11 =	vsel vm3, s26, v11;
	v9 =	vsel vm1, v10, v9  }
0x209: {  	v10 =	vsel vm4, s9, v11;
	v11 =	vadd.f32 v59, v58;
	vm2 =	vgt.f32 v12, v9  }
0x20a: {  	v62 =	vadd.f32 v61, v60;
	v10 =	vadd.s32 v0, v10;
	v9 =	vsel vm2, v12, v9  }
0x20b: {  	v10 =	vsel vm5, v2, v10;
	vm3 =	vgt.f32 v11, v9  }
0x20c: {  	v10 =	vsel vm6, v3, v10;
	v9 =	vsel vm3, v11, v9;
	v11 =	vnsel vm0, $0xFF800000, v62  }
0x20d: {  	v10 =	vsel vm7, v4, v10;
	vm15 =	vgt.f32 v11, v9  }
0x20e: {  	v10 =	vsel vm1, v5, v10;
	v9 =	vsel vm15, v11, v9  }
0x20f: {  	v63 =	vsel vm2, v6, v10;
	vm1 =	vlt.s32 v9, $0x0;
	v11 =	vxor.u32 $0x7FFFFFFF, v9  }
0x210: {  	v10 =	vsel vm1, v11, v9;
	v9 =	vsel vm3, v7, v63  }
0x211: {  	v9 =	vsel vm15, v8, v9;
	(v2sf) =	vpush v10, $0x0  }
0x212: {  	(v2sf) =	vpush v9, $0x0  }
0x213: {  	(v2sf) =	vpush v10, $0x1  }
0x214: {  	(v2sf) =	vpush v9, $0x1;
	_ =	sdelay $0x4  }
0x215: {  	(v2sf) =	vpush v10, $0x2  }
0x216: {  	(v2sf) =	vpush v9, $0x2;
	_ =	sdelay $0x4  }
0x217: {  	(v2sf) =	vpush v10, $0x3  }
0x218: {  	s12 =	spop (v2sf);
	(v2sf) =	vpush v9, $0x3  }
0x219: {  	s9 =	spop (v2sf)  }
0x21a: {  	s5 =	spop (v2sf)  }
0x21b: {  	s13 =	spop (v2sf)  }
0x21c: {  	p0 =	seq.s32 s5, s12;
	p1 =	slt.s32 s13, s9  }
0x21d: {  	(v2sf) =	vpush v10, $0x4;
	p0 =	por !p1, !p0  }
0x21e: {  	(v2sf) =	vpush v9, $0x4;
	p6 =	sgt.s32 s5, s12;
	p0 =	por !p0, !p0  }
0x21f: {  	p0 =	por p6, p0  }
0x220: {  	s12 =	smov.u32 @p0 s5;
	s5 =	spop (v2sf)  }
0x221: {  	s9 =	smov.u32 @p0 s13;
	s13 =	spop (v2sf)  }
0x222: {  	p1 =	seq.s32 s5, s12;
	p2 =	slt.s32 s13, s9  }
0x223: {  	(v2sf) =	vpush v10, $0x5;
	p0 =	por !p1, !p2  }
0x224: {  	(v2sf) =	vpush v9, $0x5;
	p3 =	sgt.s32 s5, s12;
	p0 =	por !p0, !p0  }
0x225: {  	p0 =	por p3, p0  }
0x226: {  	s12 =	smov.u32 @p0 s5;
	s5 =	spop (v2sf)  }
0x227: {  	s9 =	smov.u32 @p0 s13;
	s13 =	spop (v2sf)  }
0x228: {  	p4 =	seq.s32 s5, s12;
	p5 =	slt.s32 s13, s9  }
0x229: {  	(v2sf) =	vpush v10, $0x6;
	p0 =	por !p4, !p5  }
0x22a: {  	p6 =	sgt.s32 s5, s12;
	(v2sf) =	vpush v9, $0x6;
	p0 =	por !p0, !p0  }
0x22b: {  	p0 =	por p6, p0  }
0x22c: {  	s12 =	smov.u32 @p0 s5;
	s5 =	spop (v2sf)  }
0x22d: {  	s9 =	smov.u32 @p0 s13;
	s13 =	spop (v2sf)  }
0x22e: {  	p1 =	seq.s32 s5, s12;
	p2 =	slt.s32 s13, s9  }
0x22f: {  	(v2sf) =	vpush v10, $0x7;
	p0 =	por !p1, !p2  }
0x230: {  	p3 =	sgt.s32 s5, s12;
	(v2sf) =	vpush v9, $0x7;
	p0 =	por !p0, !p0  }
0x231: {  	p0 =	por p3, p0  }
0x232: {  	s12 =	smov.u32 @p0 s5;
	s5 =	spop (v2sf)  }
0x233: {  	s9 =	smov.u32 @p0 s13;
	s13 =	spop (v2sf)  }
0x234: {  	p4 =	seq.s32 s5, s12;
	p5 =	slt.s32 s13, s9  }
0x235: {  	(v2sf) =	vpush v10, $0x8;
	p0 =	por !p4, !p5  }
0x236: {  	p6 =	sgt.s32 s5, s12;
	(v2sf) =	vpush v9, $0x8;
	p0 =	por !p0, !p0  }
0x237: {  	p0 =	por p6, p0  }
0x238: {  	s12 =	smov.u32 @p0 s5;
	s5 =	spop (v2sf)  }
0x239: {  	s9 =	smov.u32 @p0 s13;
	s13 =	spop (v2sf)  }
0x23a: {  	p1 =	seq.s32 s5, s12;
	p2 =	slt.s32 s13, s9  }
0x23b: {  	(v2sf) =	vpush v10, $0x9;
	p0 =	por !p1, !p2  }
0x23c: {  	p3 =	sgt.s32 s5, s12;
	(v2sf) =	vpush v9, $0x9;
	p0 =	por !p0, !p0  }
0x23d: {  	p0 =	por p3, p0  }
0x23e: {  	s12 =	smov.u32 @p0 s5;
	s5 =	spop (v2sf)  }
0x23f: {  	s9 =	smov.u32 @p0 s13;
	s13 =	spop (v2sf)  }
0x240: {  	p4 =	seq.s32 s5, s12;
	p5 =	slt.s32 s13, s9  }
0x241: {  	(v2sf) =	vpush v10, $0xA;
	p0 =	por !p4, !p5  }
0x242: {  	p6 =	sgt.s32 s5, s12;
	(v2sf) =	vpush v9, $0xA;
	p0 =	por !p0, !p0  }
0x243: {  	p0 =	por p6, p0  }
0x244: {  	s12 =	smov.u32 @p0 s5;
	s5 =	spop (v2sf)  }
0x245: {  	s9 =	smov.u32 @p0 s13;
	s13 =	spop (v2sf)  }
0x246: {  	p1 =	seq.s32 s5, s12;
	p2 =	slt.s32 s13, s9  }
0x247: {  	(v2sf) =	vpush v10, $0xB;
	p0 =	por !p1, !p2  }
0x248: {  	p3 =	sgt.s32 s5, s12;
	(v2sf) =	vpush v9, $0xB;
	p0 =	por !p0, !p0  }
0x249: {  	p0 =	por p3, p0  }
0x24a: {  	s12 =	smov.u32 @p0 s5;
	s5 =	spop (v2sf)  }
0x24b: {  	s9 =	smov.u32 @p0 s13;
	s13 =	spop (v2sf)  }
0x24c: {  	p4 =	seq.s32 s5, s12;
	p5 =	slt.s32 s13, s9  }
0x24d: {  	(v2sf) =	vpush v10, $0xC;
	p0 =	por !p4, !p5  }
0x24e: {  	p6 =	sgt.s32 s5, s12;
	(v2sf) =	vpush v9, $0xC;
	p0 =	por !p0, !p0  }
0x24f: {  	p0 =	por p6, p0  }
0x250: {  	s12 =	smov.u32 @p0 s5;
	s5 =	spop (v2sf)  }
0x251: {  	s9 =	smov.u32 @p0 s13;
	s13 =	spop (v2sf)  }
0x252: {  	p1 =	seq.s32 s5, s12;
	p2 =	slt.s32 s13, s9  }
0x253: {  	(v2sf) =	vpush v10, $0xD;
	p0 =	por !p1, !p2  }
0x254: {  	p3 =	sgt.s32 s5, s12;
	(v2sf) =	vpush v9, $0xD;
	p0 =	por !p0, !p0  }
0x255: {  	p0 =	por p3, p0  }
0x256: {  	s12 =	smov.u32 @p0 s5;
	s5 =	spop (v2sf)  }
0x257: {  	s9 =	smov.u32 @p0 s13;
	s13 =	spop (v2sf)  }
0x258: {  	p4 =	seq.s32 s5, s12;
	p5 =	slt.s32 s13, s9  }
0x259: {  	(v2sf) =	vpush v10, $0xE;
	p0 =	por !p4, !p5  }
0x25a: {  	p6 =	sgt.s32 s5, s12;
	(v2sf) =	vpush v9, $0xE;
	p0 =	por !p0, !p0  }
0x25b: {  	p0 =	por p6, p0  }
0x25c: {  	s12 =	smov.u32 @p0 s5;
	s5 =	spop (v2sf)  }
0x25d: {  	s9 =	smov.u32 @p0 s13;
	s13 =	spop (v2sf)  }
0x25e: {  	p1 =	seq.s32 s5, s12;
	p2 =	slt.s32 s13, s9  }
0x25f: {  	(v2sf) =	vpush v10, $0xF;
	p0 =	por !p1, !p2  }
0x260: {  	p3 =	sgt.s32 s5, s12;
	(v2sf) =	vpush v9, $0xF;
	p0 =	por !p0, !p0  }
0x261: {  	p0 =	por p3, p0  }
0x262: {  	s12 =	smov.u32 @p0 s5;
	s5 =	spop (v2sf)  }
0x263: {  	s9 =	smov.u32 @p0 s13;
	s13 =	spop (v2sf)  }
0x264: {  	p4 =	seq.s32 s5, s12;
	p5 =	slt.s32 s13, s9  }
0x265: {  	p0 =	por !p4, !p5  }
0x266: {  	p6 =	sgt.s32 s5, s12;
	p0 =	por !p0, !p0  }
0x267: {  	p0 =	por p6, p0  }
0x268: {  	s12 =	smov.u32 @p0 s5;
	s5 =	spop (v2sf)  }
0x269: {  	s9 =	smov.u32 @p0 s13;
	s13 =	spop (v2sf)  }
0x26a: {  	p1 =	seq.s32 s5, s12;
	p2 =	slt.s32 s13, s9  }
0x26b: {  	p0 =	por !p1, !p2  }
0x26c: {  	p3 =	sgt.s32 s5, s12;
	p0 =	por !p0, !p0  }
0x26d: {  	p0 =	por p3, p0  }
0x26e: {  	s12 =	smov.u32 @p0 s5;
	s5 =	spop (v2sf)  }
0x26f: {  	s9 =	smov.u32 @p0 s13;
	s13 =	spop (v2sf)  }
0x270: {  	p4 =	seq.s32 s5, s12;
	p5 =	slt.s32 s13, s9  }
0x271: {  	p0 =	por !p4, !p5  }
0x272: {  	p6 =	sgt.s32 s5, s12;
	p0 =	por !p0, !p0  }
0x273: {  	p0 =	por p6, p0  }
0x274: {  	s22 =	sadd.s32 $0x1, s22;
	s12 =	smov.u32 @p0 s5  }
0x275: {  	s9 =	smov.u32 @p0 s13;
	p0 =	seq.s32 s12, $0x7F800000;
	s12 =	simm.f32 $0.0e+00  }
0x276: {  	s28 =	sshll.u32 s9, $0x3;
	s12 =	simm.s32 @!p0 $0x3F800000;
	p0 =	sne.s32 s22, $0x10  }
.Ltmp5:
0x277: {  	s13 =	sand.u32 $0xF, s9;
	s5 =	sand.u32 $0xFFFFFC00, s28;
	(pc) =	sbr.rel @p0 .LBB2_11-.Ltmp5, $4  }
0x278: {  	s9 =	sand.u32 $0x70, s9;
	v9 =	vmov s13;
	s5 =	sadd.s32 s5, s8  }
0x279: {  	vm1 =	veq.s32 v9, v0;
	v9 =	vmov s12;
	s5 =	sadd.s32 s9, s5  }
0x27a: {  	v9 =	vnsel vm1, $0x0, v9;
	s5 =	sadd.s32 s23, s5  }
0x27b: {  	s21 =	sadd.s32 $0x400, s21;
	s2 =	sadd.s32 $0x1, s2;
	[tilespmem:s5+$0x14000] =	vst v9  }
0x27c: {  	s2 =	sadd.s32 s6, s29;
	s5 =	simm.s32 $0x14000;
	s20 =	sadd.s32 $0x1, s20  }
0x27d: {  	[hbm4b:s2+s1] =	stream.linear.scatter [tilespmem:s5], [sflag:$0x6], $0x1C00, $0x38;
	[tilespmem:$0x18000] =	vst v63  }
0x27e: {  	s26 =	sadd.s32 s6, s30;
	s28 =	simm.s32 $0x15C00;
	p0 =	sne.s32 s20, $0x10  }
0x27f: {  	[hbm4b:s26+s1] =	stream.linear.scatter [tilespmem:s28], [sflag:$0x6], $0x400, $0x38;
	[tilespmem:$0x18000] =	vst v63  }
.Ltmp6:
0x280: {  	_ = 	snop;
	(pc) =	sbr.rel @p0 .LBB2_2-.Ltmp6, $4  }
0x281: {  	s29 =	sadd.s32 s6, s31;
	s30 =	simm.s32 $0x16000  }
0x282: {  	[hbm4b:s29+s1] =	stream.linear.scatter [tilespmem:s30], [sflag:$0x6], $0x1C00, $0x38;
	[tilespmem:$0x18000] =	vst v63  }
0x283: {  	s0 =	sadd.s32 s6, s0;
	s31 =	simm.s32 $0x17C00  }
0x284: {  	[hbm4b:s0+s1] =	stream.linear.scatter [tilespmem:s31], [sflag:$0x6], $0x400, $0x38;
	[tilespmem:$0x18000] =	vst v63  }
0x285: {  	s0 =	simm.s32 $0x3  }
0x286: {  	_ =	swait.ge [sflag:s0], $0x1C00  }
0x287: {  	[sflag:s0] =	ssyncset.done $0x0  }
0x288: {  	[sflag:s0] =	ssyncadd.s32 $0xFFFFE400  }
0x289: {  	_ =	swait.ge [sflag:s0], $0x400  }
0x28a: {  	[sflag:s0] =	ssyncset.done $0x0  }
0x28b: {  	[sflag:s0] =	ssyncadd.s32 $0xFFFFFC00  }
0x28c: {  	_ =	swait.ge [sflag:s0], $0x1C00  }
0x28d: {  	[sflag:s0] =	ssyncset.done $0x0  }
0x28e: {  	[sflag:s0] =	ssyncadd.s32 $0xFFFFE400  }
0x28f: {  	_ =	swait.ge [sflag:s0], $0x400  }
0x290: {  	[sflag:s0] =	ssyncset.done $0x0  }
0x291: {  	s2 =	simm.s32 $0x6;
	[sflag:s0] =	ssyncadd.s32 $0xFFFFFC00  }
0x292: {  	_ =	swait.ge [sflag:s2], $0x1C00  }
0x293: {  	[sflag:s2] =	ssyncset.done $0x0  }
0x294: {  	[sflag:s2] =	ssyncadd.s32 $0xFFFFE400  }
0x295: {  	_ =	swait.ge [sflag:s2], $0x400  }
0x296: {  	[sflag:s2] =	ssyncset.done $0x0  }
0x297: {  	[sflag:s2] =	ssyncadd.s32 $0xFFFFFC00  }
0x298: {  	_ =	swait.ge [sflag:s2], $0x1C00  }
0x299: {  	[sflag:s2] =	ssyncset.done $0x0  }
0x29a: {  	[sflag:s2] =	ssyncadd.s32 $0xFFFFE400  }
0x29b: {  	_ =	swait.ge [sflag:s2], $0x400  }
0x29c: {  	s5 =	rddreg [dreg:$0xc]  }
0x29d: {  	s31 =	rddreg [dreg:$0xb];
	s5 =	sadd.s32 $0x1, s5  }
0x29e: {  	p0 =	sne.s32 s5, s31  }
.Ltmp7:
0x29f: {  	_ = 	snop;
	(pc) =	sbr.rel @p0 .LBB2_1-.Ltmp7, $3  }
0x2a0: {  	_ =	sdelay $0x1  }
0x2a1: {  	[sflag:s2] =	ssyncset.done $0x0  }
0x2a2: {  	[sflag:s2] =	ssyncadd.s32 $0xFFFFFC00  }
0x2a3: {  	_ =	sfence.sel $0x180000  }
0x2a4: {  	[bflag:$0x0] =	sbarrier.arrive $0xFFFF  }
0x2a5: {  	_ =	strace $0x90000047  }
0x2a6: {  	s0 =	stileid.u32;
	[bflag:$0x2] =	sbarrier.arrive $0xFFFF  }
0x2a7: {  	p0 =	sne.s32 s0, $0x0;
	s0 =	rddreg [dreg:$0x1]  }
0x2a8: {  	s0 =	sadd.s32 @!p0 $0x100000, s0  }
0x2a9: {  	[sflag:s0] =	ssyncadd.tile.s32 @!p0 $0x1;
	_ =	shalt  }
.Lfunc_end2:
_tile_overlayer_lowered:
.L_overlay_start_2:
0x2aa: {  	(tag) =	ssettag $0x2  }
0x2ab: {  	s0 =	rddreg [dreg:$0x0];
	s2 =	stileid.u32  }
0x2ac: {  	s1 =	rddreg [dreg:$0x1];
	p0 =	sne.s32 s2, $0x0  }
0x2ad: {  	s3 =	rddreg [dreg:$0x2];
	[bflag:$0x3] =	sbarrier.arrive $0xFFFF;
	s2 =	simm.s32 @!p0 $0x1C07  }
0x2ae: {  	[timem:s3], [sflag:s2] =	dma.local @!p0 [hbm:s0], s1  }
0x2af: {  	s0 =	simm.s32 @!p0 $0x7  }
0x2b0: {  	_ =	swait.ge @!p0 [sflag:s0], s1  }
0x2b1: {  	s1 =	ssub.s32 @!p0 $0x0, s1;
	[sflag:s0] =	ssyncset.done @!p0 $0x0  }
0x2b2: {  	[sflag:s0] =	ssyncadd.s32 @!p0 s1  }
0x2b3: {  	[bflag:$0x3] =	sbarrier.arrive $0xFFFF  }
0x2b4: {  	_ =	shalt  }

</sc_bundles>
